<compile_context>
chip_gen: v7x
topology: tpu7x:2x2x1
jax: 0.10.2.dev20260603
libtpu: 0.0.44.dev20260713+nightly
codegen_flags: <defaults>
</compile_context>

<pallas_src>
import jax
import jax.numpy as jnp
import numpy as np
from jax import lax
from jax.experimental import pallas as pl
from jax.experimental.pallas import tpu as pltpu
from jax.experimental.pallas import tpu_sc as plsc

N = 10000
H = 256
HH = 128
E = 160000
NP = 10240
NPC = 10112
EPAD = 180224
NSUB = 16
NCORE = 2
TE = EPAD // NSUB
NCH = TE // 128
RPTA = NP // NSUB
RPT = NPC // NSUB

_mesh = plsc.VectorSubcoreMesh(
    core_axis_name="c", subcore_axis_name="s",
    num_cores=NCORE, num_subcores=NSUB)


def _hist_combine(hist_v, cb_v, out_v, sp_hist, s):
    pltpu.sync_copy(hist_v, sp_hist.at[s])
    plsc.subcore_barrier()
    rbase = s * RPTA
    for tt in range(NSUB):
        pltpu.sync_copy(sp_hist.at[tt, pl.ds(rbase, RPTA)], cb_v.at[tt])

    def cbody(j, carry):
        sl = pl.ds(j * 16, 16)
        acc = cb_v[0, sl]
        for tt in range(1, NSUB):
            acc = acc + cb_v[tt, sl]
        out_v[sl] = acc
        return carry
    lax.fori_loop(0, RPTA // 16, cbody, 0)
    return rbase


def _deg_body(dst_hbm, src_hbm, perm_hbm, zeros_hbm,
              deg_hbm, degp_hbm, psrc_hbm,
              dst_v, src_v, perm_v, psrc_v, hist_v, cb_v, out_v, sp_hist):
    c = lax.axis_index("c")
    s = lax.axis_index("s")
    base = s * TE
    pltpu.sync_copy(dst_hbm.at[pl.ds(base, TE)], dst_v)
    pltpu.sync_copy(zeros_hbm, hist_v)
    ones = jnp.ones((16,), jnp.float32)

    @pl.when(c == 0)
    def _():
        def body(i, carry):
            idx = dst_v[pl.ds(i * 16, 16)]
            plsc.addupdate_scatter(hist_v, [idx], ones)
            return carry
        lax.fori_loop(0, TE // 16, body, 0)

    @pl.when(c == 1)
    def _():
        pltpu.sync_copy(src_hbm.at[pl.ds(base, TE)], src_v)
        pltpu.sync_copy(perm_hbm, perm_v)

        def body(i, carry):
            sl = pl.ds(i * 16, 16)
            pdst = plsc.load_gather(perm_v, [dst_v[sl]])
            plsc.addupdate_scatter(hist_v, [pdst], ones)
            psrc_v[sl] = plsc.load_gather(perm_v, [src_v[sl]])
            return carry
        lax.fori_loop(0, TE // 16, body, 0)
        pltpu.sync_copy(psrc_v, psrc_hbm.at[pl.ds(base, TE)])

    rbase = _hist_combine(hist_v, cb_v, out_v, sp_hist, s)

    @pl.when(c == 0)
    def _():
        pltpu.sync_copy(out_v, deg_hbm.at[pl.ds(rbase, RPTA)])

    @pl.when(c == 1)
    def _():
        pltpu.sync_copy(out_v, degp_hbm.at[pl.ds(rbase, RPTA)])


_deg_kernel = pl.kernel(
    _deg_body,
    out_type=[jax.ShapeDtypeStruct((NP,), jnp.float32),
              jax.ShapeDtypeStruct((NP,), jnp.float32),
              jax.ShapeDtypeStruct((EPAD,), jnp.int32)],
    mesh=_mesh,
    compiler_params=pltpu.CompilerParams(needs_layout_passes=False),
    scratch_types=[pltpu.VMEM((TE,), jnp.int32),
                   pltpu.VMEM((TE,), jnp.int32),
                   pltpu.VMEM((NP,), jnp.int32),
                   pltpu.VMEM((TE,), jnp.int32),
                   pltpu.VMEM((NP,), jnp.float32),
                   pltpu.VMEM((NSUB, RPTA), jnp.float32),
                   pltpu.VMEM((RPTA,), jnp.float32),
                   pltpu.VMEM_SHARED((NSUB, NP), jnp.float32)],
)


CPR = 8
RNDS = NCH // CPR


def _agg_body(hcat, gix_hbm, dst3, zer_hbm, acc4,
              ixq, dxv, bufs, sems, ssem, acc_sh):
    c = lax.axis_index("c")
    s = lax.axis_index("s")
    rbase = s * RPT
    pltpu.sync_copy(dst3.at[s], dxv)

    def phase_body(p, carry):
        slot = p * 2 + c
        pltpu.sync_copy(zer_hbm, acc_sh.at[pl.ds(rbase, RPT)])
        plsc.subcore_barrier()
        pltpu.sync_copy(gix_hbm.at[slot, s, pl.ds(0, CPR)], ixq.at[0])
        pltpu.async_copy(gix_hbm.at[slot, s, pl.ds(CPR, CPR)], ixq.at[1],
                         ssem)

        def prime(k, carry2):
            pltpu.async_copy(hcat.at[ixq.at[0, k]], bufs.at[k], sems.at[k])
            return carry2
        lax.fori_loop(0, 2, prime, 0)

        def body(k, carry2):
            r = lax.div(k, CPR)
            j = lax.rem(k, CPR)
            rp = lax.rem(r, 2)
            par = lax.rem(k, 2)
            k2 = k + 2
            pltpu.make_async_copy(hcat.at[ixq.at[rp, j]], bufs.at[par],
                                  sems.at[par]).wait()
            pltpu.sync_copy(bufs.at[par], acc_sh.at[dxv.at[k]], add=True)

            @pl.when((j == CPR - 2) & (r + 1 < RNDS))
            def _():
                pltpu.make_async_copy(
                    gix_hbm.at[slot, s, pl.ds((r + 1) * CPR, CPR)],
                    ixq.at[1 - rp], ssem).wait()

            @pl.when((j == CPR - 2) & (r + 2 < RNDS))
            def _():
                pltpu.async_copy(
                    gix_hbm.at[slot, s, pl.ds((r + 2) * CPR, CPR)],
                    ixq.at[rp], ssem)

            @pl.when(k2 < NCH)
            def _():
                r2 = lax.div(k2, CPR)
                j2 = lax.rem(k2, CPR)
                pltpu.async_copy(hcat.at[ixq.at[lax.rem(r2, 2), j2]],
                                 bufs.at[par], sems.at[par])
            return carry2
        lax.fori_loop(0, NCH, body, 0)
        plsc.subcore_barrier()
        pltpu.sync_copy(acc_sh.at[pl.ds(rbase, RPT)],
                        acc4.at[slot, pl.ds(rbase, RPT)])
        return carry

    lax.fori_loop(0, 2, phase_body, 0)


_agg_kernel = pl.kernel(
    _agg_body,
    out_type=[jax.ShapeDtypeStruct((4, NPC, HH), jnp.float32)],
    mesh=_mesh,
    compiler_params=pltpu.CompilerParams(needs_layout_passes=False),
    scratch_types=[pltpu.VMEM((2, CPR, 128), jnp.int32),
                   pltpu.VMEM((NCH, 128), jnp.int32),
                   pltpu.VMEM((2, 128, HH), jnp.float32),
                   pltpu.SemaphoreType.DMA((2,)),
                   pltpu.SemaphoreType.DMA,
                   pltpu.VMEM_SHARED((NPC, HH), jnp.float32)],
)


_BBLK = 2000


def _enc_body(x_ref, w_ref, deg_ref, degp_ref, out_ref):
    h = jnp.dot(x_ref[...], w_ref[...], preferred_element_type=jnp.float32)
    dinv = lax.rsqrt(deg_ref[...])
    dinvp = lax.rsqrt(degp_ref[...])
    hp = h * dinv
    hq = h * dinvp
    out_ref[...] = jnp.stack(
        [hp[:, :HH], hp[:, HH:], hq[:, :HH], hq[:, HH:]])


def _enc_call(x, W, deg2, degp2):
    grid = (N // _BBLK,)
    return pl.pallas_call(
        _enc_body,
        grid=grid,
        in_specs=[
            pl.BlockSpec((_BBLK, H), lambda i: (i, 0)),
            pl.BlockSpec((H, H), lambda i: (0, 0)),
            pl.BlockSpec((_BBLK, 1), lambda i: (i, 0)),
            pl.BlockSpec((_BBLK, 1), lambda i: (i, 0)),
        ],
        out_specs=pl.BlockSpec((4, _BBLK, HH), lambda i: (0, i, 0)),
        out_shape=jax.ShapeDtypeStruct((4, N, HH), jnp.float32),
    )(x, W, deg2, degp2)


_DBLK = 2000
_DNB = N // _DBLK


def _loss_body(a0, a1, a2_, a3, deg_ref, b_ref, a_ref, w_ref, out_ref,
               pos_s, neg_s, S_s, v_s, l1_s, l2_s):
    p = pl.program_id(0)
    i = pl.program_id(1)
    rows = pl.ds(i * _DBLK, _DBLK)

    @pl.when(p == 0)
    def _():
        dinv = lax.rsqrt(deg_ref[...])
        b = b_ref[...]
        a = a_ref[...]
        accp = jnp.concatenate([a0[0], a1[0]], axis=1)
        outp = accp * dinv + b
        pos = jnp.where(outp > 0, outp, a * outp)
        pos_s[rows, :] = pos
        accn = jnp.concatenate([a2_[0], a3[0]], axis=1)
        outn = accn * dinv + b
        neg_s[rows, :] = jnp.where(outn > 0, outn, a * outn)

        @pl.when(i == 0)
        def _():
            S_s[...] = jnp.zeros_like(S_s)

        S_s[...] += jnp.sum(pos, axis=0, keepdims=True)

    @pl.when(p == 1)
    def _():
        @pl.when(i == 0)
        def _():
            summary = jax.nn.sigmoid(S_s[...] / N)
            v_s[...] = jax.lax.dot_general(
                summary, w_ref[...], (((1,), (1,)), ((), ())),
                preferred_element_type=jnp.float32)
            l1_s[0, 0] = 0.0
            l2_s[0, 0] = 0.0

        v = v_s[...]
        lp = jax.lax.dot_general(pos_s[rows, :], v, (((1,), (1,)), ((), ())),
                                 preferred_element_type=jnp.float32)
        ln = jax.lax.dot_general(neg_s[rows, :], v, (((1,), (1,)), ((), ())),
                                 preferred_element_type=jnp.float32)
        l1_s[0, 0] += jnp.sum(jnp.logaddexp(0.0, -lp))
        l2_s[0, 0] += jnp.sum(jnp.logaddexp(0.0, ln))

        @pl.when(i == _DNB - 1)
        def _():
            out_ref[...] = jnp.full(
                (1, 1), (l1_s[0, 0] + l2_s[0, 0]) / N, jnp.float32)


def _loss_call(acc4, deg2, b2, a2, disc_W):
    grid = (2, _DNB)

    def _slot(k):
        return pl.BlockSpec((1, _DBLK, HH),
                            lambda p, i, k=k: (k, i * (1 - p) + (_DNB - 1) * p, 0))

    return pl.pallas_call(
        _loss_body,
        grid=grid,
        in_specs=[_slot(k) for k in range(4)] + [
            pl.BlockSpec((_DBLK, 1), lambda p, i: (i * (1 - p) + (_DNB - 1) * p, 0)),
            pl.BlockSpec((1, H), lambda p, i: (0, 0)),
            pl.BlockSpec((1, H), lambda p, i: (0, 0)),
            pl.BlockSpec((H, H), lambda p, i: (0, 0)),
        ],
        out_specs=pl.BlockSpec((1, 1), lambda p, i: (0, 0)),
        out_shape=jax.ShapeDtypeStruct((1, 1), jnp.float32),
        scratch_shapes=[
            pltpu.VMEM((N, H), jnp.float32),
            pltpu.VMEM((N, H), jnp.float32),
            pltpu.VMEM((1, H), jnp.float32),
            pltpu.VMEM((1, H), jnp.float32),
            pltpu.SMEM((1, 1), jnp.float32),
            pltpu.SMEM((1, 1), jnp.float32),
        ],
    )(*([acc4] * 4), deg2, b2, a2, disc_W)


def kernel(x, edge_index, W_gcn, b_gcn, prelu_a, disc_W):
    perm = jax.random.permutation(jax.random.key(1), N).astype(jnp.int32)
    src = edge_index[0].astype(jnp.int32)
    dst = edge_index[1].astype(jnp.int32)
    npad = EPAD - E - N
    iota = np.arange(N, dtype=np.int32)
    pad_src = np.arange(npad, dtype=np.int32) % N
    pad_dst = (N + np.arange(npad, dtype=np.int32) % (NPC - N)).astype(np.int32)
    src_all = jnp.concatenate([src, jnp.asarray(iota), jnp.asarray(pad_src)])
    dst_all = jnp.concatenate([dst, jnp.asarray(iota), jnp.asarray(pad_dst)])
    perm_pad = jnp.concatenate(
        [perm, jnp.asarray(N + np.arange(NP - N, dtype=np.int32))])
    zeros1d = jnp.zeros((NP,), jnp.float32)

    deg, degp, psrc_all = _deg_kernel(dst_all, src_all, perm_pad, zeros1d)
    deg2 = deg.reshape(NP, 1)
    degp2 = degp.reshape(NP, 1)

    hcat = _enc_call(x, W_gcn, deg2, degp2).reshape(4 * N, HH)

    gix = jnp.stack([src_all, src_all + N,
                     psrc_all + 2 * N, psrc_all + 3 * N
                     ]).reshape(4, NSUB, NCH, 128)
    dst3 = dst_all.reshape(NSUB, NCH, 128)
    zer = jnp.zeros((RPT, HH), jnp.float32)
    acc4, = _agg_kernel(hcat, gix, dst3, zer)

    loss = _loss_call(acc4, deg2, b_gcn.reshape(1, H), prelu_a.reshape(1, H),
                      disc_W)
    return loss[0, 0]

# --- scband reference (transcript-rebuilt; emitter-appended) ---
"""Pipeline reference for scband-infomax-24678882082877 (READ-ONLY COPY).

The authoritative reference and input builder live on the scoring server;
editing this copy changes nothing except your own understanding.
"""

import jax, jax.numpy as jnp
import numpy as np

N_NODES = 10000
HIDDEN = 256

def gcn_conv(x, edge_index, W, b):
    N = x.shape[0]
    src = edge_index[0]
    dst = edge_index[1]
    loop = jnp.arange(N, dtype=src.dtype)
    src = jnp.concatenate([src, loop])
    dst = jnp.concatenate([dst, loop])
    deg = jnp.zeros((N,), dtype=x.dtype).at[dst].add(1.0)
    dinv = jnp.where(deg > 0, deg ** -0.5, 0.0)
    norm = dinv[src] * dinv[dst]
    h = x @ W
    msg = h[src] * norm[:, None]
    out = jnp.zeros((N, h.shape[1]), dtype=x.dtype).at[dst].add(msg)
    return out + b

def prelu(x, a):
    return jnp.where(x > 0, x, a * x)

def softplus(z):
    return jnp.logaddexp(0.0, z)

def setup_inputs(seed: int = 0) -> dict:
    key = jax.random.key(seed)
    k1, k2, k3, k4, k5 = jax.random.split(key, 5)
    x = jax.random.normal(k1, (N_NODES, HIDDEN), dtype=jnp.float32)
    edge_index = jax.random.randint(k2, (2, 160000), 0, N_NODES, dtype=jnp.int64)
    bound_w = 1.0 / np.sqrt(HIDDEN)
    W_gcn = jax.random.uniform(k3, (HIDDEN, HIDDEN), minval=-bound_w, maxval=bound_w, dtype=jnp.float32)
    b_gcn = jnp.zeros((HIDDEN,), dtype=jnp.float32)
    prelu_a = jnp.full((HIDDEN,), 0.25, dtype=jnp.float32)
    disc_W = jax.random.uniform(k4, (HIDDEN, HIDDEN), minval=-bound_w, maxval=bound_w, dtype=jnp.float32)
    return {"x": x, "edge_index": edge_index, "W_gcn": W_gcn, "b_gcn": b_gcn, "prelu_a": prelu_a, "disc_W": disc_W}

def reference(x, edge_index, W_gcn, b_gcn, prelu_a, disc_W):
    N = x.shape[0]
    positive = prelu(gcn_conv(x, edge_index, W_gcn, b_gcn), prelu_a)
    perm = jax.random.permutation(jax.random.key(1), N)
    negative = prelu(gcn_conv(x[perm], edge_index, W_gcn, b_gcn), prelu_a)
    summary = jax.nn.sigmoid(positive.mean(axis=0))
    v = disc_W @ summary
    pos_logits = positive @ v
    neg_logits = negative @ v
    l1 = jnp.mean(softplus(-pos_logits))
    l2 = jnp.mean(softplus(neg_logits))
    return l1 + l2

if __name__ == "__main__":
    import jax
    _d = setup_inputs()
    print(jax.jit(kernel)(*tuple(_d.values())))

</pallas_src>

<mosaic_0001>
#map = affine_map<(d0, d1) -> (0)>
module attributes {stable_mosaic.version = 14 : i64} {
  func.func @_deg_body(%arg0: i32, %arg1: i32, %arg2: memref<180224xi32, #tpu.memory_space<hbm>>, %arg3: memref<180224xi32, #tpu.memory_space<hbm>>, %arg4: memref<10240xi32, #tpu.memory_space<hbm>>, %arg5: memref<10240xf32, #tpu.memory_space<hbm>>, %arg6: memref<10240xf32, #tpu.memory_space<hbm>>, %arg7: memref<10240xf32, #tpu.memory_space<hbm>>, %arg8: memref<180224xi32, #tpu.memory_space<hbm>>, %arg9: memref<11264xi32, #tpu.memory_space<vmem>>, %arg10: memref<11264xi32, #tpu.memory_space<vmem>>, %arg11: memref<10240xi32, #tpu.memory_space<vmem>>, %arg12: memref<11264xi32, #tpu.memory_space<vmem>>, %arg13: memref<10240xf32, #tpu.memory_space<vmem>>, %arg14: memref<16x640xf32, #tpu.memory_space<vmem>>, %arg15: memref<640xf32, #tpu.memory_space<vmem>>, %arg16: memref<16x10240xf32, #tpu.memory_space<vmem_shared>>) attributes {dimension_semantics = [#tpu.dimension_semantics<core_parallel>, #tpu.dimension_semantics<subcore_parallel>], iteration_bounds = array<i64: 2, 16>, scalar_prefetch = 0 : i64, scratch_operands = 8 : i64, tpu.core_type = #tpu.core_type<sc_vector_subcore>, window_params = [{transform_indices = #map}, {transform_indices = #map}, {transform_indices = #map}, {transform_indices = #map}, {transform_indices = #map}, {transform_indices = #map}, {transform_indices = #map}]} {
    %mul3A = arith.constant 11264 : i32
    %mul3A_0 = arith.muli %arg1, %mul3A : i32
    "tpu.region"() ({
      %run_scoped3A_57 = tpu.sem_alloc : memref<!tpu.dma_semaphore, #tpu.memory_space<semaphore_mem>>
      %dma_start3A = tpu.memref_slice %arg2[%mul3A_0] : memref<180224xi32, #tpu.memory_space<hbm>> -> memref<11264xi32, #tpu.memory_space<hbm>>
      %dma_start3A_58 = tpu.memref_slice %arg2[%mul3A_0] : memref<180224xi32, #tpu.memory_space<hbm>> -> memref<11264xi32, #tpu.memory_space<hbm>>
      tpu.enqueue_dma source(%dma_start3A_58 : memref<11264xi32, #tpu.memory_space<hbm>>) target(%arg9 : memref<11264xi32, #tpu.memory_space<vmem>>) target_semaphore(%run_scoped3A_57 : memref<!tpu.dma_semaphore, #tpu.memory_space<semaphore_mem>>)
      %dma_wait3A = tpu.memref_slice %arg2[%mul3A_0] : memref<180224xi32, #tpu.memory_space<hbm>> -> memref<11264xi32, #tpu.memory_space<hbm>>
      %dma_wait3A_59 = tpu.memref_slice %arg2[%mul3A_0] : memref<180224xi32, #tpu.memory_space<hbm>> -> memref<11264xi32, #tpu.memory_space<hbm>>
      tpu.wait_dma2 semaphore(%run_scoped3A_57 : memref<!tpu.dma_semaphore, #tpu.memory_space<semaphore_mem>>) src(%dma_wait3A_59 : memref<11264xi32, #tpu.memory_space<hbm>>) dst(%arg9 : memref<11264xi32, #tpu.memory_space<vmem>>)
      tpu.yield
    }) : () -> ()
    "tpu.region"() ({
      %run_scoped3A_57 = tpu.sem_alloc : memref<!tpu.dma_semaphore, #tpu.memory_space<semaphore_mem>>
      tpu.enqueue_dma source(%arg5 : memref<10240xf32, #tpu.memory_space<hbm>>) target(%arg13 : memref<10240xf32, #tpu.memory_space<vmem>>) target_semaphore(%run_scoped3A_57 : memref<!tpu.dma_semaphore, #tpu.memory_space<semaphore_mem>>)
      tpu.wait_dma2 semaphore(%run_scoped3A_57 : memref<!tpu.dma_semaphore, #tpu.memory_space<semaphore_mem>>) src(%arg5 : memref<10240xf32, #tpu.memory_space<hbm>>) dst(%arg13 : memref<10240xf32, #tpu.memory_space<vmem>>)
      tpu.yield
    }) : () -> ()
    %broadcast_in_dim3A = arith.constant 1.000000e+00 : f32
    %broadcast_in_dim3A_1 = vector.broadcast %broadcast_in_dim3A : f32 to vector<16xf32>
    %eq3A = arith.constant 0 : i32
    %eq3A_2 = arith.cmpi eq, %arg0, %eq3A : i32
    %convert_element_type3A = arith.extui %eq3A_2 : i1 to i32
    %cond3A = arith.constant 0 : i32
    %cond3A_3 = arith.cmpi ne, %convert_element_type3A, %cond3A : i32
    scf.if %cond3A_3 {
      %scan3A_57 = arith.constant 0 : i32
      %scan3A_58 = arith.constant 0 : i32
      %scan3A_59 = arith.constant 704 : i32
      %scan3A_60 = arith.addi %scan3A_58, %scan3A_59 : i32
      %scan3A_61 = arith.constant 1 : i32
      scf.for %scan3A_63 = %scan3A_58 to %scan3A_60 step %scan3A_61  : i32 {
        %mul3A_64 = arith.constant 16 : i32
        %mul3A_65 = arith.muli %scan3A_63, %mul3A_64 : i32
        %get3A = arith.index_cast %mul3A_65 : i32 to index
        %get3A_66 = tpu.vector_load %arg9[%get3A] {strides = array<i32>} : memref<11264xi32, #tpu.memory_space<vmem>>, vector<16xi32>,
        tpu.vector_store_idx %arg13[%get3A_66], %broadcast_in_dim3A_1 {add = true} : memref<10240xf32, #tpu.memory_space<vmem>>[vector<16xi32>], vector<16xf32>,
      }
      %scan3A_62 = arith.constant 704 : i32
    } else {
    }
    %eq3A_4 = arith.constant 1 : i32
    %eq3A_5 = arith.cmpi eq, %arg0, %eq3A_4 : i32
    %convert_element_type3A_6 = arith.extui %eq3A_5 : i1 to i32
    %cond3A_7 = arith.constant 0 : i32
    %cond3A_8 = arith.cmpi ne, %convert_element_type3A_6, %cond3A_7 : i32
    scf.if %cond3A_8 {
      "tpu.region"() ({
        %run_scoped3A_63 = tpu.sem_alloc : memref<!tpu.dma_semaphore, #tpu.memory_space<semaphore_mem>>
        %dma_start3A = tpu.memref_slice %arg3[%mul3A_0] : memref<180224xi32, #tpu.memory_space<hbm>> -> memref<11264xi32, #tpu.memory_space<hbm>>
        %dma_start3A_64 = tpu.memref_slice %arg3[%mul3A_0] : memref<180224xi32, #tpu.memory_space<hbm>> -> memref<11264xi32, #tpu.memory_space<hbm>>
        tpu.enqueue_dma source(%dma_start3A_64 : memref<11264xi32, #tpu.memory_space<hbm>>) target(%arg10 : memref<11264xi32, #tpu.memory_space<vmem>>) target_semaphore(%run_scoped3A_63 : memref<!tpu.dma_semaphore, #tpu.memory_space<semaphore_mem>>)
        %dma_wait3A = tpu.memref_slice %arg3[%mul3A_0] : memref<180224xi32, #tpu.memory_space<hbm>> -> memref<11264xi32, #tpu.memory_space<hbm>>
        %dma_wait3A_65 = tpu.memref_slice %arg3[%mul3A_0] : memref<180224xi32, #tpu.memory_space<hbm>> -> memref<11264xi32, #tpu.memory_space<hbm>>
        tpu.wait_dma2 semaphore(%run_scoped3A_63 : memref<!tpu.dma_semaphore, #tpu.memory_space<semaphore_mem>>) src(%dma_wait3A_65 : memref<11264xi32, #tpu.memory_space<hbm>>) dst(%arg10 : memref<11264xi32, #tpu.memory_space<vmem>>)
        tpu.yield
      }) : () -> ()
      "tpu.region"() ({
        %run_scoped3A_63 = tpu.sem_alloc : memref<!tpu.dma_semaphore, #tpu.memory_space<semaphore_mem>>
        tpu.enqueue_dma source(%arg4 : memref<10240xi32, #tpu.memory_space<hbm>>) target(%arg11 : memref<10240xi32, #tpu.memory_space<vmem>>) target_semaphore(%run_scoped3A_63 : memref<!tpu.dma_semaphore, #tpu.memory_space<semaphore_mem>>)
        tpu.wait_dma2 semaphore(%run_scoped3A_63 : memref<!tpu.dma_semaphore, #tpu.memory_space<semaphore_mem>>) src(%arg4 : memref<10240xi32, #tpu.memory_space<hbm>>) dst(%arg11 : memref<10240xi32, #tpu.memory_space<vmem>>)
        tpu.yield
      }) : () -> ()
      %scan3A_57 = arith.constant 0 : i32
      %scan3A_58 = arith.constant 0 : i32
      %scan3A_59 = arith.constant 704 : i32
      %scan3A_60 = arith.addi %scan3A_58, %scan3A_59 : i32
      %scan3A_61 = arith.constant 1 : i32
      scf.for %scan3A_63 = %scan3A_58 to %scan3A_60 step %scan3A_61  : i32 {
        %mul3A_64 = arith.constant 16 : i32
        %mul3A_65 = arith.muli %scan3A_63, %mul3A_64 : i32
        %get3A = arith.index_cast %mul3A_65 : i32 to index
        %get3A_66 = tpu.vector_load %arg9[%get3A] {strides = array<i32>} : memref<11264xi32, #tpu.memory_space<vmem>>, vector<16xi32>,
        %gather3A = tpu.vector_load_idx %arg11[%get3A_66] : memref<10240xi32, #tpu.memory_space<vmem>>[vector<16xi32>], vector<16xi32>,
        tpu.vector_store_idx %arg13[%gather3A], %broadcast_in_dim3A_1 {add = true} : memref<10240xf32, #tpu.memory_space<vmem>>[vector<16xi32>], vector<16xf32>,
        %get3A_67 = arith.index_cast %mul3A_65 : i32 to index
        %get3A_68 = tpu.vector_load %arg10[%get3A_67] {strides = array<i32>} : memref<11264xi32, #tpu.memory_space<vmem>>, vector<16xi32>,
        %gather3A_69 = tpu.vector_load_idx %arg11[%get3A_68] : memref<10240xi32, #tpu.memory_space<vmem>>[vector<16xi32>], vector<16xi32>,
        %swap3A = arith.index_cast %mul3A_65 : i32 to index
        %swap3A_70 = tpu.vector_load %arg12[%swap3A] {strides = array<i32>} : memref<11264xi32, #tpu.memory_space<vmem>>, vector<16xi32>,
        tpu.vector_store %arg12[%swap3A], %gather3A_69 {strides = array<i32>} : memref<11264xi32, #tpu.memory_space<vmem>>, vector<16xi32>,
      }
      %scan3A_62 = arith.constant 704 : i32
      "tpu.region"() ({
        %run_scoped3A_63 = tpu.sem_alloc : memref<!tpu.dma_semaphore, #tpu.memory_space<semaphore_mem>>
        %dma_start3A = tpu.memref_slice %arg8[%mul3A_0] : memref<180224xi32, #tpu.memory_space<hbm>> -> memref<11264xi32, #tpu.memory_space<hbm>>
        %dma_start3A_64 = tpu.memref_slice %arg8[%mul3A_0] : memref<180224xi32, #tpu.memory_space<hbm>> -> memref<11264xi32, #tpu.memory_space<hbm>>
        tpu.enqueue_dma source(%arg12 : memref<11264xi32, #tpu.memory_space<vmem>>) target(%dma_start3A_64 : memref<11264xi32, #tpu.memory_space<hbm>>) target_semaphore(%run_scoped3A_63 : memref<!tpu.dma_semaphore, #tpu.memory_space<semaphore_mem>>)
        %dma_wait3A = tpu.memref_slice %arg8[%mul3A_0] : memref<180224xi32, #tpu.memory_space<hbm>> -> memref<11264xi32, #tpu.memory_space<hbm>>
        %dma_wait3A_65 = tpu.memref_slice %arg8[%mul3A_0] : memref<180224xi32, #tpu.memory_space<hbm>> -> memref<11264xi32, #tpu.memory_space<hbm>>
        tpu.wait_dma2 semaphore(%run_scoped3A_63 : memref<!tpu.dma_semaphore, #tpu.memory_space<semaphore_mem>>) src(%arg12 : memref<11264xi32, #tpu.memory_space<vmem>>) dst(%dma_wait3A_65 : memref<11264xi32, #tpu.memory_space<hbm>>)
        tpu.yield
      }) : () -> ()
    } else {
    }
    "tpu.region"() ({
      %run_scoped3A_57 = tpu.sem_alloc : memref<!tpu.dma_semaphore, #tpu.memory_space<semaphore_mem>>
      %dma_start3A = arith.constant 0 : i32
      %dma_start3A_58 = tpu.memref_slice %arg16[%arg1, %dma_start3A] : memref<16x10240xf32, #tpu.memory_space<vmem_shared>> -> memref<1x10240xf32, #tpu.memory_space<vmem_shared>>
      %dma_start3A_59 = tpu.memref_squeeze %dma_start3A_58 : memref<1x10240xf32, #tpu.memory_space<vmem_shared>> -> memref<10240xf32, #tpu.memory_space<vmem_shared>>
      %dma_start3A_60 = arith.constant 0 : i32
      %dma_start3A_61 = tpu.memref_slice %arg16[%arg1, %dma_start3A_60] : memref<16x10240xf32, #tpu.memory_space<vmem_shared>> -> memref<1x10240xf32, #tpu.memory_space<vmem_shared>>
      %dma_start3A_62 = tpu.memref_squeeze %dma_start3A_61 : memref<1x10240xf32, #tpu.memory_space<vmem_shared>> -> memref<10240xf32, #tpu.memory_space<vmem_shared>>
      tpu.enqueue_dma source(%arg13 : memref<10240xf32, #tpu.memory_space<vmem>>) target(%dma_start3A_62 : memref<10240xf32, #tpu.memory_space<vmem_shared>>) target_semaphore(%run_scoped3A_57 : memref<!tpu.dma_semaphore, #tpu.memory_space<semaphore_mem>>)
      %dma_wait3A = arith.constant 0 : i32
      %dma_wait3A_63 = tpu.memref_slice %arg16[%arg1, %dma_wait3A] : memref<16x10240xf32, #tpu.memory_space<vmem_shared>> -> memref<1x10240xf32, #tpu.memory_space<vmem_shared>>
      %dma_wait3A_64 = tpu.memref_squeeze %dma_wait3A_63 : memref<1x10240xf32, #tpu.memory_space<vmem_shared>> -> memref<10240xf32, #tpu.memory_space<vmem_shared>>
      %dma_wait3A_65 = arith.constant 0 : i32
      %dma_wait3A_66 = tpu.memref_slice %arg16[%arg1, %dma_wait3A_65] : memref<16x10240xf32, #tpu.memory_space<vmem_shared>> -> memref<1x10240xf32, #tpu.memory_space<vmem_shared>>
      %dma_wait3A_67 = tpu.memref_squeeze %dma_wait3A_66 : memref<1x10240xf32, #tpu.memory_space<vmem_shared>> -> memref<10240xf32, #tpu.memory_space<vmem_shared>>
      tpu.wait_dma2 semaphore(%run_scoped3A_57 : memref<!tpu.dma_semaphore, #tpu.memory_space<semaphore_mem>>) src(%arg13 : memref<10240xf32, #tpu.memory_space<vmem>>) dst(%dma_wait3A_67 : memref<10240xf32, #tpu.memory_space<vmem_shared>>)
      tpu.yield
    }) : () -> ()
    %barrier3A = arith.constant 0 : index
    tpu.barrier barrier_id(%barrier3A)
    %mul3A_9 = arith.constant 640 : i32
    %mul3A_10 = arith.muli %arg1, %mul3A_9 : i32
    %run_scoped3A = arith.constant 0 : i32
    %run_scoped3A_11 = arith.constant 0 : i32
    "tpu.region"() ({
      %run_scoped3A_57 = tpu.sem_alloc : memref<!tpu.dma_semaphore, #tpu.memory_space<semaphore_mem>>
      %dma_start3A = arith.constant 0 : i32
      %dma_start3A_58 = tpu.memref_slice %arg14[%run_scoped3A_11, %dma_start3A] : memref<16x640xf32, #tpu.memory_space<vmem>> -> memref<1x640xf32, #tpu.memory_space<vmem>>
      %dma_start3A_59 = tpu.memref_squeeze %dma_start3A_58 : memref<1x640xf32, #tpu.memory_space<vmem>> -> memref<640xf32, #tpu.memory_space<vmem>>
      %dma_start3A_60 = tpu.memref_slice %arg16[%run_scoped3A, %mul3A_10] : memref<16x10240xf32, #tpu.memory_space<vmem_shared>> -> memref<1x640xf32, #tpu.memory_space<vmem_shared>>
      %dma_start3A_61 = tpu.memref_squeeze %dma_start3A_60 : memref<1x640xf32, #tpu.memory_space<vmem_shared>> -> memref<640xf32, #tpu.memory_space<vmem_shared>>
      %dma_start3A_62 = arith.constant 0 : i32
      %dma_start3A_63 = tpu.memref_slice %arg14[%run_scoped3A_11, %dma_start3A_62] : memref<16x640xf32, #tpu.memory_space<vmem>> -> memref<1x640xf32, #tpu.memory_space<vmem>>
      %dma_start3A_64 = tpu.memref_squeeze %dma_start3A_63 : memref<1x640xf32, #tpu.memory_space<vmem>> -> memref<640xf32, #tpu.memory_space<vmem>>
      %dma_start3A_65 = tpu.memref_slice %arg16[%run_scoped3A, %mul3A_10] : memref<16x10240xf32, #tpu.memory_space<vmem_shared>> -> memref<1x640xf32, #tpu.memory_space<vmem_shared>>
      %dma_start3A_66 = tpu.memref_squeeze %dma_start3A_65 : memref<1x640xf32, #tpu.memory_space<vmem_shared>> -> memref<640xf32, #tpu.memory_space<vmem_shared>>
      tpu.enqueue_dma source(%dma_start3A_66 : memref<640xf32, #tpu.memory_space<vmem_shared>>) target(%dma_start3A_64 : memref<640xf32, #tpu.memory_space<vmem>>) target_semaphore(%run_scoped3A_57 : memref<!tpu.dma_semaphore, #tpu.memory_space<semaphore_mem>>)
      %dma_wait3A = arith.constant 0 : i32
      %dma_wait3A_67 = tpu.memref_slice %arg14[%run_scoped3A_11, %dma_wait3A] : memref<16x640xf32, #tpu.memory_space<vmem>> -> memref<1x640xf32, #tpu.memory_space<vmem>>
      %dma_wait3A_68 = tpu.memref_squeeze %dma_wait3A_67 : memref<1x640xf32, #tpu.memory_space<vmem>> -> memref<640xf32, #tpu.memory_space<vmem>>
      %dma_wait3A_69 = tpu.memref_slice %arg16[%run_scoped3A, %mul3A_10] : memref<16x10240xf32, #tpu.memory_space<vmem_shared>> -> memref<1x640xf32, #tpu.memory_space<vmem_shared>>
      %dma_wait3A_70 = tpu.memref_squeeze %dma_wait3A_69 : memref<1x640xf32, #tpu.memory_space<vmem_shared>> -> memref<640xf32, #tpu.memory_space<vmem_shared>>
      %dma_wait3A_71 = arith.constant 0 : i32
      %dma_wait3A_72 = tpu.memref_slice %arg14[%run_scoped3A_11, %dma_wait3A_71] : memref<16x640xf32, #tpu.memory_space<vmem>> -> memref<1x640xf32, #tpu.memory_space<vmem>>
      %dma_wait3A_73 = tpu.memref_squeeze %dma_wait3A_72 : memref<1x640xf32, #tpu.memory_space<vmem>> -> memref<640xf32, #tpu.memory_space<vmem>>
      %dma_wait3A_74 = tpu.memref_slice %arg16[%run_scoped3A, %mul3A_10] : memref<16x10240xf32, #tpu.memory_space<vmem_shared>> -> memref<1x640xf32, #tpu.memory_space<vmem_shared>>
      %dma_wait3A_75 = tpu.memref_squeeze %dma_wait3A_74 : memref<1x640xf32, #tpu.memory_space<vmem_shared>> -> memref<640xf32, #tpu.memory_space<vmem_shared>>
      tpu.wait_dma2 semaphore(%run_scoped3A_57 : memref<!tpu.dma_semaphore, #tpu.memory_space<semaphore_mem>>) src(%dma_wait3A_75 : memref<640xf32, #tpu.memory_space<vmem_shared>>) dst(%dma_wait3A_73 : memref<640xf32, #tpu.memory_space<vmem>>)
      tpu.yield
    }) : () -> ()
    %run_scoped3A_12 = arith.constant 1 : i32
    %run_scoped3A_13 = arith.constant 1 : i32
    "tpu.region"() ({
      %run_scoped3A_57 = tpu.sem_alloc : memref<!tpu.dma_semaphore, #tpu.memory_space<semaphore_mem>>
      %dma_start3A = arith.constant 0 : i32
      %dma_start3A_58 = tpu.memref_slice %arg14[%run_scoped3A_13, %dma_start3A] : memref<16x640xf32, #tpu.memory_space<vmem>> -> memref<1x640xf32, #tpu.memory_space<vmem>>
      %dma_start3A_59 = tpu.memref_squeeze %dma_start3A_58 : memref<1x640xf32, #tpu.memory_space<vmem>> -> memref<640xf32, #tpu.memory_space<vmem>>
      %dma_start3A_60 = tpu.memref_slice %arg16[%run_scoped3A_12, %mul3A_10] : memref<16x10240xf32, #tpu.memory_space<vmem_shared>> -> memref<1x640xf32, #tpu.memory_space<vmem_shared>>
      %dma_start3A_61 = tpu.memref_squeeze %dma_start3A_60 : memref<1x640xf32, #tpu.memory_space<vmem_shared>> -> memref<640xf32, #tpu.memory_space<vmem_shared>>
      %dma_start3A_62 = arith.constant 0 : i32
      %dma_start3A_63 = tpu.memref_slice %arg14[%run_scoped3A_13, %dma_start3A_62] : memref<16x640xf32, #tpu.memory_space<vmem>> -> memref<1x640xf32, #tpu.memory_space<vmem>>
      %dma_start3A_64 = tpu.memref_squeeze %dma_start3A_63 : memref<1x640xf32, #tpu.memory_space<vmem>> -> memref<640xf32, #tpu.memory_space<vmem>>
      %dma_start3A_65 = tpu.memref_slice %arg16[%run_scoped3A_12, %mul3A_10] : memref<16x10240xf32, #tpu.memory_space<vmem_shared>> -> memref<1x640xf32, #tpu.memory_space<vmem_shared>>
      %dma_start3A_66 = tpu.memref_squeeze %dma_start3A_65 : memref<1x640xf32, #tpu.memory_space<vmem_shared>> -> memref<640xf32, #tpu.memory_space<vmem_shared>>
      tpu.enqueue_dma source(%dma_start3A_66 : memref<640xf32, #tpu.memory_space<vmem_shared>>) target(%dma_start3A_64 : memref<640xf32, #tpu.memory_space<vmem>>) target_semaphore(%run_scoped3A_57 : memref<!tpu.dma_semaphore, #tpu.memory_space<semaphore_mem>>)
      %dma_wait3A = arith.constant 0 : i32
      %dma_wait3A_67 = tpu.memref_slice %arg14[%run_scoped3A_13, %dma_wait3A] : memref<16x640xf32, #tpu.memory_space<vmem>> -> memref<1x640xf32, #tpu.memory_space<vmem>>
      %dma_wait3A_68 = tpu.memref_squeeze %dma_wait3A_67 : memref<1x640xf32, #tpu.memory_space<vmem>> -> memref<640xf32, #tpu.memory_space<vmem>>
      %dma_wait3A_69 = tpu.memref_slice %arg16[%run_scoped3A_12, %mul3A_10] : memref<16x10240xf32, #tpu.memory_space<vmem_shared>> -> memref<1x640xf32, #tpu.memory_space<vmem_shared>>
      %dma_wait3A_70 = tpu.memref_squeeze %dma_wait3A_69 : memref<1x640xf32, #tpu.memory_space<vmem_shared>> -> memref<640xf32, #tpu.memory_space<vmem_shared>>
      %dma_wait3A_71 = arith.constant 0 : i32
      %dma_wait3A_72 = tpu.memref_slice %arg14[%run_scoped3A_13, %dma_wait3A_71] : memref<16x640xf32, #tpu.memory_space<vmem>> -> memref<1x640xf32, #tpu.memory_space<vmem>>
      %dma_wait3A_73 = tpu.memref_squeeze %dma_wait3A_72 : memref<1x640xf32, #tpu.memory_space<vmem>> -> memref<640xf32, #tpu.memory_space<vmem>>
      %dma_wait3A_74 = tpu.memref_slice %arg16[%run_scoped3A_12, %mul3A_10] : memref<16x10240xf32, #tpu.memory_space<vmem_shared>> -> memref<1x640xf32, #tpu.memory_space<vmem_shared>>
      %dma_wait3A_75 = tpu.memref_squeeze %dma_wait3A_74 : memref<1x640xf32, #tpu.memory_space<vmem_shared>> -> memref<640xf32, #tpu.memory_space<vmem_shared>>
      tpu.wait_dma2 semaphore(%run_scoped3A_57 : memref<!tpu.dma_semaphore, #tpu.memory_space<semaphore_mem>>) src(%dma_wait3A_75 : memref<640xf32, #tpu.memory_space<vmem_shared>>) dst(%dma_wait3A_73 : memref<640xf32, #tpu.memory_space<vmem>>)
      tpu.yield
    }) : () -> ()
    %run_scoped3A_14 = arith.constant 2 : i32
    %run_scoped3A_15 = arith.constant 2 : i32
    "tpu.region"() ({
      %run_scoped3A_57 = tpu.sem_alloc : memref<!tpu.dma_semaphore, #tpu.memory_space<semaphore_mem>>
      %dma_start3A = arith.constant 0 : i32
      %dma_start3A_58 = tpu.memref_slice %arg14[%run_scoped3A_15, %dma_start3A] : memref<16x640xf32, #tpu.memory_space<vmem>> -> memref<1x640xf32, #tpu.memory_space<vmem>>
      %dma_start3A_59 = tpu.memref_squeeze %dma_start3A_58 : memref<1x640xf32, #tpu.memory_space<vmem>> -> memref<640xf32, #tpu.memory_space<vmem>>
      %dma_start3A_60 = tpu.memref_slice %arg16[%run_scoped3A_14, %mul3A_10] : memref<16x10240xf32, #tpu.memory_space<vmem_shared>> -> memref<1x640xf32, #tpu.memory_space<vmem_shared>>
      %dma_start3A_61 = tpu.memref_squeeze %dma_start3A_60 : memref<1x640xf32, #tpu.memory_space<vmem_shared>> -> memref<640xf32, #tpu.memory_space<vmem_shared>>
      %dma_start3A_62 = arith.constant 0 : i32
      %dma_start3A_63 = tpu.memref_slice %arg14[%run_scoped3A_15, %dma_start3A_62] : memref<16x640xf32, #tpu.memory_space<vmem>> -> memref<1x640xf32, #tpu.memory_space<vmem>>
      %dma_start3A_64 = tpu.memref_squeeze %dma_start3A_63 : memref<1x640xf32, #tpu.memory_space<vmem>> -> memref<640xf32, #tpu.memory_space<vmem>>
      %dma_start3A_65 = tpu.memref_slice %arg16[%run_scoped3A_14, %mul3A_10] : memref<16x10240xf32, #tpu.memory_space<vmem_shared>> -> memref<1x640xf32, #tpu.memory_space<vmem_shared>>
      %dma_start3A_66 = tpu.memref_squeeze %dma_start3A_65 : memref<1x640xf32, #tpu.memory_space<vmem_shared>> -> memref<640xf32, #tpu.memory_space<vmem_shared>>
      tpu.enqueue_dma source(%dma_start3A_66 : memref<640xf32, #tpu.memory_space<vmem_shared>>) target(%dma_start3A_64 : memref<640xf32, #tpu.memory_space<vmem>>) target_semaphore(%run_scoped3A_57 : memref<!tpu.dma_semaphore, #tpu.memory_space<semaphore_mem>>)
      %dma_wait3A = arith.constant 0 : i32
      %dma_wait3A_67 = tpu.memref_slice %arg14[%run_scoped3A_15, %dma_wait3A] : memref<16x640xf32, #tpu.memory_space<vmem>> -> memref<1x640xf32, #tpu.memory_space<vmem>>
      %dma_wait3A_68 = tpu.memref_squeeze %dma_wait3A_67 : memref<1x640xf32, #tpu.memory_space<vmem>> -> memref<640xf32, #tpu.memory_space<vmem>>
      %dma_wait3A_69 = tpu.memref_slice %arg16[%run_scoped3A_14, %mul3A_10] : memref<16x10240xf32, #tpu.memory_space<vmem_shared>> -> memref<1x640xf32, #tpu.memory_space<vmem_shared>>
      %dma_wait3A_70 = tpu.memref_squeeze %dma_wait3A_69 : memref<1x640xf32, #tpu.memory_space<vmem_shared>> -> memref<640xf32, #tpu.memory_space<vmem_shared>>
      %dma_wait3A_71 = arith.constant 0 : i32
      %dma_wait3A_72 = tpu.memref_slice %arg14[%run_scoped3A_15, %dma_wait3A_71] : memref<16x640xf32, #tpu.memory_space<vmem>> -> memref<1x640xf32, #tpu.memory_space<vmem>>
      %dma_wait3A_73 = tpu.memref_squeeze %dma_wait3A_72 : memref<1x640xf32, #tpu.memory_space<vmem>> -> memref<640xf32, #tpu.memory_space<vmem>>
      %dma_wait3A_74 = tpu.memref_slice %arg16[%run_scoped3A_14, %mul3A_10] : memref<16x10240xf32, #tpu.memory_space<vmem_shared>> -> memref<1x640xf32, #tpu.memory_space<vmem_shared>>
      %dma_wait3A_75 = tpu.memref_squeeze %dma_wait3A_74 : memref<1x640xf32, #tpu.memory_space<vmem_shared>> -> memref<640xf32, #tpu.memory_space<vmem_shared>>
      tpu.wait_dma2 semaphore(%run_scoped3A_57 : memref<!tpu.dma_semaphore, #tpu.memory_space<semaphore_mem>>) src(%dma_wait3A_75 : memref<640xf32, #tpu.memory_space<vmem_shared>>) dst(%dma_wait3A_73 : memref<640xf32, #tpu.memory_space<vmem>>)
      tpu.yield
    }) : () -> ()
    %run_scoped3A_16 = arith.constant 3 : i32
    %run_scoped3A_17 = arith.constant 3 : i32
    "tpu.region"() ({
      %run_scoped3A_57 = tpu.sem_alloc : memref<!tpu.dma_semaphore, #tpu.memory_space<semaphore_mem>>
      %dma_start3A = arith.constant 0 : i32
      %dma_start3A_58 = tpu.memref_slice %arg14[%run_scoped3A_17, %dma_start3A] : memref<16x640xf32, #tpu.memory_space<vmem>> -> memref<1x640xf32, #tpu.memory_space<vmem>>
      %dma_start3A_59 = tpu.memref_squeeze %dma_start3A_58 : memref<1x640xf32, #tpu.memory_space<vmem>> -> memref<640xf32, #tpu.memory_space<vmem>>
      %dma_start3A_60 = tpu.memref_slice %arg16[%run_scoped3A_16, %mul3A_10] : memref<16x10240xf32, #tpu.memory_space<vmem_shared>> -> memref<1x640xf32, #tpu.memory_space<vmem_shared>>
      %dma_start3A_61 = tpu.memref_squeeze %dma_start3A_60 : memref<1x640xf32, #tpu.memory_space<vmem_shared>> -> memref<640xf32, #tpu.memory_space<vmem_shared>>
      %dma_start3A_62 = arith.constant 0 : i32
      %dma_start3A_63 = tpu.memref_slice %arg14[%run_scoped3A_17, %dma_start3A_62] : memref<16x640xf32, #tpu.memory_space<vmem>> -> memref<1x640xf32, #tpu.memory_space<vmem>>
      %dma_start3A_64 = tpu.memref_squeeze %dma_start3A_63 : memref<1x640xf32, #tpu.memory_space<vmem>> -> memref<640xf32, #tpu.memory_space<vmem>>
      %dma_start3A_65 = tpu.memref_slice %arg16[%run_scoped3A_16, %mul3A_10] : memref<16x10240xf32, #tpu.memory_space<vmem_shared>> -> memref<1x640xf32, #tpu.memory_space<vmem_shared>>
      %dma_start3A_66 = tpu.memref_squeeze %dma_start3A_65 : memref<1x640xf32, #tpu.memory_space<vmem_shared>> -> memref<640xf32, #tpu.memory_space<vmem_shared>>
      tpu.enqueue_dma source(%dma_start3A_66 : memref<640xf32, #tpu.memory_space<vmem_shared>>) target(%dma_start3A_64 : memref<640xf32, #tpu.memory_space<vmem>>) target_semaphore(%run_scoped3A_57 : memref<!tpu.dma_semaphore, #tpu.memory_space<semaphore_mem>>)
      %dma_wait3A = arith.constant 0 : i32
      %dma_wait3A_67 = tpu.memref_slice %arg14[%run_scoped3A_17, %dma_wait3A] : memref<16x640xf32, #tpu.memory_space<vmem>> -> memref<1x640xf32, #tpu.memory_space<vmem>>
      %dma_wait3A_68 = tpu.memref_squeeze %dma_wait3A_67 : memref<1x640xf32, #tpu.memory_space<vmem>> -> memref<640xf32, #tpu.memory_space<vmem>>
      %dma_wait3A_69 = tpu.memref_slice %arg16[%run_scoped3A_16, %mul3A_10] : memref<16x10240xf32, #tpu.memory_space<vmem_shared>> -> memref<1x640xf32, #tpu.memory_space<vmem_shared>>
      %dma_wait3A_70 = tpu.memref_squeeze %dma_wait3A_69 : memref<1x640xf32, #tpu.memory_space<vmem_shared>> -> memref<640xf32, #tpu.memory_space<vmem_shared>>
      %dma_wait3A_71 = arith.constant 0 : i32
      %dma_wait3A_72 = tpu.memref_slice %arg14[%run_scoped3A_17, %dma_wait3A_71] : memref<16x640xf32, #tpu.memory_space<vmem>> -> memref<1x640xf32, #tpu.memory_space<vmem>>
      %dma_wait3A_73 = tpu.memref_squeeze %dma_wait3A_72 : memref<1x640xf32, #tpu.memory_space<vmem>> -> memref<640xf32, #tpu.memory_space<vmem>>
      %dma_wait3A_74 = tpu.memref_slice %arg16[%run_scoped3A_16, %mul3A_10] : memref<16x10240xf32, #tpu.memory_space<vmem_shared>> -> memref<1x640xf32, #tpu.memory_space<vmem_shared>>
      %dma_wait3A_75 = tpu.memref_squeeze %dma_wait3A_74 : memref<1x640xf32, #tpu.memory_space<vmem_shared>> -> memref<640xf32, #tpu.memory_space<vmem_shared>>
      tpu.wait_dma2 semaphore(%run_scoped3A_57 : memref<!tpu.dma_semaphore, #tpu.memory_space<semaphore_mem>>) src(%dma_wait3A_75 : memref<640xf32, #tpu.memory_space<vmem_shared>>) dst(%dma_wait3A_73 : memref<640xf32, #tpu.memory_space<vmem>>)
      tpu.yield
    }) : () -> ()
    %run_scoped3A_18 = arith.constant 4 : i32
    %run_scoped3A_19 = arith.constant 4 : i32
    "tpu.region"() ({
      %run_scoped3A_57 = tpu.sem_alloc : memref<!tpu.dma_semaphore, #tpu.memory_space<semaphore_mem>>
      %dma_start3A = arith.constant 0 : i32
      %dma_start3A_58 = tpu.memref_slice %arg14[%run_scoped3A_19, %dma_start3A] : memref<16x640xf32, #tpu.memory_space<vmem>> -> memref<1x640xf32, #tpu.memory_space<vmem>>
      %dma_start3A_59 = tpu.memref_squeeze %dma_start3A_58 : memref<1x640xf32, #tpu.memory_space<vmem>> -> memref<640xf32, #tpu.memory_space<vmem>>
      %dma_start3A_60 = tpu.memref_slice %arg16[%run_scoped3A_18, %mul3A_10] : memref<16x10240xf32, #tpu.memory_space<vmem_shared>> -> memref<1x640xf32, #tpu.memory_space<vmem_shared>>
      %dma_start3A_61 = tpu.memref_squeeze %dma_start3A_60 : memref<1x640xf32, #tpu.memory_space<vmem_shared>> -> memref<640xf32, #tpu.memory_space<vmem_shared>>
      %dma_start3A_62 = arith.constant 0 : i32
      %dma_start3A_63 = tpu.memref_slice %arg14[%run_scoped3A_19, %dma_start3A_62] : memref<16x640xf32, #tpu.memory_space<vmem>> -> memref<1x640xf32, #tpu.memory_space<vmem>>
      %dma_start3A_64 = tpu.memref_squeeze %dma_start3A_63 : memref<1x640xf32, #tpu.memory_space<vmem>> -> memref<640xf32, #tpu.memory_space<vmem>>
      %dma_start3A_65 = tpu.memref_slice %arg16[%run_scoped3A_18, %mul3A_10] : memref<16x10240xf32, #tpu.memory_space<vmem_shared>> -> memref<1x640xf32, #tpu.memory_space<vmem_shared>>
      %dma_start3A_66 = tpu.memref_squeeze %dma_start3A_65 : memref<1x640xf32, #tpu.memory_space<vmem_shared>> -> memref<640xf32, #tpu.memory_space<vmem_shared>>
      tpu.enqueue_dma source(%dma_start3A_66 : memref<640xf32, #tpu.memory_space<vmem_shared>>) target(%dma_start3A_64 : memref<640xf32, #tpu.memory_space<vmem>>) target_semaphore(%run_scoped3A_57 : memref<!tpu.dma_semaphore, #tpu.memory_space<semaphore_mem>>)
      %dma_wait3A = arith.constant 0 : i32
      %dma_wait3A_67 = tpu.memref_slice %arg14[%run_scoped3A_19, %dma_wait3A] : memref<16x640xf32, #tpu.memory_space<vmem>> -> memref<1x640xf32, #tpu.memory_space<vmem>>
      %dma_wait3A_68 = tpu.memref_squeeze %dma_wait3A_67 : memref<1x640xf32, #tpu.memory_space<vmem>> -> memref<640xf32, #tpu.memory_space<vmem>>
      %dma_wait3A_69 = tpu.memref_slice %arg16[%run_scoped3A_18, %mul3A_10] : memref<16x10240xf32, #tpu.memory_space<vmem_shared>> -> memref<1x640xf32, #tpu.memory_space<vmem_shared>>
      %dma_wait3A_70 = tpu.memref_squeeze %dma_wait3A_69 : memref<1x640xf32, #tpu.memory_space<vmem_shared>> -> memref<640xf32, #tpu.memory_space<vmem_shared>>
      %dma_wait3A_71 = arith.constant 0 : i32
      %dma_wait3A_72 = tpu.memref_slice %arg14[%run_scoped3A_19, %dma_wait3A_71] : memref<16x640xf32, #tpu.memory_space<vmem>> -> memref<1x640xf32, #tpu.memory_space<vmem>>
      %dma_wait3A_73 = tpu.memref_squeeze %dma_wait3A_72 : memref<1x640xf32, #tpu.memory_space<vmem>> -> memref<640xf32, #tpu.memory_space<vmem>>
      %dma_wait3A_74 = tpu.memref_slice %arg16[%run_scoped3A_18, %mul3A_10] : memref<16x10240xf32, #tpu.memory_space<vmem_shared>> -> memref<1x640xf32, #tpu.memory_space<vmem_shared>>
      %dma_wait3A_75 = tpu.memref_squeeze %dma_wait3A_74 : memref<1x640xf32, #tpu.memory_space<vmem_shared>> -> memref<640xf32, #tpu.memory_space<vmem_shared>>
      tpu.wait_dma2 semaphore(%run_scoped3A_57 : memref<!tpu.dma_semaphore, #tpu.memory_space<semaphore_mem>>) src(%dma_wait3A_75 : memref<640xf32, #tpu.memory_space<vmem_shared>>) dst(%dma_wait3A_73 : memref<640xf32, #tpu.memory_space<vmem>>)
      tpu.yield
    }) : () -> ()
    %run_scoped3A_20 = arith.constant 5 : i32
    %run_scoped3A_21 = arith.constant 5 : i32
    "tpu.region"() ({
      %run_scoped3A_57 = tpu.sem_alloc : memref<!tpu.dma_semaphore, #tpu.memory_space<semaphore_mem>>
      %dma_start3A = arith.constant 0 : i32
      %dma_start3A_58 = tpu.memref_slice %arg14[%run_scoped3A_21, %dma_start3A] : memref<16x640xf32, #tpu.memory_space<vmem>> -> memref<1x640xf32, #tpu.memory_space<vmem>>
      %dma_start3A_59 = tpu.memref_squeeze %dma_start3A_58 : memref<1x640xf32, #tpu.memory_space<vmem>> -> memref<640xf32, #tpu.memory_space<vmem>>
      %dma_start3A_60 = tpu.memref_slice %arg16[%run_scoped3A_20, %mul3A_10] : memref<16x10240xf32, #tpu.memory_space<vmem_shared>> -> memref<1x640xf32, #tpu.memory_space<vmem_shared>>
      %dma_start3A_61 = tpu.memref_squeeze %dma_start3A_60 : memref<1x640xf32, #tpu.memory_space<vmem_shared>> -> memref<640xf32, #tpu.memory_space<vmem_shared>>
      %dma_start3A_62 = arith.constant 0 : i32
      %dma_start3A_63 = tpu.memref_slice %arg14[%run_scoped3A_21, %dma_start3A_62] : memref<16x640xf32, #tpu.memory_space<vmem>> -> memref<1x640xf32, #tpu.memory_space<vmem>>
      %dma_start3A_64 = tpu.memref_squeeze %dma_start3A_63 : memref<1x640xf32, #tpu.memory_space<vmem>> -> memref<640xf32, #tpu.memory_space<vmem>>
      %dma_start3A_65 = tpu.memref_slice %arg16[%run_scoped3A_20, %mul3A_10] : memref<16x10240xf32, #tpu.memory_space<vmem_shared>> -> memref<1x640xf32, #tpu.memory_space<vmem_shared>>
      %dma_start3A_66 = tpu.memref_squeeze %dma_start3A_65 : memref<1x640xf32, #tpu.memory_space<vmem_shared>> -> memref<640xf32, #tpu.memory_space<vmem_shared>>
      tpu.enqueue_dma source(%dma_start3A_66 : memref<640xf32, #tpu.memory_space<vmem_shared>>) target(%dma_start3A_64 : memref<640xf32, #tpu.memory_space<vmem>>) target_semaphore(%run_scoped3A_57 : memref<!tpu.dma_semaphore, #tpu.memory_space<semaphore_mem>>)
      %dma_wait3A = arith.constant 0 : i32
      %dma_wait3A_67 = tpu.memref_slice %arg14[%run_scoped3A_21, %dma_wait3A] : memref<16x640xf32, #tpu.memory_space<vmem>> -> memref<1x640xf32, #tpu.memory_space<vmem>>
      %dma_wait3A_68 = tpu.memref_squeeze %dma_wait3A_67 : memref<1x640xf32, #tpu.memory_space<vmem>> -> memref<640xf32, #tpu.memory_space<vmem>>
      %dma_wait3A_69 = tpu.memref_slice %arg16[%run_scoped3A_20, %mul3A_10] : memref<16x10240xf32, #tpu.memory_space<vmem_shared>> -> memref<1x640xf32, #tpu.memory_space<vmem_shared>>
      %dma_wait3A_70 = tpu.memref_squeeze %dma_wait3A_69 : memref<1x640xf32, #tpu.memory_space<vmem_shared>> -> memref<640xf32, #tpu.memory_space<vmem_shared>>
      %dma_wait3A_71 = arith.constant 0 : i32
      %dma_wait3A_72 = tpu.memref_slice %arg14[%run_scoped3A_21, %dma_wait3A_71] : memref<16x640xf32, #tpu.memory_space<vmem>> -> memref<1x640xf32, #tpu.memory_space<vmem>>
      %dma_wait3A_73 = tpu.memref_squeeze %dma_wait3A_72 : memref<1x640xf32, #tpu.memory_space<vmem>> -> memref<640xf32, #tpu.memory_space<vmem>>
      %dma_wait3A_74 = tpu.memref_slice %arg16[%run_scoped3A_20, %mul3A_10] : memref<16x10240xf32, #tpu.memory_space<vmem_shared>> -> memref<1x640xf32, #tpu.memory_space<vmem_shared>>
      %dma_wait3A_75 = tpu.memref_squeeze %dma_wait3A_74 : memref<1x640xf32, #tpu.memory_space<vmem_shared>> -> memref<640xf32, #tpu.memory_space<vmem_shared>>
      tpu.wait_dma2 semaphore(%run_scoped3A_57 : memref<!tpu.dma_semaphore, #tpu.memory_space<semaphore_mem>>) src(%dma_wait3A_75 : memref<640xf32, #tpu.memory_space<vmem_shared>>) dst(%dma_wait3A_73 : memref<640xf32, #tpu.memory_space<vmem>>)
      tpu.yield
    }) : () -> ()
    %run_scoped3A_22 = arith.constant 6 : i32
    %run_scoped3A_23 = arith.constant 6 : i32
    "tpu.region"() ({
      %run_scoped3A_57 = tpu.sem_alloc : memref<!tpu.dma_semaphore, #tpu.memory_space<semaphore_mem>>
      %dma_start3A = arith.constant 0 : i32
      %dma_start3A_58 = tpu.memref_slice %arg14[%run_scoped3A_23, %dma_start3A] : memref<16x640xf32, #tpu.memory_space<vmem>> -> memref<1x640xf32, #tpu.memory_space<vmem>>
      %dma_start3A_59 = tpu.memref_squeeze %dma_start3A_58 : memref<1x640xf32, #tpu.memory_space<vmem>> -> memref<640xf32, #tpu.memory_space<vmem>>
      %dma_start3A_60 = tpu.memref_slice %arg16[%run_scoped3A_22, %mul3A_10] : memref<16x10240xf32, #tpu.memory_space<vmem_shared>> -> memref<1x640xf32, #tpu.memory_space<vmem_shared>>
      %dma_start3A_61 = tpu.memref_squeeze %dma_start3A_60 : memref<1x640xf32, #tpu.memory_space<vmem_shared>> -> memref<640xf32, #tpu.memory_space<vmem_shared>>
      %dma_start3A_62 = arith.constant 0 : i32
      %dma_start3A_63 = tpu.memref_slice %arg14[%run_scoped3A_23, %dma_start3A_62] : memref<16x640xf32, #tpu.memory_space<vmem>> -> memref<1x640xf32, #tpu.memory_space<vmem>>
      %dma_start3A_64 = tpu.memref_squeeze %dma_start3A_63 : memref<1x640xf32, #tpu.memory_space<vmem>> -> memref<640xf32, #tpu.memory_space<vmem>>
      %dma_start3A_65 = tpu.memref_slice %arg16[%run_scoped3A_22, %mul3A_10] : memref<16x10240xf32, #tpu.memory_space<vmem_shared>> -> memref<1x640xf32, #tpu.memory_space<vmem_shared>>
      %dma_start3A_66 = tpu.memref_squeeze %dma_start3A_65 : memref<1x640xf32, #tpu.memory_space<vmem_shared>> -> memref<640xf32, #tpu.memory_space<vmem_shared>>
      tpu.enqueue_dma source(%dma_start3A_66 : memref<640xf32, #tpu.memory_space<vmem_shared>>) target(%dma_start3A_64 : memref<640xf32, #tpu.memory_space<vmem>>) target_semaphore(%run_scoped3A_57 : memref<!tpu.dma_semaphore, #tpu.memory_space<semaphore_mem>>)
      %dma_wait3A = arith.constant 0 : i32
      %dma_wait3A_67 = tpu.memref_slice %arg14[%run_scoped3A_23, %dma_wait3A] : memref<16x640xf32, #tpu.memory_space<vmem>> -> memref<1x640xf32, #tpu.memory_space<vmem>>
      %dma_wait3A_68 = tpu.memref_squeeze %dma_wait3A_67 : memref<1x640xf32, #tpu.memory_space<vmem>> -> memref<640xf32, #tpu.memory_space<vmem>>
      %dma_wait3A_69 = tpu.memref_slice %arg16[%run_scoped3A_22, %mul3A_10] : memref<16x10240xf32, #tpu.memory_space<vmem_shared>> -> memref<1x640xf32, #tpu.memory_space<vmem_shared>>
      %dma_wait3A_70 = tpu.memref_squeeze %dma_wait3A_69 : memref<1x640xf32, #tpu.memory_space<vmem_shared>> -> memref<640xf32, #tpu.memory_space<vmem_shared>>
      %dma_wait3A_71 = arith.constant 0 : i32
      %dma_wait3A_72 = tpu.memref_slice %arg14[%run_scoped3A_23, %dma_wait3A_71] : memref<16x640xf32, #tpu.memory_space<vmem>> -> memref<1x640xf32, #tpu.memory_space<vmem>>
      %dma_wait3A_73 = tpu.memref_squeeze %dma_wait3A_72 : memref<1x640xf32, #tpu.memory_space<vmem>> -> memref<640xf32, #tpu.memory_space<vmem>>
      %dma_wait3A_74 = tpu.memref_slice %arg16[%run_scoped3A_22, %mul3A_10] : memref<16x10240xf32, #tpu.memory_space<vmem_shared>> -> memref<1x640xf32, #tpu.memory_space<vmem_shared>>
      %dma_wait3A_75 = tpu.memref_squeeze %dma_wait3A_74 : memref<1x640xf32, #tpu.memory_space<vmem_shared>> -> memref<640xf32, #tpu.memory_space<vmem_shared>>
      tpu.wait_dma2 semaphore(%run_scoped3A_57 : memref<!tpu.dma_semaphore, #tpu.memory_space<semaphore_mem>>) src(%dma_wait3A_75 : memref<640xf32, #tpu.memory_space<vmem_shared>>) dst(%dma_wait3A_73 : memref<640xf32, #tpu.memory_space<vmem>>)
      tpu.yield
    }) : () -> ()
    %run_scoped3A_24 = arith.constant 7 : i32
    %run_scoped3A_25 = arith.constant 7 : i32
    "tpu.region"() ({
      %run_scoped3A_57 = tpu.sem_alloc : memref<!tpu.dma_semaphore, #tpu.memory_space<semaphore_mem>>
      %dma_start3A = arith.constant 0 : i32
      %dma_start3A_58 = tpu.memref_slice %arg14[%run_scoped3A_25, %dma_start3A] : memref<16x640xf32, #tpu.memory_space<vmem>> -> memref<1x640xf32, #tpu.memory_space<vmem>>
      %dma_start3A_59 = tpu.memref_squeeze %dma_start3A_58 : memref<1x640xf32, #tpu.memory_space<vmem>> -> memref<640xf32, #tpu.memory_space<vmem>>
      %dma_start3A_60 = tpu.memref_slice %arg16[%run_scoped3A_24, %mul3A_10] : memref<16x10240xf32, #tpu.memory_space<vmem_shared>> -> memref<1x640xf32, #tpu.memory_space<vmem_shared>>
      %dma_start3A_61 = tpu.memref_squeeze %dma_start3A_60 : memref<1x640xf32, #tpu.memory_space<vmem_shared>> -> memref<640xf32, #tpu.memory_space<vmem_shared>>
      %dma_start3A_62 = arith.constant 0 : i32
      %dma_start3A_63 = tpu.memref_slice %arg14[%run_scoped3A_25, %dma_start3A_62] : memref<16x640xf32, #tpu.memory_space<vmem>> -> memref<1x640xf32, #tpu.memory_space<vmem>>
      %dma_start3A_64 = tpu.memref_squeeze %dma_start3A_63 : memref<1x640xf32, #tpu.memory_space<vmem>> -> memref<640xf32, #tpu.memory_space<vmem>>
      %dma_start3A_65 = tpu.memref_slice %arg16[%run_scoped3A_24, %mul3A_10] : memref<16x10240xf32, #tpu.memory_space<vmem_shared>> -> memref<1x640xf32, #tpu.memory_space<vmem_shared>>
      %dma_start3A_66 = tpu.memref_squeeze %dma_start3A_65 : memref<1x640xf32, #tpu.memory_space<vmem_shared>> -> memref<640xf32, #tpu.memory_space<vmem_shared>>
      tpu.enqueue_dma source(%dma_start3A_66 : memref<640xf32, #tpu.memory_space<vmem_shared>>) target(%dma_start3A_64 : memref<640xf32, #tpu.memory_space<vmem>>) target_semaphore(%run_scoped3A_57 : memref<!tpu.dma_semaphore, #tpu.memory_space<semaphore_mem>>)
      %dma_wait3A = arith.constant 0 : i32
      %dma_wait3A_67 = tpu.memref_slice %arg14[%run_scoped3A_25, %dma_wait3A] : memref<16x640xf32, #tpu.memory_space<vmem>> -> memref<1x640xf32, #tpu.memory_space<vmem>>
      %dma_wait3A_68 = tpu.memref_squeeze %dma_wait3A_67 : memref<1x640xf32, #tpu.memory_space<vmem>> -> memref<640xf32, #tpu.memory_space<vmem>>
      %dma_wait3A_69 = tpu.memref_slice %arg16[%run_scoped3A_24, %mul3A_10] : memref<16x10240xf32, #tpu.memory_space<vmem_shared>> -> memref<1x640xf32, #tpu.memory_space<vmem_shared>>
      %dma_wait3A_70 = tpu.memref_squeeze %dma_wait3A_69 : memref<1x640xf32, #tpu.memory_space<vmem_shared>> -> memref<640xf32, #tpu.memory_space<vmem_shared>>
      %dma_wait3A_71 = arith.constant 0 : i32
      %dma_wait3A_72 = tpu.memref_slice %arg14[%run_scoped3A_25, %dma_wait3A_71] : memref<16x640xf32, #tpu.memory_space<vmem>> -> memref<1x640xf32, #tpu.memory_space<vmem>>
      %dma_wait3A_73 = tpu.memref_squeeze %dma_wait3A_72 : memref<1x640xf32, #tpu.memory_space<vmem>> -> memref<640xf32, #tpu.memory_space<vmem>>
      %dma_wait3A_74 = tpu.memref_slice %arg16[%run_scoped3A_24, %mul3A_10] : memref<16x10240xf32, #tpu.memory_space<vmem_shared>> -> memref<1x640xf32, #tpu.memory_space<vmem_shared>>
      %dma_wait3A_75 = tpu.memref_squeeze %dma_wait3A_74 : memref<1x640xf32, #tpu.memory_space<vmem_shared>> -> memref<640xf32, #tpu.memory_space<vmem_shared>>
      tpu.wait_dma2 semaphore(%run_scoped3A_57 : memref<!tpu.dma_semaphore, #tpu.memory_space<semaphore_mem>>) src(%dma_wait3A_75 : memref<640xf32, #tpu.memory_space<vmem_shared>>) dst(%dma_wait3A_73 : memref<640xf32, #tpu.memory_space<vmem>>)
      tpu.yield
    }) : () -> ()
    %run_scoped3A_26 = arith.constant 8 : i32
    %run_scoped3A_27 = arith.constant 8 : i32
    "tpu.region"() ({
      %run_scoped3A_57 = tpu.sem_alloc : memref<!tpu.dma_semaphore, #tpu.memory_space<semaphore_mem>>
      %dma_start3A = arith.constant 0 : i32
      %dma_start3A_58 = tpu.memref_slice %arg14[%run_scoped3A_27, %dma_start3A] : memref<16x640xf32, #tpu.memory_space<vmem>> -> memref<1x640xf32, #tpu.memory_space<vmem>>
      %dma_start3A_59 = tpu.memref_squeeze %dma_start3A_58 : memref<1x640xf32, #tpu.memory_space<vmem>> -> memref<640xf32, #tpu.memory_space<vmem>>
      %dma_start3A_60 = tpu.memref_slice %arg16[%run_scoped3A_26, %mul3A_10] : memref<16x10240xf32, #tpu.memory_space<vmem_shared>> -> memref<1x640xf32, #tpu.memory_space<vmem_shared>>
      %dma_start3A_61 = tpu.memref_squeeze %dma_start3A_60 : memref<1x640xf32, #tpu.memory_space<vmem_shared>> -> memref<640xf32, #tpu.memory_space<vmem_shared>>
      %dma_start3A_62 = arith.constant 0 : i32
      %dma_start3A_63 = tpu.memref_slice %arg14[%run_scoped3A_27, %dma_start3A_62] : memref<16x640xf32, #tpu.memory_space<vmem>> -> memref<1x640xf32, #tpu.memory_space<vmem>>
      %dma_start3A_64 = tpu.memref_squeeze %dma_start3A_63 : memref<1x640xf32, #tpu.memory_space<vmem>> -> memref<640xf32, #tpu.memory_space<vmem>>
      %dma_start3A_65 = tpu.memref_slice %arg16[%run_scoped3A_26, %mul3A_10] : memref<16x10240xf32, #tpu.memory_space<vmem_shared>> -> memref<1x640xf32, #tpu.memory_space<vmem_shared>>
      %dma_start3A_66 = tpu.memref_squeeze %dma_start3A_65 : memref<1x640xf32, #tpu.memory_space<vmem_shared>> -> memref<640xf32, #tpu.memory_space<vmem_shared>>
      tpu.enqueue_dma source(%dma_start3A_66 : memref<640xf32, #tpu.memory_space<vmem_shared>>) target(%dma_start3A_64 : memref<640xf32, #tpu.memory_space<vmem>>) target_semaphore(%run_scoped3A_57 : memref<!tpu.dma_semaphore, #tpu.memory_space<semaphore_mem>>)
      %dma_wait3A = arith.constant 0 : i32
      %dma_wait3A_67 = tpu.memref_slice %arg14[%run_scoped3A_27, %dma_wait3A] : memref<16x640xf32, #tpu.memory_space<vmem>> -> memref<1x640xf32, #tpu.memory_space<vmem>>
      %dma_wait3A_68 = tpu.memref_squeeze %dma_wait3A_67 : memref<1x640xf32, #tpu.memory_space<vmem>> -> memref<640xf32, #tpu.memory_space<vmem>>
      %dma_wait3A_69 = tpu.memref_slice %arg16[%run_scoped3A_26, %mul3A_10] : memref<16x10240xf32, #tpu.memory_space<vmem_shared>> -> memref<1x640xf32, #tpu.memory_space<vmem_shared>>
      %dma_wait3A_70 = tpu.memref_squeeze %dma_wait3A_69 : memref<1x640xf32, #tpu.memory_space<vmem_shared>> -> memref<640xf32, #tpu.memory_space<vmem_shared>>
      %dma_wait3A_71 = arith.constant 0 : i32
      %dma_wait3A_72 = tpu.memref_slice %arg14[%run_scoped3A_27, %dma_wait3A_71] : memref<16x640xf32, #tpu.memory_space<vmem>> -> memref<1x640xf32, #tpu.memory_space<vmem>>
      %dma_wait3A_73 = tpu.memref_squeeze %dma_wait3A_72 : memref<1x640xf32, #tpu.memory_space<vmem>> -> memref<640xf32, #tpu.memory_space<vmem>>
      %dma_wait3A_74 = tpu.memref_slice %arg16[%run_scoped3A_26, %mul3A_10] : memref<16x10240xf32, #tpu.memory_space<vmem_shared>> -> memref<1x640xf32, #tpu.memory_space<vmem_shared>>
      %dma_wait3A_75 = tpu.memref_squeeze %dma_wait3A_74 : memref<1x640xf32, #tpu.memory_space<vmem_shared>> -> memref<640xf32, #tpu.memory_space<vmem_shared>>
      tpu.wait_dma2 semaphore(%run_scoped3A_57 : memref<!tpu.dma_semaphore, #tpu.memory_space<semaphore_mem>>) src(%dma_wait3A_75 : memref<640xf32, #tpu.memory_space<vmem_shared>>) dst(%dma_wait3A_73 : memref<640xf32, #tpu.memory_space<vmem>>)
      tpu.yield
    }) : () -> ()
    %run_scoped3A_28 = arith.constant 9 : i32
    %run_scoped3A_29 = arith.constant 9 : i32
    "tpu.region"() ({
      %run_scoped3A_57 = tpu.sem_alloc : memref<!tpu.dma_semaphore, #tpu.memory_space<semaphore_mem>>
      %dma_start3A = arith.constant 0 : i32
      %dma_start3A_58 = tpu.memref_slice %arg14[%run_scoped3A_29, %dma_start3A] : memref<16x640xf32, #tpu.memory_space<vmem>> -> memref<1x640xf32, #tpu.memory_space<vmem>>
      %dma_start3A_59 = tpu.memref_squeeze %dma_start3A_58 : memref<1x640xf32, #tpu.memory_space<vmem>> -> memref<640xf32, #tpu.memory_space<vmem>>
      %dma_start3A_60 = tpu.memref_slice %arg16[%run_scoped3A_28, %mul3A_10] : memref<16x10240xf32, #tpu.memory_space<vmem_shared>> -> memref<1x640xf32, #tpu.memory_space<vmem_shared>>
      %dma_start3A_61 = tpu.memref_squeeze %dma_start3A_60 : memref<1x640xf32, #tpu.memory_space<vmem_shared>> -> memref<640xf32, #tpu.memory_space<vmem_shared>>
      %dma_start3A_62 = arith.constant 0 : i32
      %dma_start3A_63 = tpu.memref_slice %arg14[%run_scoped3A_29, %dma_start3A_62] : memref<16x640xf32, #tpu.memory_space<vmem>> -> memref<1x640xf32, #tpu.memory_space<vmem>>
      %dma_start3A_64 = tpu.memref_squeeze %dma_start3A_63 : memref<1x640xf32, #tpu.memory_space<vmem>> -> memref<640xf32, #tpu.memory_space<vmem>>
      %dma_start3A_65 = tpu.memref_slice %arg16[%run_scoped3A_28, %mul3A_10] : memref<16x10240xf32, #tpu.memory_space<vmem_shared>> -> memref<1x640xf32, #tpu.memory_space<vmem_shared>>
      %dma_start3A_66 = tpu.memref_squeeze %dma_start3A_65 : memref<1x640xf32, #tpu.memory_space<vmem_shared>> -> memref<640xf32, #tpu.memory_space<vmem_shared>>
      tpu.enqueue_dma source(%dma_start3A_66 : memref<640xf32, #tpu.memory_space<vmem_shared>>) target(%dma_start3A_64 : memref<640xf32, #tpu.memory_space<vmem>>) target_semaphore(%run_scoped3A_57 : memref<!tpu.dma_semaphore, #tpu.memory_space<semaphore_mem>>)
      %dma_wait3A = arith.constant 0 : i32
      %dma_wait3A_67 = tpu.memref_slice %arg14[%run_scoped3A_29, %dma_wait3A] : memref<16x640xf32, #tpu.memory_space<vmem>> -> memref<1x640xf32, #tpu.memory_space<vmem>>
      %dma_wait3A_68 = tpu.memref_squeeze %dma_wait3A_67 : memref<1x640xf32, #tpu.memory_space<vmem>> -> memref<640xf32, #tpu.memory_space<vmem>>
      %dma_wait3A_69 = tpu.memref_slice %arg16[%run_scoped3A_28, %mul3A_10] : memref<16x10240xf32, #tpu.memory_space<vmem_shared>> -> memref<1x640xf32, #tpu.memory_space<vmem_shared>>
      %dma_wait3A_70 = tpu.memref_squeeze %dma_wait3A_69 : memref<1x640xf32, #tpu.memory_space<vmem_shared>> -> memref<640xf32, #tpu.memory_space<vmem_shared>>
      %dma_wait3A_71 = arith.constant 0 : i32
      %dma_wait3A_72 = tpu.memref_slice %arg14[%run_scoped3A_29, %dma_wait3A_71] : memref<16x640xf32, #tpu.memory_space<vmem>> -> memref<1x640xf32, #tpu.memory_space<vmem>>
      %dma_wait3A_73 = tpu.memref_squeeze %dma_wait3A_72 : memref<1x640xf32, #tpu.memory_space<vmem>> -> memref<640xf32, #tpu.memory_space<vmem>>
      %dma_wait3A_74 = tpu.memref_slice %arg16[%run_scoped3A_28, %mul3A_10] : memref<16x10240xf32, #tpu.memory_space<vmem_shared>> -> memref<1x640xf32, #tpu.memory_space<vmem_shared>>
      %dma_wait3A_75 = tpu.memref_squeeze %dma_wait3A_74 : memref<1x640xf32, #tpu.memory_space<vmem_shared>> -> memref<640xf32, #tpu.memory_space<vmem_shared>>
      tpu.wait_dma2 semaphore(%run_scoped3A_57 : memref<!tpu.dma_semaphore, #tpu.memory_space<semaphore_mem>>) src(%dma_wait3A_75 : memref<640xf32, #tpu.memory_space<vmem_shared>>) dst(%dma_wait3A_73 : memref<640xf32, #tpu.memory_space<vmem>>)
      tpu.yield
    }) : () -> ()
    %run_scoped3A_30 = arith.constant 10 : i32
    %run_scoped3A_31 = arith.constant 10 : i32
    "tpu.region"() ({
      %run_scoped3A_57 = tpu.sem_alloc : memref<!tpu.dma_semaphore, #tpu.memory_space<semaphore_mem>>
      %dma_start3A = arith.constant 0 : i32
      %dma_start3A_58 = tpu.memref_slice %arg14[%run_scoped3A_31, %dma_start3A] : memref<16x640xf32, #tpu.memory_space<vmem>> -> memref<1x640xf32, #tpu.memory_space<vmem>>
      %dma_start3A_59 = tpu.memref_squeeze %dma_start3A_58 : memref<1x640xf32, #tpu.memory_space<vmem>> -> memref<640xf32, #tpu.memory_space<vmem>>
      %dma_start3A_60 = tpu.memref_slice %arg16[%run_scoped3A_30, %mul3A_10] : memref<16x10240xf32, #tpu.memory_space<vmem_shared>> -> memref<1x640xf32, #tpu.memory_space<vmem_shared>>
      %dma_start3A_61 = tpu.memref_squeeze %dma_start3A_60 : memref<1x640xf32, #tpu.memory_space<vmem_shared>> -> memref<640xf32, #tpu.memory_space<vmem_shared>>
      %dma_start3A_62 = arith.constant 0 : i32
      %dma_start3A_63 = tpu.memref_slice %arg14[%run_scoped3A_31, %dma_start3A_62] : memref<16x640xf32, #tpu.memory_space<vmem>> -> memref<1x640xf32, #tpu.memory_space<vmem>>
      %dma_start3A_64 = tpu.memref_squeeze %dma_start3A_63 : memref<1x640xf32, #tpu.memory_space<vmem>> -> memref<640xf32, #tpu.memory_space<vmem>>
      %dma_start3A_65 = tpu.memref_slice %arg16[%run_scoped3A_30, %mul3A_10] : memref<16x10240xf32, #tpu.memory_space<vmem_shared>> -> memref<1x640xf32, #tpu.memory_space<vmem_shared>>
      %dma_start3A_66 = tpu.memref_squeeze %dma_start3A_65 : memref<1x640xf32, #tpu.memory_space<vmem_shared>> -> memref<640xf32, #tpu.memory_space<vmem_shared>>
      tpu.enqueue_dma source(%dma_start3A_66 : memref<640xf32, #tpu.memory_space<vmem_shared>>) target(%dma_start3A_64 : memref<640xf32, #tpu.memory_space<vmem>>) target_semaphore(%run_scoped3A_57 : memref<!tpu.dma_semaphore, #tpu.memory_space<semaphore_mem>>)
      %dma_wait3A = arith.constant 0 : i32
      %dma_wait3A_67 = tpu.memref_slice %arg14[%run_scoped3A_31, %dma_wait3A] : memref<16x640xf32, #tpu.memory_space<vmem>> -> memref<1x640xf32, #tpu.memory_space<vmem>>
      %dma_wait3A_68 = tpu.memref_squeeze %dma_wait3A_67 : memref<1x640xf32, #tpu.memory_space<vmem>> -> memref<640xf32, #tpu.memory_space<vmem>>
      %dma_wait3A_69 = tpu.memref_slice %arg16[%run_scoped3A_30, %mul3A_10] : memref<16x10240xf32, #tpu.memory_space<vmem_shared>> -> memref<1x640xf32, #tpu.memory_space<vmem_shared>>
      %dma_wait3A_70 = tpu.memref_squeeze %dma_wait3A_69 : memref<1x640xf32, #tpu.memory_space<vmem_shared>> -> memref<640xf32, #tpu.memory_space<vmem_shared>>
      %dma_wait3A_71 = arith.constant 0 : i32
      %dma_wait3A_72 = tpu.memref_slice %arg14[%run_scoped3A_31, %dma_wait3A_71] : memref<16x640xf32, #tpu.memory_space<vmem>> -> memref<1x640xf32, #tpu.memory_space<vmem>>
      %dma_wait3A_73 = tpu.memref_squeeze %dma_wait3A_72 : memref<1x640xf32, #tpu.memory_space<vmem>> -> memref<640xf32, #tpu.memory_space<vmem>>
      %dma_wait3A_74 = tpu.memref_slice %arg16[%run_scoped3A_30, %mul3A_10] : memref<16x10240xf32, #tpu.memory_space<vmem_shared>> -> memref<1x640xf32, #tpu.memory_space<vmem_shared>>
      %dma_wait3A_75 = tpu.memref_squeeze %dma_wait3A_74 : memref<1x640xf32, #tpu.memory_space<vmem_shared>> -> memref<640xf32, #tpu.memory_space<vmem_shared>>
      tpu.wait_dma2 semaphore(%run_scoped3A_57 : memref<!tpu.dma_semaphore, #tpu.memory_space<semaphore_mem>>) src(%dma_wait3A_75 : memref<640xf32, #tpu.memory_space<vmem_shared>>) dst(%dma_wait3A_73 : memref<640xf32, #tpu.memory_space<vmem>>)
      tpu.yield
    }) : () -> ()
    %run_scoped3A_32 = arith.constant 11 : i32
    %run_scoped3A_33 = arith.constant 11 : i32
    "tpu.region"() ({
      %run_scoped3A_57 = tpu.sem_alloc : memref<!tpu.dma_semaphore, #tpu.memory_space<semaphore_mem>>
      %dma_start3A = arith.constant 0 : i32
      %dma_start3A_58 = tpu.memref_slice %arg14[%run_scoped3A_33, %dma_start3A] : memref<16x640xf32, #tpu.memory_space<vmem>> -> memref<1x640xf32, #tpu.memory_space<vmem>>
      %dma_start3A_59 = tpu.memref_squeeze %dma_start3A_58 : memref<1x640xf32, #tpu.memory_space<vmem>> -> memref<640xf32, #tpu.memory_space<vmem>>
      %dma_start3A_60 = tpu.memref_slice %arg16[%run_scoped3A_32, %mul3A_10] : memref<16x10240xf32, #tpu.memory_space<vmem_shared>> -> memref<1x640xf32, #tpu.memory_space<vmem_shared>>
      %dma_start3A_61 = tpu.memref_squeeze %dma_start3A_60 : memref<1x640xf32, #tpu.memory_space<vmem_shared>> -> memref<640xf32, #tpu.memory_space<vmem_shared>>
      %dma_start3A_62 = arith.constant 0 : i32
      %dma_start3A_63 = tpu.memref_slice %arg14[%run_scoped3A_33, %dma_start3A_62] : memref<16x640xf32, #tpu.memory_space<vmem>> -> memref<1x640xf32, #tpu.memory_space<vmem>>
      %dma_start3A_64 = tpu.memref_squeeze %dma_start3A_63 : memref<1x640xf32, #tpu.memory_space<vmem>> -> memref<640xf32, #tpu.memory_space<vmem>>
      %dma_start3A_65 = tpu.memref_slice %arg16[%run_scoped3A_32, %mul3A_10] : memref<16x10240xf32, #tpu.memory_space<vmem_shared>> -> memref<1x640xf32, #tpu.memory_space<vmem_shared>>
      %dma_start3A_66 = tpu.memref_squeeze %dma_start3A_65 : memref<1x640xf32, #tpu.memory_space<vmem_shared>> -> memref<640xf32, #tpu.memory_space<vmem_shared>>
      tpu.enqueue_dma source(%dma_start3A_66 : memref<640xf32, #tpu.memory_space<vmem_shared>>) target(%dma_start3A_64 : memref<640xf32, #tpu.memory_space<vmem>>) target_semaphore(%run_scoped3A_57 : memref<!tpu.dma_semaphore, #tpu.memory_space<semaphore_mem>>)
      %dma_wait3A = arith.constant 0 : i32
      %dma_wait3A_67 = tpu.memref_slice %arg14[%run_scoped3A_33, %dma_wait3A] : memref<16x640xf32, #tpu.memory_space<vmem>> -> memref<1x640xf32, #tpu.memory_space<vmem>>
      %dma_wait3A_68 = tpu.memref_squeeze %dma_wait3A_67 : memref<1x640xf32, #tpu.memory_space<vmem>> -> memref<640xf32, #tpu.memory_space<vmem>>
      %dma_wait3A_69 = tpu.memref_slice %arg16[%run_scoped3A_32, %mul3A_10] : memref<16x10240xf32, #tpu.memory_space<vmem_shared>> -> memref<1x640xf32, #tpu.memory_space<vmem_shared>>
      %dma_wait3A_70 = tpu.memref_squeeze %dma_wait3A_69 : memref<1x640xf32, #tpu.memory_space<vmem_shared>> -> memref<640xf32, #tpu.memory_space<vmem_shared>>
      %dma_wait3A_71 = arith.constant 0 : i32
      %dma_wait3A_72 = tpu.memref_slice %arg14[%run_scoped3A_33, %dma_wait3A_71] : memref<16x640xf32, #tpu.memory_space<vmem>> -> memref<1x640xf32, #tpu.memory_space<vmem>>
      %dma_wait3A_73 = tpu.memref_squeeze %dma_wait3A_72 : memref<1x640xf32, #tpu.memory_space<vmem>> -> memref<640xf32, #tpu.memory_space<vmem>>
      %dma_wait3A_74 = tpu.memref_slice %arg16[%run_scoped3A_32, %mul3A_10] : memref<16x10240xf32, #tpu.memory_space<vmem_shared>> -> memref<1x640xf32, #tpu.memory_space<vmem_shared>>
      %dma_wait3A_75 = tpu.memref_squeeze %dma_wait3A_74 : memref<1x640xf32, #tpu.memory_space<vmem_shared>> -> memref<640xf32, #tpu.memory_space<vmem_shared>>
      tpu.wait_dma2 semaphore(%run_scoped3A_57 : memref<!tpu.dma_semaphore, #tpu.memory_space<semaphore_mem>>) src(%dma_wait3A_75 : memref<640xf32, #tpu.memory_space<vmem_shared>>) dst(%dma_wait3A_73 : memref<640xf32, #tpu.memory_space<vmem>>)
      tpu.yield
    }) : () -> ()
    %run_scoped3A_34 = arith.constant 12 : i32
    %run_scoped3A_35 = arith.constant 12 : i32
    "tpu.region"() ({
      %run_scoped3A_57 = tpu.sem_alloc : memref<!tpu.dma_semaphore, #tpu.memory_space<semaphore_mem>>
      %dma_start3A = arith.constant 0 : i32
      %dma_start3A_58 = tpu.memref_slice %arg14[%run_scoped3A_35, %dma_start3A] : memref<16x640xf32, #tpu.memory_space<vmem>> -> memref<1x640xf32, #tpu.memory_space<vmem>>
      %dma_start3A_59 = tpu.memref_squeeze %dma_start3A_58 : memref<1x640xf32, #tpu.memory_space<vmem>> -> memref<640xf32, #tpu.memory_space<vmem>>
      %dma_start3A_60 = tpu.memref_slice %arg16[%run_scoped3A_34, %mul3A_10] : memref<16x10240xf32, #tpu.memory_space<vmem_shared>> -> memref<1x640xf32, #tpu.memory_space<vmem_shared>>
      %dma_start3A_61 = tpu.memref_squeeze %dma_start3A_60 : memref<1x640xf32, #tpu.memory_space<vmem_shared>> -> memref<640xf32, #tpu.memory_space<vmem_shared>>
      %dma_start3A_62 = arith.constant 0 : i32
      %dma_start3A_63 = tpu.memref_slice %arg14[%run_scoped3A_35, %dma_start3A_62] : memref<16x640xf32, #tpu.memory_space<vmem>> -> memref<1x640xf32, #tpu.memory_space<vmem>>
      %dma_start3A_64 = tpu.memref_squeeze %dma_start3A_63 : memref<1x640xf32, #tpu.memory_space<vmem>> -> memref<640xf32, #tpu.memory_space<vmem>>
      %dma_start3A_65 = tpu.memref_slice %arg16[%run_scoped3A_34, %mul3A_10] : memref<16x10240xf32, #tpu.memory_space<vmem_shared>> -> memref<1x640xf32, #tpu.memory_space<vmem_shared>>
      %dma_start3A_66 = tpu.memref_squeeze %dma_start3A_65 : memref<1x640xf32, #tpu.memory_space<vmem_shared>> -> memref<640xf32, #tpu.memory_space<vmem_shared>>
      tpu.enqueue_dma source(%dma_start3A_66 : memref<640xf32, #tpu.memory_space<vmem_shared>>) target(%dma_start3A_64 : memref<640xf32, #tpu.memory_space<vmem>>) target_semaphore(%run_scoped3A_57 : memref<!tpu.dma_semaphore, #tpu.memory_space<semaphore_mem>>)
      %dma_wait3A = arith.constant 0 : i32
      %dma_wait3A_67 = tpu.memref_slice %arg14[%run_scoped3A_35, %dma_wait3A] : memref<16x640xf32, #tpu.memory_space<vmem>> -> memref<1x640xf32, #tpu.memory_space<vmem>>
      %dma_wait3A_68 = tpu.memref_squeeze %dma_wait3A_67 : memref<1x640xf32, #tpu.memory_space<vmem>> -> memref<640xf32, #tpu.memory_space<vmem>>
      %dma_wait3A_69 = tpu.memref_slice %arg16[%run_scoped3A_34, %mul3A_10] : memref<16x10240xf32, #tpu.memory_space<vmem_shared>> -> memref<1x640xf32, #tpu.memory_space<vmem_shared>>
      %dma_wait3A_70 = tpu.memref_squeeze %dma_wait3A_69 : memref<1x640xf32, #tpu.memory_space<vmem_shared>> -> memref<640xf32, #tpu.memory_space<vmem_shared>>
      %dma_wait3A_71 = arith.constant 0 : i32
      %dma_wait3A_72 = tpu.memref_slice %arg14[%run_scoped3A_35, %dma_wait3A_71] : memref<16x640xf32, #tpu.memory_space<vmem>> -> memref<1x640xf32, #tpu.memory_space<vmem>>
      %dma_wait3A_73 = tpu.memref_squeeze %dma_wait3A_72 : memref<1x640xf32, #tpu.memory_space<vmem>> -> memref<640xf32, #tpu.memory_space<vmem>>
      %dma_wait3A_74 = tpu.memref_slice %arg16[%run_scoped3A_34, %mul3A_10] : memref<16x10240xf32, #tpu.memory_space<vmem_shared>> -> memref<1x640xf32, #tpu.memory_space<vmem_shared>>
      %dma_wait3A_75 = tpu.memref_squeeze %dma_wait3A_74 : memref<1x640xf32, #tpu.memory_space<vmem_shared>> -> memref<640xf32, #tpu.memory_space<vmem_shared>>
      tpu.wait_dma2 semaphore(%run_scoped3A_57 : memref<!tpu.dma_semaphore, #tpu.memory_space<semaphore_mem>>) src(%dma_wait3A_75 : memref<640xf32, #tpu.memory_space<vmem_shared>>) dst(%dma_wait3A_73 : memref<640xf32, #tpu.memory_space<vmem>>)
      tpu.yield
    }) : () -> ()
    %run_scoped3A_36 = arith.constant 13 : i32
    %run_scoped3A_37 = arith.constant 13 : i32
    "tpu.region"() ({
      %run_scoped3A_57 = tpu.sem_alloc : memref<!tpu.dma_semaphore, #tpu.memory_space<semaphore_mem>>
      %dma_start3A = arith.constant 0 : i32
      %dma_start3A_58 = tpu.memref_slice %arg14[%run_scoped3A_37, %dma_start3A] : memref<16x640xf32, #tpu.memory_space<vmem>> -> memref<1x640xf32, #tpu.memory_space<vmem>>
      %dma_start3A_59 = tpu.memref_squeeze %dma_start3A_58 : memref<1x640xf32, #tpu.memory_space<vmem>> -> memref<640xf32, #tpu.memory_space<vmem>>
      %dma_start3A_60 = tpu.memref_slice %arg16[%run_scoped3A_36, %mul3A_10] : memref<16x10240xf32, #tpu.memory_space<vmem_shared>> -> memref<1x640xf32, #tpu.memory_space<vmem_shared>>
      %dma_start3A_61 = tpu.memref_squeeze %dma_start3A_60 : memref<1x640xf32, #tpu.memory_space<vmem_shared>> -> memref<640xf32, #tpu.memory_space<vmem_shared>>
      %dma_start3A_62 = arith.constant 0 : i32
      %dma_start3A_63 = tpu.memref_slice %arg14[%run_scoped3A_37, %dma_start3A_62] : memref<16x640xf32, #tpu.memory_space<vmem>> -> memref<1x640xf32, #tpu.memory_space<vmem>>
      %dma_start3A_64 = tpu.memref_squeeze %dma_start3A_63 : memref<1x640xf32, #tpu.memory_space<vmem>> -> memref<640xf32, #tpu.memory_space<vmem>>
      %dma_start3A_65 = tpu.memref_slice %arg16[%run_scoped3A_36, %mul3A_10] : memref<16x10240xf32, #tpu.memory_space<vmem_shared>> -> memref<1x640xf32, #tpu.memory_space<vmem_shared>>
      %dma_start3A_66 = tpu.memref_squeeze %dma_start3A_65 : memref<1x640xf32, #tpu.memory_space<vmem_shared>> -> memref<640xf32, #tpu.memory_space<vmem_shared>>
      tpu.enqueue_dma source(%dma_start3A_66 : memref<640xf32, #tpu.memory_space<vmem_shared>>) target(%dma_start3A_64 : memref<640xf32, #tpu.memory_space<vmem>>) target_semaphore(%run_scoped3A_57 : memref<!tpu.dma_semaphore, #tpu.memory_space<semaphore_mem>>)
      %dma_wait3A = arith.constant 0 : i32
      %dma_wait3A_67 = tpu.memref_slice %arg14[%run_scoped3A_37, %dma_wait3A] : memref<16x640xf32, #tpu.memory_space<vmem>> -> memref<1x640xf32, #tpu.memory_space<vmem>>
      %dma_wait3A_68 = tpu.memref_squeeze %dma_wait3A_67 : memref<1x640xf32, #tpu.memory_space<vmem>> -> memref<640xf32, #tpu.memory_space<vmem>>
      %dma_wait3A_69 = tpu.memref_slice %arg16[%run_scoped3A_36, %mul3A_10] : memref<16x10240xf32, #tpu.memory_space<vmem_shared>> -> memref<1x640xf32, #tpu.memory_space<vmem_shared>>
      %dma_wait3A_70 = tpu.memref_squeeze %dma_wait3A_69 : memref<1x640xf32, #tpu.memory_space<vmem_shared>> -> memref<640xf32, #tpu.memory_space<vmem_shared>>
      %dma_wait3A_71 = arith.constant 0 : i32
      %dma_wait3A_72 = tpu.memref_slice %arg14[%run_scoped3A_37, %dma_wait3A_71] : memref<16x640xf32, #tpu.memory_space<vmem>> -> memref<1x640xf32, #tpu.memory_space<vmem>>
      %dma_wait3A_73 = tpu.memref_squeeze %dma_wait3A_72 : memref<1x640xf32, #tpu.memory_space<vmem>> -> memref<640xf32, #tpu.memory_space<vmem>>
      %dma_wait3A_74 = tpu.memref_slice %arg16[%run_scoped3A_36, %mul3A_10] : memref<16x10240xf32, #tpu.memory_space<vmem_shared>> -> memref<1x640xf32, #tpu.memory_space<vmem_shared>>
      %dma_wait3A_75 = tpu.memref_squeeze %dma_wait3A_74 : memref<1x640xf32, #tpu.memory_space<vmem_shared>> -> memref<640xf32, #tpu.memory_space<vmem_shared>>
      tpu.wait_dma2 semaphore(%run_scoped3A_57 : memref<!tpu.dma_semaphore, #tpu.memory_space<semaphore_mem>>) src(%dma_wait3A_75 : memref<640xf32, #tpu.memory_space<vmem_shared>>) dst(%dma_wait3A_73 : memref<640xf32, #tpu.memory_space<vmem>>)
      tpu.yield
    }) : () -> ()
    %run_scoped3A_38 = arith.constant 14 : i32
    %run_scoped3A_39 = arith.constant 14 : i32
    "tpu.region"() ({
      %run_scoped3A_57 = tpu.sem_alloc : memref<!tpu.dma_semaphore, #tpu.memory_space<semaphore_mem>>
      %dma_start3A = arith.constant 0 : i32
      %dma_start3A_58 = tpu.memref_slice %arg14[%run_scoped3A_39, %dma_start3A] : memref<16x640xf32, #tpu.memory_space<vmem>> -> memref<1x640xf32, #tpu.memory_space<vmem>>
      %dma_start3A_59 = tpu.memref_squeeze %dma_start3A_58 : memref<1x640xf32, #tpu.memory_space<vmem>> -> memref<640xf32, #tpu.memory_space<vmem>>
      %dma_start3A_60 = tpu.memref_slice %arg16[%run_scoped3A_38, %mul3A_10] : memref<16x10240xf32, #tpu.memory_space<vmem_shared>> -> memref<1x640xf32, #tpu.memory_space<vmem_shared>>
      %dma_start3A_61 = tpu.memref_squeeze %dma_start3A_60 : memref<1x640xf32, #tpu.memory_space<vmem_shared>> -> memref<640xf32, #tpu.memory_space<vmem_shared>>
      %dma_start3A_62 = arith.constant 0 : i32
      %dma_start3A_63 = tpu.memref_slice %arg14[%run_scoped3A_39, %dma_start3A_62] : memref<16x640xf32, #tpu.memory_space<vmem>> -> memref<1x640xf32, #tpu.memory_space<vmem>>
      %dma_start3A_64 = tpu.memref_squeeze %dma_start3A_63 : memref<1x640xf32, #tpu.memory_space<vmem>> -> memref<640xf32, #tpu.memory_space<vmem>>
      %dma_start3A_65 = tpu.memref_slice %arg16[%run_scoped3A_38, %mul3A_10] : memref<16x10240xf32, #tpu.memory_space<vmem_shared>> -> memref<1x640xf32, #tpu.memory_space<vmem_shared>>
      %dma_start3A_66 = tpu.memref_squeeze %dma_start3A_65 : memref<1x640xf32, #tpu.memory_space<vmem_shared>> -> memref<640xf32, #tpu.memory_space<vmem_shared>>
      tpu.enqueue_dma source(%dma_start3A_66 : memref<640xf32, #tpu.memory_space<vmem_shared>>) target(%dma_start3A_64 : memref<640xf32, #tpu.memory_space<vmem>>) target_semaphore(%run_scoped3A_57 : memref<!tpu.dma_semaphore, #tpu.memory_space<semaphore_mem>>)
      %dma_wait3A = arith.constant 0 : i32
      %dma_wait3A_67 = tpu.memref_slice %arg14[%run_scoped3A_39, %dma_wait3A] : memref<16x640xf32, #tpu.memory_space<vmem>> -> memref<1x640xf32, #tpu.memory_space<vmem>>
      %dma_wait3A_68 = tpu.memref_squeeze %dma_wait3A_67 : memref<1x640xf32, #tpu.memory_space<vmem>> -> memref<640xf32, #tpu.memory_space<vmem>>
      %dma_wait3A_69 = tpu.memref_slice %arg16[%run_scoped3A_38, %mul3A_10] : memref<16x10240xf32, #tpu.memory_space<vmem_shared>> -> memref<1x640xf32, #tpu.memory_space<vmem_shared>>
      %dma_wait3A_70 = tpu.memref_squeeze %dma_wait3A_69 : memref<1x640xf32, #tpu.memory_space<vmem_shared>> -> memref<640xf32, #tpu.memory_space<vmem_shared>>
      %dma_wait3A_71 = arith.constant 0 : i32
      %dma_wait3A_72 = tpu.memref_slice %arg14[%run_scoped3A_39, %dma_wait3A_71] : memref<16x640xf32, #tpu.memory_space<vmem>> -> memref<1x640xf32, #tpu.memory_space<vmem>>
      %dma_wait3A_73 = tpu.memref_squeeze %dma_wait3A_72 : memref<1x640xf32, #tpu.memory_space<vmem>> -> memref<640xf32, #tpu.memory_space<vmem>>
      %dma_wait3A_74 = tpu.memref_slice %arg16[%run_scoped3A_38, %mul3A_10] : memref<16x10240xf32, #tpu.memory_space<vmem_shared>> -> memref<1x640xf32, #tpu.memory_space<vmem_shared>>
      %dma_wait3A_75 = tpu.memref_squeeze %dma_wait3A_74 : memref<1x640xf32, #tpu.memory_space<vmem_shared>> -> memref<640xf32, #tpu.memory_space<vmem_shared>>
      tpu.wait_dma2 semaphore(%run_scoped3A_57 : memref<!tpu.dma_semaphore, #tpu.memory_space<semaphore_mem>>) src(%dma_wait3A_75 : memref<640xf32, #tpu.memory_space<vmem_shared>>) dst(%dma_wait3A_73 : memref<640xf32, #tpu.memory_space<vmem>>)
      tpu.yield
    }) : () -> ()
    %run_scoped3A_40 = arith.constant 15 : i32
    %run_scoped3A_41 = arith.constant 15 : i32
    "tpu.region"() ({
      %run_scoped3A_57 = tpu.sem_alloc : memref<!tpu.dma_semaphore, #tpu.memory_space<semaphore_mem>>
      %dma_start3A = arith.constant 0 : i32
      %dma_start3A_58 = tpu.memref_slice %arg14[%run_scoped3A_41, %dma_start3A] : memref<16x640xf32, #tpu.memory_space<vmem>> -> memref<1x640xf32, #tpu.memory_space<vmem>>
      %dma_start3A_59 = tpu.memref_squeeze %dma_start3A_58 : memref<1x640xf32, #tpu.memory_space<vmem>> -> memref<640xf32, #tpu.memory_space<vmem>>
      %dma_start3A_60 = tpu.memref_slice %arg16[%run_scoped3A_40, %mul3A_10] : memref<16x10240xf32, #tpu.memory_space<vmem_shared>> -> memref<1x640xf32, #tpu.memory_space<vmem_shared>>
      %dma_start3A_61 = tpu.memref_squeeze %dma_start3A_60 : memref<1x640xf32, #tpu.memory_space<vmem_shared>> -> memref<640xf32, #tpu.memory_space<vmem_shared>>
      %dma_start3A_62 = arith.constant 0 : i32
      %dma_start3A_63 = tpu.memref_slice %arg14[%run_scoped3A_41, %dma_start3A_62] : memref<16x640xf32, #tpu.memory_space<vmem>> -> memref<1x640xf32, #tpu.memory_space<vmem>>
      %dma_start3A_64 = tpu.memref_squeeze %dma_start3A_63 : memref<1x640xf32, #tpu.memory_space<vmem>> -> memref<640xf32, #tpu.memory_space<vmem>>
      %dma_start3A_65 = tpu.memref_slice %arg16[%run_scoped3A_40, %mul3A_10] : memref<16x10240xf32, #tpu.memory_space<vmem_shared>> -> memref<1x640xf32, #tpu.memory_space<vmem_shared>>
      %dma_start3A_66 = tpu.memref_squeeze %dma_start3A_65 : memref<1x640xf32, #tpu.memory_space<vmem_shared>> -> memref<640xf32, #tpu.memory_space<vmem_shared>>
      tpu.enqueue_dma source(%dma_start3A_66 : memref<640xf32, #tpu.memory_space<vmem_shared>>) target(%dma_start3A_64 : memref<640xf32, #tpu.memory_space<vmem>>) target_semaphore(%run_scoped3A_57 : memref<!tpu.dma_semaphore, #tpu.memory_space<semaphore_mem>>)
      %dma_wait3A = arith.constant 0 : i32
      %dma_wait3A_67 = tpu.memref_slice %arg14[%run_scoped3A_41, %dma_wait3A] : memref<16x640xf32, #tpu.memory_space<vmem>> -> memref<1x640xf32, #tpu.memory_space<vmem>>
      %dma_wait3A_68 = tpu.memref_squeeze %dma_wait3A_67 : memref<1x640xf32, #tpu.memory_space<vmem>> -> memref<640xf32, #tpu.memory_space<vmem>>
      %dma_wait3A_69 = tpu.memref_slice %arg16[%run_scoped3A_40, %mul3A_10] : memref<16x10240xf32, #tpu.memory_space<vmem_shared>> -> memref<1x640xf32, #tpu.memory_space<vmem_shared>>
      %dma_wait3A_70 = tpu.memref_squeeze %dma_wait3A_69 : memref<1x640xf32, #tpu.memory_space<vmem_shared>> -> memref<640xf32, #tpu.memory_space<vmem_shared>>
      %dma_wait3A_71 = arith.constant 0 : i32
      %dma_wait3A_72 = tpu.memref_slice %arg14[%run_scoped3A_41, %dma_wait3A_71] : memref<16x640xf32, #tpu.memory_space<vmem>> -> memref<1x640xf32, #tpu.memory_space<vmem>>
      %dma_wait3A_73 = tpu.memref_squeeze %dma_wait3A_72 : memref<1x640xf32, #tpu.memory_space<vmem>> -> memref<640xf32, #tpu.memory_space<vmem>>
      %dma_wait3A_74 = tpu.memref_slice %arg16[%run_scoped3A_40, %mul3A_10] : memref<16x10240xf32, #tpu.memory_space<vmem_shared>> -> memref<1x640xf32, #tpu.memory_space<vmem_shared>>
      %dma_wait3A_75 = tpu.memref_squeeze %dma_wait3A_74 : memref<1x640xf32, #tpu.memory_space<vmem_shared>> -> memref<640xf32, #tpu.memory_space<vmem_shared>>
      tpu.wait_dma2 semaphore(%run_scoped3A_57 : memref<!tpu.dma_semaphore, #tpu.memory_space<semaphore_mem>>) src(%dma_wait3A_75 : memref<640xf32, #tpu.memory_space<vmem_shared>>) dst(%dma_wait3A_73 : memref<640xf32, #tpu.memory_space<vmem>>)
      tpu.yield
    }) : () -> ()
    %scan3A = arith.constant 0 : i32
    %scan3A_42 = arith.constant 0 : i32
    %scan3A_43 = arith.constant 40 : i32
    %scan3A_44 = arith.addi %scan3A_42, %scan3A_43 : i32
    %scan3A_45 = arith.constant 1 : i32
    scf.for %scan3A_57 = %scan3A_42 to %scan3A_44 step %scan3A_45  : i32 {
      %mul3A_58 = arith.constant 16 : i32
      %mul3A_59 = arith.muli %scan3A_57, %mul3A_58 : i32
      %get3A = arith.constant 0 : i32
      %get3A_60 = arith.index_cast %get3A : i32 to index
      %get3A_61 = arith.index_cast %mul3A_59 : i32 to index
      %get3A_62 = tpu.vector_load %arg14[%get3A_60, %get3A_61] {strides = array<i32>} : memref<16x640xf32, #tpu.memory_space<vmem>>, vector<16xf32>,
      %get3A_63 = arith.constant 1 : i32
      %get3A_64 = arith.index_cast %get3A_63 : i32 to index
      %get3A_65 = arith.index_cast %mul3A_59 : i32 to index
      %get3A_66 = tpu.vector_load %arg14[%get3A_64, %get3A_65] {strides = array<i32>} : memref<16x640xf32, #tpu.memory_space<vmem>>, vector<16xf32>,
      %add3A = arith.addf %get3A_62, %get3A_66 : vector<16xf32>
      %get3A_67 = arith.constant 2 : i32
      %get3A_68 = arith.index_cast %get3A_67 : i32 to index
      %get3A_69 = arith.index_cast %mul3A_59 : i32 to index
      %get3A_70 = tpu.vector_load %arg14[%get3A_68, %get3A_69] {strides = array<i32>} : memref<16x640xf32, #tpu.memory_space<vmem>>, vector<16xf32>,
      %add3A_71 = arith.addf %add3A, %get3A_70 : vector<16xf32>
      %get3A_72 = arith.constant 3 : i32
      %get3A_73 = arith.index_cast %get3A_72 : i32 to index
      %get3A_74 = arith.index_cast %mul3A_59 : i32 to index
      %get3A_75 = tpu.vector_load %arg14[%get3A_73, %get3A_74] {strides = array<i32>} : memref<16x640xf32, #tpu.memory_space<vmem>>, vector<16xf32>,
      %add3A_76 = arith.addf %add3A_71, %get3A_75 : vector<16xf32>
      %get3A_77 = arith.constant 4 : i32
      %get3A_78 = arith.index_cast %get3A_77 : i32 to index
      %get3A_79 = arith.index_cast %mul3A_59 : i32 to index
      %get3A_80 = tpu.vector_load %arg14[%get3A_78, %get3A_79] {strides = array<i32>} : memref<16x640xf32, #tpu.memory_space<vmem>>, vector<16xf32>,
      %add3A_81 = arith.addf %add3A_76, %get3A_80 : vector<16xf32>
      %get3A_82 = arith.constant 5 : i32
      %get3A_83 = arith.index_cast %get3A_82 : i32 to index
      %get3A_84 = arith.index_cast %mul3A_59 : i32 to index
      %get3A_85 = tpu.vector_load %arg14[%get3A_83, %get3A_84] {strides = array<i32>} : memref<16x640xf32, #tpu.memory_space<vmem>>, vector<16xf32>,
      %add3A_86 = arith.addf %add3A_81, %get3A_85 : vector<16xf32>
      %get3A_87 = arith.constant 6 : i32
      %get3A_88 = arith.index_cast %get3A_87 : i32 to index
      %get3A_89 = arith.index_cast %mul3A_59 : i32 to index
      %get3A_90 = tpu.vector_load %arg14[%get3A_88, %get3A_89] {strides = array<i32>} : memref<16x640xf32, #tpu.memory_space<vmem>>, vector<16xf32>,
      %add3A_91 = arith.addf %add3A_86, %get3A_90 : vector<16xf32>
      %get3A_92 = arith.constant 7 : i32
      %get3A_93 = arith.index_cast %get3A_92 : i32 to index
      %get3A_94 = arith.index_cast %mul3A_59 : i32 to index
      %get3A_95 = tpu.vector_load %arg14[%get3A_93, %get3A_94] {strides = array<i32>} : memref<16x640xf32, #tpu.memory_space<vmem>>, vector<16xf32>,
      %add3A_96 = arith.addf %add3A_91, %get3A_95 : vector<16xf32>
      %get3A_97 = arith.constant 8 : i32
      %get3A_98 = arith.index_cast %get3A_97 : i32 to index
      %get3A_99 = arith.index_cast %mul3A_59 : i32 to index
      %get3A_100 = tpu.vector_load %arg14[%get3A_98, %get3A_99] {strides = array<i32>} : memref<16x640xf32, #tpu.memory_space<vmem>>, vector<16xf32>,
      %add3A_101 = arith.addf %add3A_96, %get3A_100 : vector<16xf32>
      %get3A_102 = arith.constant 9 : i32
      %get3A_103 = arith.index_cast %get3A_102 : i32 to index
      %get3A_104 = arith.index_cast %mul3A_59 : i32 to index
      %get3A_105 = tpu.vector_load %arg14[%get3A_103, %get3A_104] {strides = array<i32>} : memref<16x640xf32, #tpu.memory_space<vmem>>, vector<16xf32>,
      %add3A_106 = arith.addf %add3A_101, %get3A_105 : vector<16xf32>
      %get3A_107 = arith.constant 10 : i32
      %get3A_108 = arith.index_cast %get3A_107 : i32 to index
      %get3A_109 = arith.index_cast %mul3A_59 : i32 to index
      %get3A_110 = tpu.vector_load %arg14[%get3A_108, %get3A_109] {strides = array<i32>} : memref<16x640xf32, #tpu.memory_space<vmem>>, vector<16xf32>,
      %add3A_111 = arith.addf %add3A_106, %get3A_110 : vector<16xf32>
      %get3A_112 = arith.constant 11 : i32
      %get3A_113 = arith.index_cast %get3A_112 : i32 to index
      %get3A_114 = arith.index_cast %mul3A_59 : i32 to index
      %get3A_115 = tpu.vector_load %arg14[%get3A_113, %get3A_114] {strides = array<i32>} : memref<16x640xf32, #tpu.memory_space<vmem>>, vector<16xf32>,
      %add3A_116 = arith.addf %add3A_111, %get3A_115 : vector<16xf32>
      %get3A_117 = arith.constant 12 : i32
      %get3A_118 = arith.index_cast %get3A_117 : i32 to index
      %get3A_119 = arith.index_cast %mul3A_59 : i32 to index
      %get3A_120 = tpu.vector_load %arg14[%get3A_118, %get3A_119] {strides = array<i32>} : memref<16x640xf32, #tpu.memory_space<vmem>>, vector<16xf32>,
      %add3A_121 = arith.addf %add3A_116, %get3A_120 : vector<16xf32>
      %get3A_122 = arith.constant 13 : i32
      %get3A_123 = arith.index_cast %get3A_122 : i32 to index
      %get3A_124 = arith.index_cast %mul3A_59 : i32 to index
      %get3A_125 = tpu.vector_load %arg14[%get3A_123, %get3A_124] {strides = array<i32>} : memref<16x640xf32, #tpu.memory_space<vmem>>, vector<16xf32>,
      %add3A_126 = arith.addf %add3A_121, %get3A_125 : vector<16xf32>
      %get3A_127 = arith.constant 14 : i32
      %get3A_128 = arith.index_cast %get3A_127 : i32 to index
      %get3A_129 = arith.index_cast %mul3A_59 : i32 to index
      %get3A_130 = tpu.vector_load %arg14[%get3A_128, %get3A_129] {strides = array<i32>} : memref<16x640xf32, #tpu.memory_space<vmem>>, vector<16xf32>,
      %add3A_131 = arith.addf %add3A_126, %get3A_130 : vector<16xf32>
      %get3A_132 = arith.constant 15 : i32
      %get3A_133 = arith.index_cast %get3A_132 : i32 to index
      %get3A_134 = arith.index_cast %mul3A_59 : i32 to index
      %get3A_135 = tpu.vector_load %arg14[%get3A_133, %get3A_134] {strides = array<i32>} : memref<16x640xf32, #tpu.memory_space<vmem>>, vector<16xf32>,
      %add3A_136 = arith.addf %add3A_131, %get3A_135 : vector<16xf32>
      %swap3A = arith.index_cast %mul3A_59 : i32 to index
      %swap3A_137 = tpu.vector_load %arg15[%swap3A] {strides = array<i32>} : memref<640xf32, #tpu.memory_space<vmem>>, vector<16xf32>,
      tpu.vector_store %arg15[%swap3A], %add3A_136 {strides = array<i32>} : memref<640xf32, #tpu.memory_space<vmem>>, vector<16xf32>,
    }
    %scan3A_46 = arith.constant 40 : i32
    %eq3A_47 = arith.constant 0 : i32
    %eq3A_48 = arith.cmpi eq, %arg0, %eq3A_47 : i32
    %convert_element_type3A_49 = arith.extui %eq3A_48 : i1 to i32
    %cond3A_50 = arith.constant 0 : i32
    %cond3A_51 = arith.cmpi ne, %convert_element_type3A_49, %cond3A_50 : i32
    scf.if %cond3A_51 {
      "tpu.region"() ({
        %run_scoped3A_57 = tpu.sem_alloc : memref<!tpu.dma_semaphore, #tpu.memory_space<semaphore_mem>>
        %dma_start3A = tpu.memref_slice %arg6[%mul3A_10] : memref<10240xf32, #tpu.memory_space<hbm>> -> memref<640xf32, #tpu.memory_space<hbm>>
        %dma_start3A_58 = tpu.memref_slice %arg6[%mul3A_10] : memref<10240xf32, #tpu.memory_space<hbm>> -> memref<640xf32, #tpu.memory_space<hbm>>
        tpu.enqueue_dma source(%arg15 : memref<640xf32, #tpu.memory_space<vmem>>) target(%dma_start3A_58 : memref<640xf32, #tpu.memory_space<hbm>>) target_semaphore(%run_scoped3A_57 : memref<!tpu.dma_semaphore, #tpu.memory_space<semaphore_mem>>)
        %dma_wait3A = tpu.memref_slice %arg6[%mul3A_10] : memref<10240xf32, #tpu.memory_space<hbm>> -> memref<640xf32, #tpu.memory_space<hbm>>
        %dma_wait3A_59 = tpu.memref_slice %arg6[%mul3A_10] : memref<10240xf32, #tpu.memory_space<hbm>> -> memref<640xf32, #tpu.memory_space<hbm>>
        tpu.wait_dma2 semaphore(%run_scoped3A_57 : memref<!tpu.dma_semaphore, #tpu.memory_space<semaphore_mem>>) src(%arg15 : memref<640xf32, #tpu.memory_space<vmem>>) dst(%dma_wait3A_59 : memref<640xf32, #tpu.memory_space<hbm>>)
        tpu.yield
      }) : () -> ()
    } else {
    }
    %eq3A_52 = arith.constant 1 : i32
    %eq3A_53 = arith.cmpi eq, %arg0, %eq3A_52 : i32
    %convert_element_type3A_54 = arith.extui %eq3A_53 : i1 to i32
    %cond3A_55 = arith.constant 0 : i32
    %cond3A_56 = arith.cmpi ne, %convert_element_type3A_54, %cond3A_55 : i32
    scf.if %cond3A_56 {
      "tpu.region"() ({
        %run_scoped3A_57 = tpu.sem_alloc : memref<!tpu.dma_semaphore, #tpu.memory_space<semaphore_mem>>
        %dma_start3A = tpu.memref_slice %arg7[%mul3A_10] : memref<10240xf32, #tpu.memory_space<hbm>> -> memref<640xf32, #tpu.memory_space<hbm>>
        %dma_start3A_58 = tpu.memref_slice %arg7[%mul3A_10] : memref<10240xf32, #tpu.memory_space<hbm>> -> memref<640xf32, #tpu.memory_space<hbm>>
        tpu.enqueue_dma source(%arg15 : memref<640xf32, #tpu.memory_space<vmem>>) target(%dma_start3A_58 : memref<640xf32, #tpu.memory_space<hbm>>) target_semaphore(%run_scoped3A_57 : memref<!tpu.dma_semaphore, #tpu.memory_space<semaphore_mem>>)
        %dma_wait3A = tpu.memref_slice %arg7[%mul3A_10] : memref<10240xf32, #tpu.memory_space<hbm>> -> memref<640xf32, #tpu.memory_space<hbm>>
        %dma_wait3A_59 = tpu.memref_slice %arg7[%mul3A_10] : memref<10240xf32, #tpu.memory_space<hbm>> -> memref<640xf32, #tpu.memory_space<hbm>>
        tpu.wait_dma2 semaphore(%run_scoped3A_57 : memref<!tpu.dma_semaphore, #tpu.memory_space<semaphore_mem>>) src(%arg15 : memref<640xf32, #tpu.memory_space<vmem>>) dst(%dma_wait3A_59 : memref<640xf32, #tpu.memory_space<hbm>>)
        tpu.yield
      }) : () -> ()
    } else {
    }
    return
  }
}

#map = affine_map<(d0, d1) -> (0, 0)>
#map1 = affine_map<(d0, d1) -> (0, 0, 0, 0)>
#map2 = affine_map<(d0, d1) -> (0, 0, 0)>
module attributes {stable_mosaic.version = 14 : i64} {
  func.func @_agg_body(%arg0: i32, %arg1: i32, %arg2: memref<40000x128xf32, #tpu.memory_space<hbm>>, %arg3: memref<4x16x88x128xi32, #tpu.memory_space<hbm>>, %arg4: memref<16x88x128xi32, #tpu.memory_space<hbm>>, %arg5: memref<632x128xf32, #tpu.memory_space<hbm>>, %arg6: memref<4x10112x128xf32, #tpu.memory_space<hbm>>, %arg7: memref<2x8x128xi32, #tpu.memory_space<vmem>>, %arg8: memref<88x128xi32, #tpu.memory_space<vmem>>, %arg9: memref<2x128x128xf32, #tpu.memory_space<vmem>>, %arg10: memref<2x!tpu.dma_semaphore, #tpu.memory_space<semaphore_mem>>, %arg11: memref<!tpu.dma_semaphore, #tpu.memory_space<semaphore_mem>>, %arg12: memref<10112x128xf32, #tpu.memory_space<vmem_shared>>) attributes {dimension_semantics = [#tpu.dimension_semantics<core_parallel>, #tpu.dimension_semantics<subcore_parallel>], iteration_bounds = array<i64: 2, 16>, scalar_prefetch = 0 : i64, scratch_operands = 6 : i64, tpu.core_type = #tpu.core_type<sc_vector_subcore>, window_params = [{transform_indices = #map}, {transform_indices = #map1}, {transform_indices = #map2}, {transform_indices = #map}, {transform_indices = #map2}]} {
    %mul3A = arith.constant 632 : i32
    %mul3A_0 = arith.muli %arg1, %mul3A : i32
    "tpu.region"() ({
      %run_scoped3A = tpu.sem_alloc : memref<!tpu.dma_semaphore, #tpu.memory_space<semaphore_mem>>
      %dma_start3A = arith.constant 0 : i32
      %dma_start3A_6 = arith.constant 0 : i32
      %dma_start3A_7 = tpu.memref_slice %arg4[%arg1, %dma_start3A, %dma_start3A_6] : memref<16x88x128xi32, #tpu.memory_space<hbm>> -> memref<1x88x128xi32, #tpu.memory_space<hbm>>
      %dma_start3A_8 = tpu.memref_squeeze %dma_start3A_7 : memref<1x88x128xi32, #tpu.memory_space<hbm>> -> memref<88x128xi32, #tpu.memory_space<hbm>>
      %dma_start3A_9 = arith.constant 0 : i32
      %dma_start3A_10 = arith.constant 0 : i32
      %dma_start3A_11 = tpu.memref_slice %arg4[%arg1, %dma_start3A_9, %dma_start3A_10] : memref<16x88x128xi32, #tpu.memory_space<hbm>> -> memref<1x88x128xi32, #tpu.memory_space<hbm>>
      %dma_start3A_12 = tpu.memref_squeeze %dma_start3A_11 : memref<1x88x128xi32, #tpu.memory_space<hbm>> -> memref<88x128xi32, #tpu.memory_space<hbm>>
      tpu.enqueue_dma source(%dma_start3A_12 : memref<88x128xi32, #tpu.memory_space<hbm>>) target(%arg8 : memref<88x128xi32, #tpu.memory_space<vmem>>) target_semaphore(%run_scoped3A : memref<!tpu.dma_semaphore, #tpu.memory_space<semaphore_mem>>)
      %dma_wait3A = arith.constant 0 : i32
      %dma_wait3A_13 = arith.constant 0 : i32
      %dma_wait3A_14 = tpu.memref_slice %arg4[%arg1, %dma_wait3A, %dma_wait3A_13] : memref<16x88x128xi32, #tpu.memory_space<hbm>> -> memref<1x88x128xi32, #tpu.memory_space<hbm>>
      %dma_wait3A_15 = tpu.memref_squeeze %dma_wait3A_14 : memref<1x88x128xi32, #tpu.memory_space<hbm>> -> memref<88x128xi32, #tpu.memory_space<hbm>>
      %dma_wait3A_16 = arith.constant 0 : i32
      %dma_wait3A_17 = arith.constant 0 : i32
      %dma_wait3A_18 = tpu.memref_slice %arg4[%arg1, %dma_wait3A_16, %dma_wait3A_17] : memref<16x88x128xi32, #tpu.memory_space<hbm>> -> memref<1x88x128xi32, #tpu.memory_space<hbm>>
      %dma_wait3A_19 = tpu.memref_squeeze %dma_wait3A_18 : memref<1x88x128xi32, #tpu.memory_space<hbm>> -> memref<88x128xi32, #tpu.memory_space<hbm>>
      tpu.wait_dma2 semaphore(%run_scoped3A : memref<!tpu.dma_semaphore, #tpu.memory_space<semaphore_mem>>) src(%dma_wait3A_19 : memref<88x128xi32, #tpu.memory_space<hbm>>) dst(%arg8 : memref<88x128xi32, #tpu.memory_space<vmem>>)
      tpu.yield
    }) : () -> ()
    %scan3A = arith.constant 0 : i32
    %scan3A_1 = arith.constant 0 : i32
    %scan3A_2 = arith.constant 2 : i32
    %scan3A_3 = arith.addi %scan3A_1, %scan3A_2 : i32
    %scan3A_4 = arith.constant 1 : i32
    scf.for %scan3A_6 = %scan3A_1 to %scan3A_3 step %scan3A_4  : i32 {
      %mul3A_7 = arith.constant 2 : i32
      %mul3A_8 = arith.muli %scan3A_6, %mul3A_7 : i32
      %add3A = arith.addi %mul3A_8, %arg0 : i32
      "tpu.region"() ({
        %run_scoped3A_38 = tpu.sem_alloc : memref<!tpu.dma_semaphore, #tpu.memory_space<semaphore_mem>>
        %dma_start3A_39 = arith.constant 0 : i32
        %dma_start3A_40 = tpu.memref_slice %arg12[%mul3A_0, %dma_start3A_39] : memref<10112x128xf32, #tpu.memory_space<vmem_shared>> -> memref<632x128xf32, #tpu.memory_space<vmem_shared>>
        tpu.enqueue_dma source(%arg5 : memref<632x128xf32, #tpu.memory_space<hbm>>) target(%dma_start3A_40 : memref<632x128xf32, #tpu.memory_space<vmem_shared>>) target_semaphore(%run_scoped3A_38 : memref<!tpu.dma_semaphore, #tpu.memory_space<semaphore_mem>>)
        %dma_wait3A = arith.constant 0 : i32
        %dma_wait3A_41 = tpu.memref_slice %arg12[%mul3A_0, %dma_wait3A] : memref<10112x128xf32, #tpu.memory_space<vmem_shared>> -> memref<632x128xf32, #tpu.memory_space<vmem_shared>>
        tpu.wait_dma2 semaphore(%run_scoped3A_38 : memref<!tpu.dma_semaphore, #tpu.memory_space<semaphore_mem>>) src(%arg5 : memref<632x128xf32, #tpu.memory_space<hbm>>) dst(%dma_wait3A_41 : memref<632x128xf32, #tpu.memory_space<vmem_shared>>)
        tpu.yield
      }) : () -> ()
      %barrier3A = arith.constant 0 : index
      tpu.barrier barrier_id(%barrier3A)
      %run_scoped3A = arith.constant 0 : i32
      "tpu.region"() ({
        %run_scoped3A_38 = tpu.sem_alloc : memref<!tpu.dma_semaphore, #tpu.memory_space<semaphore_mem>>
        %dma_start3A_39 = arith.constant 0 : i32
        %dma_start3A_40 = arith.constant 0 : i32
        %dma_start3A_41 = tpu.memref_slice %arg7[%run_scoped3A, %dma_start3A_39, %dma_start3A_40] : memref<2x8x128xi32, #tpu.memory_space<vmem>> -> memref<1x8x128xi32, #tpu.memory_space<vmem>>
        %dma_start3A_42 = tpu.memref_squeeze %dma_start3A_41 : memref<1x8x128xi32, #tpu.memory_space<vmem>> -> memref<8x128xi32, #tpu.memory_space<vmem>>
        %dma_start3A_43 = arith.constant 0 : i32
        %dma_start3A_44 = arith.constant 0 : i32
        %dma_start3A_45 = tpu.memref_slice %arg3[%add3A, %arg1, %dma_start3A_43, %dma_start3A_44] : memref<4x16x88x128xi32, #tpu.memory_space<hbm>> -> memref<1x1x8x128xi32, #tpu.memory_space<hbm>>
        %dma_start3A_46 = tpu.memref_squeeze %dma_start3A_45 : memref<1x1x8x128xi32, #tpu.memory_space<hbm>> -> memref<8x128xi32, #tpu.memory_space<hbm>>
        %dma_start3A_47 = arith.constant 0 : i32
        %dma_start3A_48 = arith.constant 0 : i32
        %dma_start3A_49 = tpu.memref_slice %arg7[%run_scoped3A, %dma_start3A_47, %dma_start3A_48] : memref<2x8x128xi32, #tpu.memory_space<vmem>> -> memref<1x8x128xi32, #tpu.memory_space<vmem>>
        %dma_start3A_50 = tpu.memref_squeeze %dma_start3A_49 : memref<1x8x128xi32, #tpu.memory_space<vmem>> -> memref<8x128xi32, #tpu.memory_space<vmem>>
        %dma_start3A_51 = arith.constant 0 : i32
        %dma_start3A_52 = arith.constant 0 : i32
        %dma_start3A_53 = tpu.memref_slice %arg3[%add3A, %arg1, %dma_start3A_51, %dma_start3A_52] : memref<4x16x88x128xi32, #tpu.memory_space<hbm>> -> memref<1x1x8x128xi32, #tpu.memory_space<hbm>>
        %dma_start3A_54 = tpu.memref_squeeze %dma_start3A_53 : memref<1x1x8x128xi32, #tpu.memory_space<hbm>> -> memref<8x128xi32, #tpu.memory_space<hbm>>
        tpu.enqueue_dma source(%dma_start3A_54 : memref<8x128xi32, #tpu.memory_space<hbm>>) target(%dma_start3A_50 : memref<8x128xi32, #tpu.memory_space<vmem>>) target_semaphore(%run_scoped3A_38 : memref<!tpu.dma_semaphore, #tpu.memory_space<semaphore_mem>>)
        %dma_wait3A = arith.constant 0 : i32
        %dma_wait3A_55 = arith.constant 0 : i32
        %dma_wait3A_56 = tpu.memref_slice %arg7[%run_scoped3A, %dma_wait3A, %dma_wait3A_55] : memref<2x8x128xi32, #tpu.memory_space<vmem>> -> memref<1x8x128xi32, #tpu.memory_space<vmem>>
        %dma_wait3A_57 = tpu.memref_squeeze %dma_wait3A_56 : memref<1x8x128xi32, #tpu.memory_space<vmem>> -> memref<8x128xi32, #tpu.memory_space<vmem>>
        %dma_wait3A_58 = arith.constant 0 : i32
        %dma_wait3A_59 = arith.constant 0 : i32
        %dma_wait3A_60 = tpu.memref_slice %arg3[%add3A, %arg1, %dma_wait3A_58, %dma_wait3A_59] : memref<4x16x88x128xi32, #tpu.memory_space<hbm>> -> memref<1x1x8x128xi32, #tpu.memory_space<hbm>>
        %dma_wait3A_61 = tpu.memref_squeeze %dma_wait3A_60 : memref<1x1x8x128xi32, #tpu.memory_space<hbm>> -> memref<8x128xi32, #tpu.memory_space<hbm>>
        %dma_wait3A_62 = arith.constant 0 : i32
        %dma_wait3A_63 = arith.constant 0 : i32
        %dma_wait3A_64 = tpu.memref_slice %arg7[%run_scoped3A, %dma_wait3A_62, %dma_wait3A_63] : memref<2x8x128xi32, #tpu.memory_space<vmem>> -> memref<1x8x128xi32, #tpu.memory_space<vmem>>
        %dma_wait3A_65 = tpu.memref_squeeze %dma_wait3A_64 : memref<1x8x128xi32, #tpu.memory_space<vmem>> -> memref<8x128xi32, #tpu.memory_space<vmem>>
        %dma_wait3A_66 = arith.constant 0 : i32
        %dma_wait3A_67 = arith.constant 0 : i32
        %dma_wait3A_68 = tpu.memref_slice %arg3[%add3A, %arg1, %dma_wait3A_66, %dma_wait3A_67] : memref<4x16x88x128xi32, #tpu.memory_space<hbm>> -> memref<1x1x8x128xi32, #tpu.memory_space<hbm>>
        %dma_wait3A_69 = tpu.memref_squeeze %dma_wait3A_68 : memref<1x1x8x128xi32, #tpu.memory_space<hbm>> -> memref<8x128xi32, #tpu.memory_space<hbm>>
        tpu.wait_dma2 semaphore(%run_scoped3A_38 : memref<!tpu.dma_semaphore, #tpu.memory_space<semaphore_mem>>) src(%dma_wait3A_69 : memref<8x128xi32, #tpu.memory_space<hbm>>) dst(%dma_wait3A_65 : memref<8x128xi32, #tpu.memory_space<vmem>>)
        tpu.yield
      }) : () -> ()
      %dma_start3A = arith.constant 1 : i32
      %dma_start3A_9 = arith.constant 0 : i32
      %dma_start3A_10 = arith.constant 0 : i32
      %dma_start3A_11 = tpu.memref_slice %arg7[%dma_start3A, %dma_start3A_9, %dma_start3A_10] : memref<2x8x128xi32, #tpu.memory_space<vmem>> -> memref<1x8x128xi32, #tpu.memory_space<vmem>>
      %dma_start3A_12 = tpu.memref_squeeze %dma_start3A_11 : memref<1x8x128xi32, #tpu.memory_space<vmem>> -> memref<8x128xi32, #tpu.memory_space<vmem>>
      %dma_start3A_13 = arith.constant 8 : i32
      %dma_start3A_14 = arith.constant 0 : i32
      %dma_start3A_15 = tpu.memref_slice %arg3[%add3A, %arg1, %dma_start3A_13, %dma_start3A_14] : memref<4x16x88x128xi32, #tpu.memory_space<hbm>> -> memref<1x1x8x128xi32, #tpu.memory_space<hbm>>
      %dma_start3A_16 = tpu.memref_squeeze %dma_start3A_15 : memref<1x1x8x128xi32, #tpu.memory_space<hbm>> -> memref<8x128xi32, #tpu.memory_space<hbm>>
      %dma_start3A_17 = arith.constant 0 : i32
      %dma_start3A_18 = arith.constant 0 : i32
      %dma_start3A_19 = tpu.memref_slice %arg7[%dma_start3A, %dma_start3A_17, %dma_start3A_18] : memref<2x8x128xi32, #tpu.memory_space<vmem>> -> memref<1x8x128xi32, #tpu.memory_space<vmem>>
      %dma_start3A_20 = tpu.memref_squeeze %dma_start3A_19 : memref<1x8x128xi32, #tpu.memory_space<vmem>> -> memref<8x128xi32, #tpu.memory_space<vmem>>
      %dma_start3A_21 = arith.constant 8 : i32
      %dma_start3A_22 = arith.constant 0 : i32
      %dma_start3A_23 = tpu.memref_slice %arg3[%add3A, %arg1, %dma_start3A_21, %dma_start3A_22] : memref<4x16x88x128xi32, #tpu.memory_space<hbm>> -> memref<1x1x8x128xi32, #tpu.memory_space<hbm>>
      %dma_start3A_24 = tpu.memref_squeeze %dma_start3A_23 : memref<1x1x8x128xi32, #tpu.memory_space<hbm>> -> memref<8x128xi32, #tpu.memory_space<hbm>>
      tpu.enqueue_dma source(%dma_start3A_24 : memref<8x128xi32, #tpu.memory_space<hbm>>) target(%dma_start3A_20 : memref<8x128xi32, #tpu.memory_space<vmem>>) target_semaphore(%arg11 : memref<!tpu.dma_semaphore, #tpu.memory_space<semaphore_mem>>)
      %scan3A_25 = arith.constant 0 : i32
      %scan3A_26 = arith.constant 0 : i32
      %scan3A_27 = arith.constant 2 : i32
      %scan3A_28 = arith.addi %scan3A_26, %scan3A_27 : i32
      %scan3A_29 = arith.constant 1 : i32
      scf.for %scan3A_38 = %scan3A_26 to %scan3A_28 step %scan3A_29  : i32 {
        %dma_start3A_39 = arith.constant 0 : i32
        %dma_start3A_40 = arith.constant 0 : i32
        %dma_start3A_41 = arith.constant 0 : i32
        %dma_start3A_42 = tpu.memref_slice %arg9[%scan3A_38, %dma_start3A_40, %dma_start3A_41] : memref<2x128x128xf32, #tpu.memory_space<vmem>> -> memref<1x128x128xf32, #tpu.memory_space<vmem>>
        %dma_start3A_43 = tpu.memref_squeeze %dma_start3A_42 : memref<1x128x128xf32, #tpu.memory_space<vmem>> -> memref<128x128xf32, #tpu.memory_space<vmem>>
        %dma_start3A_44 = arith.constant 0 : i32
        %dma_start3A_45 = tpu.memref_slice %arg7[%dma_start3A_39, %scan3A_38, %dma_start3A_44] : memref<2x8x128xi32, #tpu.memory_space<vmem>> -> memref<1x1x128xi32, #tpu.memory_space<vmem>>
        %dma_start3A_46 = tpu.memref_squeeze %dma_start3A_45 : memref<1x1x128xi32, #tpu.memory_space<vmem>> -> memref<128xi32, #tpu.memory_space<vmem>>
        %dma_start3A_47 = arith.constant 0 : i32
        %dma_start3A_48 = arith.constant 0 : i32
        %dma_start3A_49 = tpu.memref_slice %arg2[%dma_start3A_47, %dma_start3A_48] : memref<40000x128xf32, #tpu.memory_space<hbm>> -> memref<40000x128xf32, #tpu.memory_space<hbm>>
        %dma_start3A_50 = tpu.memref_slice %arg10[%scan3A_38] : memref<2x!tpu.dma_semaphore, #tpu.memory_space<semaphore_mem>> -> memref<1x!tpu.dma_semaphore, #tpu.memory_space<semaphore_mem>>
        %dma_start3A_51 = tpu.memref_squeeze %dma_start3A_50 : memref<1x!tpu.dma_semaphore, #tpu.memory_space<semaphore_mem>> -> memref<!tpu.dma_semaphore, #tpu.memory_space<semaphore_mem>>
        tpu.enqueue_indirect_dma source(%dma_start3A_49 : memref<40000x128xf32, #tpu.memory_space<hbm>>) target(%dma_start3A_43 : memref<128x128xf32, #tpu.memory_space<vmem>>) offsets(%dma_start3A_46 : memref<128xi32, #tpu.memory_space<vmem>>) semaphore(%dma_start3A_51 : memref<!tpu.dma_semaphore, #tpu.memory_space<semaphore_mem>>)
      }
      %scan3A_30 = arith.constant 2 : i32
      %scan3A_31 = arith.constant 0 : i32
      %scan3A_32 = arith.constant 0 : i32
      %scan3A_33 = arith.constant 88 : i32
      %scan3A_34 = arith.addi %scan3A_32, %scan3A_33 : i32
      %scan3A_35 = arith.constant 1 : i32
      scf.for %scan3A_38 = %scan3A_32 to %scan3A_34 step %scan3A_35  : i32 {
        %div3A = arith.constant 8 : i32
        %div3A_39 = arith.divsi %scan3A_38, %div3A : i32
        %rem3A = arith.constant 8 : i32
        %rem3A_40 = arith.remsi %scan3A_38, %rem3A : i32
        %rem3A_41 = arith.constant 2 : i32
        %rem3A_42 = arith.remsi %div3A_39, %rem3A_41 : i32
        %rem3A_43 = arith.constant 2 : i32
        %rem3A_44 = arith.remsi %scan3A_38, %rem3A_43 : i32
        %add3A_45 = arith.constant 2 : i32
        %add3A_46 = arith.addi %scan3A_38, %add3A_45 : i32
        %dma_wait3A = arith.constant 0 : i32
        %dma_wait3A_47 = arith.constant 0 : i32
        %dma_wait3A_48 = tpu.memref_slice %arg9[%rem3A_44, %dma_wait3A, %dma_wait3A_47] : memref<2x128x128xf32, #tpu.memory_space<vmem>> -> memref<1x128x128xf32, #tpu.memory_space<vmem>>
        %dma_wait3A_49 = tpu.memref_squeeze %dma_wait3A_48 : memref<1x128x128xf32, #tpu.memory_space<vmem>> -> memref<128x128xf32, #tpu.memory_space<vmem>>
        %dma_wait3A_50 = arith.constant 0 : i32
        %dma_wait3A_51 = tpu.memref_slice %arg7[%rem3A_42, %rem3A_40, %dma_wait3A_50] : memref<2x8x128xi32, #tpu.memory_space<vmem>> -> memref<1x1x128xi32, #tpu.memory_space<vmem>>
        %dma_wait3A_52 = tpu.memref_squeeze %dma_wait3A_51 : memref<1x1x128xi32, #tpu.memory_space<vmem>> -> memref<128xi32, #tpu.memory_space<vmem>>
        %dma_wait3A_53 = arith.constant 0 : i32
        %dma_wait3A_54 = arith.constant 0 : i32
        %dma_wait3A_55 = tpu.memref_slice %arg2[%dma_wait3A_53, %dma_wait3A_54] : memref<40000x128xf32, #tpu.memory_space<hbm>> -> memref<40000x128xf32, #tpu.memory_space<hbm>>
        %dma_wait3A_56 = tpu.memref_slice %arg10[%rem3A_44] : memref<2x!tpu.dma_semaphore, #tpu.memory_space<semaphore_mem>> -> memref<1x!tpu.dma_semaphore, #tpu.memory_space<semaphore_mem>>
        %dma_wait3A_57 = tpu.memref_squeeze %dma_wait3A_56 : memref<1x!tpu.dma_semaphore, #tpu.memory_space<semaphore_mem>> -> memref<!tpu.dma_semaphore, #tpu.memory_space<semaphore_mem>>
        tpu.wait_indirect_dma semaphore(%dma_wait3A_57 : memref<!tpu.dma_semaphore, #tpu.memory_space<semaphore_mem>>) src(%dma_wait3A_55 : memref<40000x128xf32, #tpu.memory_space<hbm>>) dst(%dma_wait3A_49 : memref<128x128xf32, #tpu.memory_space<vmem>>)
        "tpu.region"() ({
          %run_scoped3A_78 = tpu.sem_alloc : memref<!tpu.dma_semaphore, #tpu.memory_space<semaphore_mem>>
          %dma_start3A_79 = arith.constant 0 : i32
          %dma_start3A_80 = arith.constant 0 : i32
          %dma_start3A_81 = tpu.memref_slice %arg9[%rem3A_44, %dma_start3A_79, %dma_start3A_80] : memref<2x128x128xf32, #tpu.memory_space<vmem>> -> memref<1x128x128xf32, #tpu.memory_space<vmem>>
          %dma_start3A_82 = tpu.memref_squeeze %dma_start3A_81 : memref<1x128x128xf32, #tpu.memory_space<vmem>> -> memref<128x128xf32, #tpu.memory_space<vmem>>
          %dma_start3A_83 = arith.constant 0 : i32
          %dma_start3A_84 = tpu.memref_slice %arg8[%scan3A_38, %dma_start3A_83] : memref<88x128xi32, #tpu.memory_space<vmem>> -> memref<1x128xi32, #tpu.memory_space<vmem>>
          %dma_start3A_85 = tpu.memref_squeeze %dma_start3A_84 : memref<1x128xi32, #tpu.memory_space<vmem>> -> memref<128xi32, #tpu.memory_space<vmem>>
          %dma_start3A_86 = arith.constant 0 : i32
          %dma_start3A_87 = arith.constant 0 : i32
          %dma_start3A_88 = tpu.memref_slice %arg12[%dma_start3A_86, %dma_start3A_87] : memref<10112x128xf32, #tpu.memory_space<vmem_shared>> -> memref<10112x128xf32, #tpu.memory_space<vmem_shared>>
          tpu.enqueue_indirect_dma source(%dma_start3A_82 : memref<128x128xf32, #tpu.memory_space<vmem>>) target(%dma_start3A_88 : memref<10112x128xf32, #tpu.memory_space<vmem_shared>>) offsets(%dma_start3A_85 : memref<128xi32, #tpu.memory_space<vmem>>) semaphore(%run_scoped3A_78 : memref<!tpu.dma_semaphore, #tpu.memory_space<semaphore_mem>>) {add = true}
          %dma_wait3A_89 = arith.constant 0 : i32
          %dma_wait3A_90 = arith.constant 0 : i32
          %dma_wait3A_91 = tpu.memref_slice %arg9[%rem3A_44, %dma_wait3A_89, %dma_wait3A_90] : memref<2x128x128xf32, #tpu.memory_space<vmem>> -> memref<1x128x128xf32, #tpu.memory_space<vmem>>
          %dma_wait3A_92 = tpu.memref_squeeze %dma_wait3A_91 : memref<1x128x128xf32, #tpu.memory_space<vmem>> -> memref<128x128xf32, #tpu.memory_space<vmem>>
          %dma_wait3A_93 = arith.constant 0 : i32
          %dma_wait3A_94 = tpu.memref_slice %arg8[%scan3A_38, %dma_wait3A_93] : memref<88x128xi32, #tpu.memory_space<vmem>> -> memref<1x128xi32, #tpu.memory_space<vmem>>
          %dma_wait3A_95 = tpu.memref_squeeze %dma_wait3A_94 : memref<1x128xi32, #tpu.memory_space<vmem>> -> memref<128xi32, #tpu.memory_space<vmem>>
          %dma_wait3A_96 = arith.constant 0 : i32
          %dma_wait3A_97 = arith.constant 0 : i32
          %dma_wait3A_98 = tpu.memref_slice %arg12[%dma_wait3A_96, %dma_wait3A_97] : memref<10112x128xf32, #tpu.memory_space<vmem_shared>> -> memref<10112x128xf32, #tpu.memory_space<vmem_shared>>
          tpu.wait_indirect_dma semaphore(%run_scoped3A_78 : memref<!tpu.dma_semaphore, #tpu.memory_space<semaphore_mem>>) src(%dma_wait3A_92 : memref<128x128xf32, #tpu.memory_space<vmem>>) dst(%dma_wait3A_98 : memref<10112x128xf32, #tpu.memory_space<vmem_shared>>)
          tpu.yield
        }) : () -> ()
        %eq3A = arith.constant 6 : i32
        %eq3A_58 = arith.cmpi eq, %rem3A_40, %eq3A : i32
        %add3A_59 = arith.constant 1 : i32
        %add3A_60 = arith.addi %div3A_39, %add3A_59 : i32
        %lt3A = arith.constant 11 : i32
        %lt3A_61 = arith.cmpi slt, %add3A_60, %lt3A : i32
        %and3A = arith.andi %eq3A_58, %lt3A_61 : i1
        %convert_element_type3A = arith.extui %and3A : i1 to i32
        %cond3A = arith.constant 0 : i32
        %cond3A_62 = arith.cmpi ne, %convert_element_type3A, %cond3A : i32
        scf.if %cond3A_62 {
          %add3A_78 = arith.constant 1 : i32
          %add3A_79 = arith.addi %div3A_39, %add3A_78 : i32
          %mul3A_80 = arith.constant 8 : i32
          %mul3A_81 = arith.muli %add3A_79, %mul3A_80 : i32
          %sub3A = arith.constant 1 : i32
          %sub3A_82 = arith.subi %sub3A, %rem3A_42 : i32
          %dma_wait3A_83 = arith.constant 0 : i32
          %dma_wait3A_84 = arith.constant 0 : i32
          %dma_wait3A_85 = tpu.memref_slice %arg7[%sub3A_82, %dma_wait3A_83, %dma_wait3A_84] : memref<2x8x128xi32, #tpu.memory_space<vmem>> -> memref<1x8x128xi32, #tpu.memory_space<vmem>>
          %dma_wait3A_86 = tpu.memref_squeeze %dma_wait3A_85 : memref<1x8x128xi32, #tpu.memory_space<vmem>> -> memref<8x128xi32, #tpu.memory_space<vmem>>
          %dma_wait3A_87 = arith.constant 0 : i32
          %dma_wait3A_88 = tpu.memref_slice %arg3[%add3A, %arg1, %mul3A_81, %dma_wait3A_87] : memref<4x16x88x128xi32, #tpu.memory_space<hbm>> -> memref<1x1x8x128xi32, #tpu.memory_space<hbm>>
          %dma_wait3A_89 = tpu.memref_squeeze %dma_wait3A_88 : memref<1x1x8x128xi32, #tpu.memory_space<hbm>> -> memref<8x128xi32, #tpu.memory_space<hbm>>
          %dma_wait3A_90 = arith.constant 0 : i32
          %dma_wait3A_91 = arith.constant 0 : i32
          %dma_wait3A_92 = tpu.memref_slice %arg7[%sub3A_82, %dma_wait3A_90, %dma_wait3A_91] : memref<2x8x128xi32, #tpu.memory_space<vmem>> -> memref<1x8x128xi32, #tpu.memory_space<vmem>>
          %dma_wait3A_93 = tpu.memref_squeeze %dma_wait3A_92 : memref<1x8x128xi32, #tpu.memory_space<vmem>> -> memref<8x128xi32, #tpu.memory_space<vmem>>
          %dma_wait3A_94 = arith.constant 0 : i32
          %dma_wait3A_95 = tpu.memref_slice %arg3[%add3A, %arg1, %mul3A_81, %dma_wait3A_94] : memref<4x16x88x128xi32, #tpu.memory_space<hbm>> -> memref<1x1x8x128xi32, #tpu.memory_space<hbm>>
          %dma_wait3A_96 = tpu.memref_squeeze %dma_wait3A_95 : memref<1x1x8x128xi32, #tpu.memory_space<hbm>> -> memref<8x128xi32, #tpu.memory_space<hbm>>
          tpu.wait_dma2 semaphore(%arg11 : memref<!tpu.dma_semaphore, #tpu.memory_space<semaphore_mem>>) src(%dma_wait3A_96 : memref<8x128xi32, #tpu.memory_space<hbm>>) dst(%dma_wait3A_93 : memref<8x128xi32, #tpu.memory_space<vmem>>)
        } else {
        }
        %eq3A_63 = arith.constant 6 : i32
        %eq3A_64 = arith.cmpi eq, %rem3A_40, %eq3A_63 : i32
        %add3A_65 = arith.constant 2 : i32
        %add3A_66 = arith.addi %div3A_39, %add3A_65 : i32
        %lt3A_67 = arith.constant 11 : i32
        %lt3A_68 = arith.cmpi slt, %add3A_66, %lt3A_67 : i32
        %and3A_69 = arith.andi %eq3A_64, %lt3A_68 : i1
        %convert_element_type3A_70 = arith.extui %and3A_69 : i1 to i32
        %cond3A_71 = arith.constant 0 : i32
        %cond3A_72 = arith.cmpi ne, %convert_element_type3A_70, %cond3A_71 : i32
        scf.if %cond3A_72 {
          %add3A_78 = arith.constant 2 : i32
          %add3A_79 = arith.addi %div3A_39, %add3A_78 : i32
          %mul3A_80 = arith.constant 8 : i32
          %mul3A_81 = arith.muli %add3A_79, %mul3A_80 : i32
          %dma_start3A_82 = arith.constant 0 : i32
          %dma_start3A_83 = arith.constant 0 : i32
          %dma_start3A_84 = tpu.memref_slice %arg7[%rem3A_42, %dma_start3A_82, %dma_start3A_83] : memref<2x8x128xi32, #tpu.memory_space<vmem>> -> memref<1x8x128xi32, #tpu.memory_space<vmem>>
          %dma_start3A_85 = tpu.memref_squeeze %dma_start3A_84 : memref<1x8x128xi32, #tpu.memory_space<vmem>> -> memref<8x128xi32, #tpu.memory_space<vmem>>
          %dma_start3A_86 = arith.constant 0 : i32
          %dma_start3A_87 = tpu.memref_slice %arg3[%add3A, %arg1, %mul3A_81, %dma_start3A_86] : memref<4x16x88x128xi32, #tpu.memory_space<hbm>> -> memref<1x1x8x128xi32, #tpu.memory_space<hbm>>
          %dma_start3A_88 = tpu.memref_squeeze %dma_start3A_87 : memref<1x1x8x128xi32, #tpu.memory_space<hbm>> -> memref<8x128xi32, #tpu.memory_space<hbm>>
          %dma_start3A_89 = arith.constant 0 : i32
          %dma_start3A_90 = arith.constant 0 : i32
          %dma_start3A_91 = tpu.memref_slice %arg7[%rem3A_42, %dma_start3A_89, %dma_start3A_90] : memref<2x8x128xi32, #tpu.memory_space<vmem>> -> memref<1x8x128xi32, #tpu.memory_space<vmem>>
          %dma_start3A_92 = tpu.memref_squeeze %dma_start3A_91 : memref<1x8x128xi32, #tpu.memory_space<vmem>> -> memref<8x128xi32, #tpu.memory_space<vmem>>
          %dma_start3A_93 = arith.constant 0 : i32
          %dma_start3A_94 = tpu.memref_slice %arg3[%add3A, %arg1, %mul3A_81, %dma_start3A_93] : memref<4x16x88x128xi32, #tpu.memory_space<hbm>> -> memref<1x1x8x128xi32, #tpu.memory_space<hbm>>
          %dma_start3A_95 = tpu.memref_squeeze %dma_start3A_94 : memref<1x1x8x128xi32, #tpu.memory_space<hbm>> -> memref<8x128xi32, #tpu.memory_space<hbm>>
          tpu.enqueue_dma source(%dma_start3A_95 : memref<8x128xi32, #tpu.memory_space<hbm>>) target(%dma_start3A_92 : memref<8x128xi32, #tpu.memory_space<vmem>>) target_semaphore(%arg11 : memref<!tpu.dma_semaphore, #tpu.memory_space<semaphore_mem>>)
        } else {
        }
        %lt3A_73 = arith.constant 88 : i32
        %lt3A_74 = arith.cmpi slt, %add3A_46, %lt3A_73 : i32
        %convert_element_type3A_75 = arith.extui %lt3A_74 : i1 to i32
        %cond3A_76 = arith.constant 0 : i32
        %cond3A_77 = arith.cmpi ne, %convert_element_type3A_75, %cond3A_76 : i32
        scf.if %cond3A_77 {
          %div3A_78 = arith.constant 8 : i32
          %div3A_79 = arith.divsi %add3A_46, %div3A_78 : i32
          %rem3A_80 = arith.constant 8 : i32
          %rem3A_81 = arith.remsi %add3A_46, %rem3A_80 : i32
          %rem3A_82 = arith.constant 2 : i32
          %rem3A_83 = arith.remsi %div3A_79, %rem3A_82 : i32
          %dma_start3A_84 = arith.constant 0 : i32
          %dma_start3A_85 = arith.constant 0 : i32
          %dma_start3A_86 = tpu.memref_slice %arg9[%rem3A_44, %dma_start3A_84, %dma_start3A_85] : memref<2x128x128xf32, #tpu.memory_space<vmem>> -> memref<1x128x128xf32, #tpu.memory_space<vmem>>
          %dma_start3A_87 = tpu.memref_squeeze %dma_start3A_86 : memref<1x128x128xf32, #tpu.memory_space<vmem>> -> memref<128x128xf32, #tpu.memory_space<vmem>>
          %dma_start3A_88 = arith.constant 0 : i32
          %dma_start3A_89 = tpu.memref_slice %arg7[%rem3A_83, %rem3A_81, %dma_start3A_88] : memref<2x8x128xi32, #tpu.memory_space<vmem>> -> memref<1x1x128xi32, #tpu.memory_space<vmem>>
          %dma_start3A_90 = tpu.memref_squeeze %dma_start3A_89 : memref<1x1x128xi32, #tpu.memory_space<vmem>> -> memref<128xi32, #tpu.memory_space<vmem>>
          %dma_start3A_91 = arith.constant 0 : i32
          %dma_start3A_92 = arith.constant 0 : i32
          %dma_start3A_93 = tpu.memref_slice %arg2[%dma_start3A_91, %dma_start3A_92] : memref<40000x128xf32, #tpu.memory_space<hbm>> -> memref<40000x128xf32, #tpu.memory_space<hbm>>
          %dma_start3A_94 = tpu.memref_slice %arg10[%rem3A_44] : memref<2x!tpu.dma_semaphore, #tpu.memory_space<semaphore_mem>> -> memref<1x!tpu.dma_semaphore, #tpu.memory_space<semaphore_mem>>
          %dma_start3A_95 = tpu.memref_squeeze %dma_start3A_94 : memref<1x!tpu.dma_semaphore, #tpu.memory_space<semaphore_mem>> -> memref<!tpu.dma_semaphore, #tpu.memory_space<semaphore_mem>>
          tpu.enqueue_indirect_dma source(%dma_start3A_93 : memref<40000x128xf32, #tpu.memory_space<hbm>>) target(%dma_start3A_87 : memref<128x128xf32, #tpu.memory_space<vmem>>) offsets(%dma_start3A_90 : memref<128xi32, #tpu.memory_space<vmem>>) semaphore(%dma_start3A_95 : memref<!tpu.dma_semaphore, #tpu.memory_space<semaphore_mem>>)
        } else {
        }
      }
      %scan3A_36 = arith.constant 88 : i32
      %barrier3A_37 = arith.constant 0 : index
      tpu.barrier barrier_id(%barrier3A_37)
      "tpu.region"() ({
        %run_scoped3A_38 = tpu.sem_alloc : memref<!tpu.dma_semaphore, #tpu.memory_space<semaphore_mem>>
        %dma_start3A_39 = arith.constant 0 : i32
        %dma_start3A_40 = tpu.memref_slice %arg6[%add3A, %mul3A_0, %dma_start3A_39] : memref<4x10112x128xf32, #tpu.memory_space<hbm>> -> memref<1x632x128xf32, #tpu.memory_space<hbm>>
        %dma_start3A_41 = tpu.memref_squeeze %dma_start3A_40 : memref<1x632x128xf32, #tpu.memory_space<hbm>> -> memref<632x128xf32, #tpu.memory_space<hbm>>
        %dma_start3A_42 = arith.constant 0 : i32
        %dma_start3A_43 = tpu.memref_slice %arg12[%mul3A_0, %dma_start3A_42] : memref<10112x128xf32, #tpu.memory_space<vmem_shared>> -> memref<632x128xf32, #tpu.memory_space<vmem_shared>>
        tpu.enqueue_dma source(%dma_start3A_43 : memref<632x128xf32, #tpu.memory_space<vmem_shared>>) target(%dma_start3A_41 : memref<632x128xf32, #tpu.memory_space<hbm>>) target_semaphore(%run_scoped3A_38 : memref<!tpu.dma_semaphore, #tpu.memory_space<semaphore_mem>>)
        %dma_wait3A = arith.constant 0 : i32
        %dma_wait3A_44 = tpu.memref_slice %arg6[%add3A, %mul3A_0, %dma_wait3A] : memref<4x10112x128xf32, #tpu.memory_space<hbm>> -> memref<1x632x128xf32, #tpu.memory_space<hbm>>
        %dma_wait3A_45 = tpu.memref_squeeze %dma_wait3A_44 : memref<1x632x128xf32, #tpu.memory_space<hbm>> -> memref<632x128xf32, #tpu.memory_space<hbm>>
        %dma_wait3A_46 = arith.constant 0 : i32
        %dma_wait3A_47 = tpu.memref_slice %arg12[%mul3A_0, %dma_wait3A_46] : memref<10112x128xf32, #tpu.memory_space<vmem_shared>> -> memref<632x128xf32, #tpu.memory_space<vmem_shared>>
        tpu.wait_dma2 semaphore(%run_scoped3A_38 : memref<!tpu.dma_semaphore, #tpu.memory_space<semaphore_mem>>) src(%dma_wait3A_47 : memref<632x128xf32, #tpu.memory_space<vmem_shared>>) dst(%dma_wait3A_45 : memref<632x128xf32, #tpu.memory_space<hbm>>)
        tpu.yield
      }) : () -> ()
    }
    %scan3A_5 = arith.constant 2 : i32
    return
  }
}

module attributes {stable_mosaic.version = 14 : i64} {
  func.func @_enc_body(%arg0: i32, %arg1: memref<2000x256xf32, #tpu.memory_space<vmem>>, %arg2: memref<256x256xf32, #tpu.memory_space<vmem>>, %arg3: memref<2000x1xf32, #tpu.memory_space<vmem>>, %arg4: memref<2000x1xf32, #tpu.memory_space<vmem>>, %arg5: memref<4x2000x128xf32, #tpu.memory_space<vmem>>) attributes {dimension_semantics = [#tpu.dimension_semantics<arbitrary>], iteration_bounds = array<i64: 5>, scalar_prefetch = 0 : i64, scratch_operands = 0 : i64, tpu.core_type = #tpu.core_type<tc>, window_params = [{transform_indices = @transform_0, window_bounds = array<i64: 2000, 256>}, {pipeline_mode = #tpu.pipeline_mode<synchronous>, transform_indices = @transform_1, window_bounds = array<i64: 256, 256>}, {transform_indices = @transform_2, window_bounds = array<i64: 2000, 1>}, {transform_indices = @transform_3, window_bounds = array<i64: 2000, 1>}, {transform_indices = @transform_4, window_bounds = array<i64: 4, 2000, 128>}]} {
    %get3A = arith.constant 0 : index
    %get3A_0 = arith.constant 0 : index
    %get3A_1 = vector.load %arg1[%get3A, %get3A_0] : memref<2000x256xf32, #tpu.memory_space<vmem>>, vector<2000x256xf32>
    %get3A_2 = arith.constant 0 : index
    %get3A_3 = arith.constant 0 : index
    %get3A_4 = vector.load %arg2[%get3A_2, %get3A_3] : memref<256x256xf32, #tpu.memory_space<vmem>>, vector<256x256xf32>
    %dot_general3A = arith.constant dense<0.000000e+00> : vector<2000x256xf32>
    %dot_general3A_5 = tpu.matmul %get3A_1, %get3A_4, %dot_general3A {dimension_numbers = #tpu.dot_dimension_numbers<[1], [0], [0], [1], [0, 0, 1, 1], [], []>, transpose_lhs_hint = false} : vector<2000x256xf32>, vector<256x256xf32>, vector<2000x256xf32> -> vector<2000x256xf32>
    %get3A_6 = arith.constant 0 : index
    %get3A_7 = arith.constant 0 : index
    %get3A_8 = vector.load %arg3[%get3A_6, %get3A_7] : memref<2000x1xf32, #tpu.memory_space<vmem>>, vector<2000x1xf32>
    %rsqrt3A = math.rsqrt %get3A_8 : vector<2000x1xf32>
    %get3A_9 = arith.constant 0 : index
    %get3A_10 = arith.constant 0 : index
    %get3A_11 = vector.load %arg4[%get3A_9, %get3A_10] : memref<2000x1xf32, #tpu.memory_space<vmem>>, vector<2000x1xf32>
    %rsqrt3A_12 = math.rsqrt %get3A_11 : vector<2000x1xf32>
    %mul3A = vector.broadcast %rsqrt3A : vector<2000x1xf32> to vector<2000x256xf32>
    %mul3A_13 = arith.mulf %dot_general3A_5, %mul3A : vector<2000x256xf32>
    %mul3A_14 = vector.broadcast %rsqrt3A_12 : vector<2000x1xf32> to vector<2000x256xf32>
    %mul3A_15 = arith.mulf %dot_general3A_5, %mul3A_14 : vector<2000x256xf32>
    %slice3A = vector.extract_strided_slice %mul3A_13 {offsets = [0, 0], sizes = [2000, 128], strides = [1, 1]} : vector<2000x256xf32> to vector<2000x128xf32>
    %slice3A_16 = vector.extract_strided_slice %mul3A_13 {offsets = [0, 128], sizes = [2000, 128], strides = [1, 1]} : vector<2000x256xf32> to vector<2000x128xf32>
    %slice3A_17 = vector.extract_strided_slice %mul3A_15 {offsets = [0, 0], sizes = [2000, 128], strides = [1, 1]} : vector<2000x256xf32> to vector<2000x128xf32>
    %slice3A_18 = vector.extract_strided_slice %mul3A_15 {offsets = [0, 128], sizes = [2000, 128], strides = [1, 1]} : vector<2000x256xf32> to vector<2000x128xf32>
    %stack3A = vector.shape_cast %slice3A : vector<2000x128xf32> to vector<1x2000x128xf32>
    %stack3A_19 = vector.shape_cast %slice3A_16 : vector<2000x128xf32> to vector<1x2000x128xf32>
    %stack3A_20 = vector.shape_cast %slice3A_17 : vector<2000x128xf32> to vector<1x2000x128xf32>
    %stack3A_21 = vector.shape_cast %slice3A_18 : vector<2000x128xf32> to vector<1x2000x128xf32>
    %stack3A_22 = tpu.concatenate %stack3A, %stack3A_19, %stack3A_20, %stack3A_21 in 0 : vector<1x2000x128xf32>, vector<1x2000x128xf32>, vector<1x2000x128xf32>, vector<1x2000x128xf32> -> vector<4x2000x128xf32>
    %swap3A = arith.constant 0 : index
    %swap3A_23 = arith.constant 0 : index
    %swap3A_24 = arith.constant 0 : index
    %swap3A_25 = vector.load %arg5[%swap3A, %swap3A_23, %swap3A_24] : memref<4x2000x128xf32, #tpu.memory_space<vmem>>, vector<4x2000x128xf32>
    tpu.vector_store %arg5[%swap3A, %swap3A_23, %swap3A_24], %stack3A_22 {strides = array<i32>} : memref<4x2000x128xf32, #tpu.memory_space<vmem>>, vector<4x2000x128xf32>,
    return
  }
  func.func @transform_0(%arg0: i32) -> (i32, i32) {
    %c0_i32 = arith.constant 0 : i32
    %c0_i32_0 = arith.constant 0 : i32
    return %arg0, %c0_i32 : i32, i32
  }
  func.func @transform_1(%arg0: i32) -> (i32, i32) {
    %c0_i32 = arith.constant 0 : i32
    %c0_i32_0 = arith.constant 0 : i32
    %c0_i32_1 = arith.constant 0 : i32
    return %c0_i32, %c0_i32_0 : i32, i32
  }
  func.func @transform_2(%arg0: i32) -> (i32, i32) {
    %c0_i32 = arith.constant 0 : i32
    %c0_i32_0 = arith.constant 0 : i32
    return %arg0, %c0_i32 : i32, i32
  }
  func.func @transform_3(%arg0: i32) -> (i32, i32) {
    %c0_i32 = arith.constant 0 : i32
    %c0_i32_0 = arith.constant 0 : i32
    return %arg0, %c0_i32 : i32, i32
  }
  func.func @transform_4(%arg0: i32) -> (i32, i32, i32) {
    %c0_i32 = arith.constant 0 : i32
    %c0_i32_0 = arith.constant 0 : i32
    %c0_i32_1 = arith.constant 0 : i32
    return %c0_i32, %arg0, %c0_i32_0 : i32, i32, i32
  }
}

module attributes {stable_mosaic.version = 14 : i64} {
  func.func @_loss_body(%arg0: i32, %arg1: i32, %arg2: memref<1x2000x128xf32, #tpu.memory_space<vmem>>, %arg3: memref<1x2000x128xf32, #tpu.memory_space<vmem>>, %arg4: memref<1x2000x128xf32, #tpu.memory_space<vmem>>, %arg5: memref<1x2000x128xf32, #tpu.memory_space<vmem>>, %arg6: memref<2000x1xf32, #tpu.memory_space<vmem>>, %arg7: memref<1x256xf32, #tpu.memory_space<vmem>>, %arg8: memref<1x256xf32, #tpu.memory_space<vmem>>, %arg9: memref<256x256xf32, #tpu.memory_space<vmem>>, %arg10: memref<1x1xf32, #tpu.memory_space<vmem>>, %arg11: memref<10000x256xf32, #tpu.memory_space<vmem>>, %arg12: memref<10000x256xf32, #tpu.memory_space<vmem>>, %arg13: memref<1x256xf32, #tpu.memory_space<vmem>>, %arg14: memref<1x256xf32, #tpu.memory_space<vmem>>, %arg15: memref<1x1xf32, #tpu.memory_space<smem>>, %arg16: memref<1x1xf32, #tpu.memory_space<smem>>) attributes {dimension_semantics = [#tpu.dimension_semantics<arbitrary>, #tpu.dimension_semantics<arbitrary>], iteration_bounds = array<i64: 2, 5>, scalar_prefetch = 0 : i64, scratch_operands = 6 : i64, tpu.core_type = #tpu.core_type<tc>, window_params = [{transform_indices = @transform_0, window_bounds = array<i64: 1, 2000, 128>}, {transform_indices = @transform_1, window_bounds = array<i64: 1, 2000, 128>}, {transform_indices = @transform_2, window_bounds = array<i64: 1, 2000, 128>}, {transform_indices = @transform_3, window_bounds = array<i64: 1, 2000, 128>}, {transform_indices = @transform_4, window_bounds = array<i64: 2000, 1>}, {pipeline_mode = #tpu.pipeline_mode<synchronous>, transform_indices = @transform_5, window_bounds = array<i64: 1, 256>}, {pipeline_mode = #tpu.pipeline_mode<synchronous>, transform_indices = @transform_6, window_bounds = array<i64: 1, 256>}, {pipeline_mode = #tpu.pipeline_mode<synchronous>, transform_indices = @transform_7, window_bounds = array<i64: 256, 256>}, {pipeline_mode = #tpu.pipeline_mode<synchronous>, transform_indices = @transform_8, window_bounds = array<i64: 1, 1>}]} {
    %mul3A = arith.constant 2000 : i32
    %mul3A_0 = arith.muli %arg1, %mul3A : i32
    %eq3A = arith.constant 0 : i32
    %eq3A_1 = arith.cmpi eq, %arg0, %eq3A : i32
    %convert_element_type3A = arith.extui %eq3A_1 : i1 to i32
    %cond3A = arith.constant 0 : i32
    %cond3A_2 = arith.cmpi ne, %convert_element_type3A, %cond3A : i32
    scf.if %cond3A_2 {
      %get3A = arith.constant 0 : index
      %get3A_8 = arith.constant 0 : index
      %get3A_9 = vector.load %arg6[%get3A, %get3A_8] : memref<2000x1xf32, #tpu.memory_space<vmem>>, vector<2000x1xf32>
      %rsqrt3A = math.rsqrt %get3A_9 : vector<2000x1xf32>
      %get3A_10 = arith.constant 0 : index
      %get3A_11 = arith.constant 0 : index
      %get3A_12 = vector.load %arg7[%get3A_10, %get3A_11] : memref<1x256xf32, #tpu.memory_space<vmem>>, vector<1x256xf32>
      %get3A_13 = arith.constant 0 : index
      %get3A_14 = arith.constant 0 : index
      %get3A_15 = vector.load %arg8[%get3A_13, %get3A_14] : memref<1x256xf32, #tpu.memory_space<vmem>>, vector<1x256xf32>
      %get3A_16 = arith.constant 0 : index
      %get3A_17 = arith.constant 0 : index
      %get3A_18 = arith.constant 0 : index
      %get3A_19 = vector.load %arg2[%get3A_16, %get3A_17, %get3A_18] : memref<1x2000x128xf32, #tpu.memory_space<vmem>>, vector<1x2000x128xf32>
      %get3A_20 = vector.shape_cast %get3A_19 : vector<1x2000x128xf32> to vector<2000x128xf32>
      %get3A_21 = arith.constant 0 : index
      %get3A_22 = arith.constant 0 : index
      %get3A_23 = arith.constant 0 : index
      %get3A_24 = vector.load %arg3[%get3A_21, %get3A_22, %get3A_23] : memref<1x2000x128xf32, #tpu.memory_space<vmem>>, vector<1x2000x128xf32>
      %get3A_25 = vector.shape_cast %get3A_24 : vector<1x2000x128xf32> to vector<2000x128xf32>
      %concatenate3A = tpu.concatenate %get3A_20, %get3A_25 in 1 : vector<2000x128xf32>, vector<2000x128xf32> -> vector<2000x256xf32>
      %mul3A_26 = vector.broadcast %rsqrt3A : vector<2000x1xf32> to vector<2000x256xf32>
      %mul3A_27 = arith.mulf %concatenate3A, %mul3A_26 : vector<2000x256xf32>
      %add3A = vector.broadcast %get3A_12 : vector<1x256xf32> to vector<2000x256xf32>
      %add3A_28 = arith.addf %mul3A_27, %add3A : vector<2000x256xf32>
      %gt3A = arith.constant 0.000000e+00 : f32
      %gt3A_29 = vector.broadcast %gt3A : f32 to vector<2000x256xf32>
      %gt3A_30 = arith.cmpf ogt, %add3A_28, %gt3A_29 : vector<2000x256xf32>
      %mul3A_31 = vector.broadcast %get3A_15 : vector<1x256xf32> to vector<2000x256xf32>
      %mul3A_32 = arith.mulf %mul3A_31, %add3A_28 : vector<2000x256xf32>
      %select_n3A = arith.select %gt3A_30, %add3A_28, %mul3A_32 : vector<2000x256xi1>, vector<2000x256xf32>
      %swap3A = arith.index_cast %mul3A_0 : i32 to index
      %swap3A_33 = arith.constant 0 : index
      %swap3A_34 = vector.load %arg11[%swap3A, %swap3A_33] : memref<10000x256xf32, #tpu.memory_space<vmem>>, vector<2000x256xf32>
      tpu.vector_store %arg11[%swap3A, %swap3A_33], %select_n3A {strides = array<i32>} : memref<10000x256xf32, #tpu.memory_space<vmem>>, vector<2000x256xf32>,
      %get3A_35 = arith.constant 0 : index
      %get3A_36 = arith.constant 0 : index
      %get3A_37 = arith.constant 0 : index
      %get3A_38 = vector.load %arg4[%get3A_35, %get3A_36, %get3A_37] : memref<1x2000x128xf32, #tpu.memory_space<vmem>>, vector<1x2000x128xf32>
      %get3A_39 = vector.shape_cast %get3A_38 : vector<1x2000x128xf32> to vector<2000x128xf32>
      %get3A_40 = arith.constant 0 : index
      %get3A_41 = arith.constant 0 : index
      %get3A_42 = arith.constant 0 : index
      %get3A_43 = vector.load %arg5[%get3A_40, %get3A_41, %get3A_42] : memref<1x2000x128xf32, #tpu.memory_space<vmem>>, vector<1x2000x128xf32>
      %get3A_44 = vector.shape_cast %get3A_43 : vector<1x2000x128xf32> to vector<2000x128xf32>
      %concatenate3A_45 = tpu.concatenate %get3A_39, %get3A_44 in 1 : vector<2000x128xf32>, vector<2000x128xf32> -> vector<2000x256xf32>
      %mul3A_46 = vector.broadcast %rsqrt3A : vector<2000x1xf32> to vector<2000x256xf32>
      %mul3A_47 = arith.mulf %concatenate3A_45, %mul3A_46 : vector<2000x256xf32>
      %add3A_48 = vector.broadcast %get3A_12 : vector<1x256xf32> to vector<2000x256xf32>
      %add3A_49 = arith.addf %mul3A_47, %add3A_48 : vector<2000x256xf32>
      %gt3A_50 = arith.constant 0.000000e+00 : f32
      %gt3A_51 = vector.broadcast %gt3A_50 : f32 to vector<2000x256xf32>
      %gt3A_52 = arith.cmpf ogt, %add3A_49, %gt3A_51 : vector<2000x256xf32>
      %mul3A_53 = vector.broadcast %get3A_15 : vector<1x256xf32> to vector<2000x256xf32>
      %mul3A_54 = arith.mulf %mul3A_53, %add3A_49 : vector<2000x256xf32>
      %select_n3A_55 = arith.select %gt3A_52, %add3A_49, %mul3A_54 : vector<2000x256xi1>, vector<2000x256xf32>
      %swap3A_56 = arith.index_cast %mul3A_0 : i32 to index
      %swap3A_57 = arith.constant 0 : index
      %swap3A_58 = vector.load %arg12[%swap3A_56, %swap3A_57] : memref<10000x256xf32, #tpu.memory_space<vmem>>, vector<2000x256xf32>
      tpu.vector_store %arg12[%swap3A_56, %swap3A_57], %select_n3A_55 {strides = array<i32>} : memref<10000x256xf32, #tpu.memory_space<vmem>>, vector<2000x256xf32>,
      %eq3A_59 = arith.constant 0 : i32
      %eq3A_60 = arith.cmpi eq, %arg1, %eq3A_59 : i32
      %convert_element_type3A_61 = arith.extui %eq3A_60 : i1 to i32
      %cond3A_62 = arith.constant 0 : i32
      %cond3A_63 = arith.cmpi ne, %convert_element_type3A_61, %cond3A_62 : i32
      scf.if %cond3A_63 {
        %broadcast_in_dim3A_72 = arith.constant 0.000000e+00 : f32
        %broadcast_in_dim3A_73 = vector.broadcast %broadcast_in_dim3A_72 : f32 to vector<1x256xf32>
        %swap3A_74 = arith.constant 0 : index
        %swap3A_75 = arith.constant 0 : index
        %swap3A_76 = vector.load %arg13[%swap3A_74, %swap3A_75] : memref<1x256xf32, #tpu.memory_space<vmem>>, vector<1x256xf32>
        tpu.vector_store %arg13[%swap3A_74, %swap3A_75], %broadcast_in_dim3A_73 {strides = array<i32>} : memref<1x256xf32, #tpu.memory_space<vmem>>, vector<1x256xf32>,
      } else {
      }
      %get3A_64 = arith.constant 0 : index
      %get3A_65 = arith.constant 0 : index
      %get3A_66 = vector.load %arg13[%get3A_64, %get3A_65] : memref<1x256xf32, #tpu.memory_space<vmem>>, vector<1x256xf32>
      %reduce_sum3A = arith.constant dense<0.000000e+00> : vector<256xf32>
      %reduce_sum3A_67 = vector.multi_reduction <add>, %select_n3A, %reduce_sum3A [0] : vector<2000x256xf32> to vector<256xf32>
      %broadcast_in_dim3A = vector.shape_cast %reduce_sum3A_67 : vector<256xf32> to vector<1x256xf32>
      %add3A_68 = arith.addf %get3A_66, %broadcast_in_dim3A : vector<1x256xf32>
      %swap3A_69 = arith.constant 0 : index
      %swap3A_70 = arith.constant 0 : index
      %swap3A_71 = vector.load %arg13[%swap3A_69, %swap3A_70] : memref<1x256xf32, #tpu.memory_space<vmem>>, vector<1x256xf32>
      tpu.vector_store %arg13[%swap3A_69, %swap3A_70], %add3A_68 {strides = array<i32>} : memref<1x256xf32, #tpu.memory_space<vmem>>, vector<1x256xf32>,
    } else {
    }
    %eq3A_3 = arith.constant 1 : i32
    %eq3A_4 = arith.cmpi eq, %arg0, %eq3A_3 : i32
    %convert_element_type3A_5 = arith.extui %eq3A_4 : i1 to i32
    %cond3A_6 = arith.constant 0 : i32
    %cond3A_7 = arith.cmpi ne, %convert_element_type3A_5, %cond3A_6 : i32
    scf.if %cond3A_7 {
      %eq3A_8 = arith.constant 0 : i32
      %eq3A_9 = arith.cmpi eq, %arg1, %eq3A_8 : i32
      %convert_element_type3A_10 = arith.extui %eq3A_9 : i1 to i32
      %cond3A_11 = arith.constant 0 : i32
      %cond3A_12 = arith.cmpi ne, %convert_element_type3A_10, %cond3A_11 : i32
      scf.if %cond3A_12 {
        %get3A_76 = arith.constant 0 : index
        %get3A_77 = arith.constant 0 : index
        %get3A_78 = vector.load %arg13[%get3A_76, %get3A_77] : memref<1x256xf32, #tpu.memory_space<vmem>>, vector<1x256xf32>
        %div3A = arith.constant 1.000000e+04 : f32
        %div3A_79 = vector.broadcast %div3A : f32 to vector<1x256xf32>
        %div3A_80 = arith.divf %get3A_78, %div3A_79 : vector<1x256xf32>
        %logistic3A = arith.negf %div3A_80 : vector<1x256xf32>
        %logistic3A_81 = math.exp %logistic3A : vector<1x256xf32>
        %logistic3A_82 = arith.constant 1.000000e+00 : f32
        %logistic3A_83 = vector.broadcast %logistic3A_82 : f32 to vector<1x256xf32>
        %logistic3A_84 = arith.addf %logistic3A_83, %logistic3A_81 : vector<1x256xf32>
        %logistic3A_85 = arith.divf %logistic3A_83, %logistic3A_84 : vector<1x256xf32>
        %get3A_86 = arith.constant 0 : index
        %get3A_87 = arith.constant 0 : index
        %get3A_88 = vector.load %arg9[%get3A_86, %get3A_87] : memref<256x256xf32, #tpu.memory_space<vmem>>, vector<256x256xf32>
        %dot_general3A_89 = arith.constant dense<0.000000e+00> : vector<1x256xf32>
        %dot_general3A_90 = tpu.matmul %logistic3A_85, %get3A_88, %dot_general3A_89 {dimension_numbers = #tpu.dot_dimension_numbers<[1], [1], [0], [0], [0, 0, 1, 0], [], []>, transpose_lhs_hint = false} : vector<1x256xf32>, vector<256x256xf32>, vector<1x256xf32> -> vector<1x256xf32>
        %swap3A_91 = arith.constant 0 : index
        %swap3A_92 = arith.constant 0 : index
        %swap3A_93 = vector.load %arg14[%swap3A_91, %swap3A_92] : memref<1x256xf32, #tpu.memory_space<vmem>>, vector<1x256xf32>
        tpu.vector_store %arg14[%swap3A_91, %swap3A_92], %dot_general3A_90 {strides = array<i32>} : memref<1x256xf32, #tpu.memory_space<vmem>>, vector<1x256xf32>,
        %swap3A_94 = arith.constant 0.000000e+00 : f32
        %swap3A_95 = arith.constant 0 : index
        %swap3A_96 = arith.constant 0 : index
        %swap3A_97 = memref.load %arg15[%swap3A_95, %swap3A_96] : memref<1x1xf32, #tpu.memory_space<smem>>
        memref.store %swap3A_94, %arg15[%swap3A_95, %swap3A_96] : memref<1x1xf32, #tpu.memory_space<smem>>
        %swap3A_98 = arith.constant 0.000000e+00 : f32
        %swap3A_99 = arith.constant 0 : index
        %swap3A_100 = arith.constant 0 : index
        %swap3A_101 = memref.load %arg16[%swap3A_99, %swap3A_100] : memref<1x1xf32, #tpu.memory_space<smem>>
        memref.store %swap3A_98, %arg16[%swap3A_99, %swap3A_100] : memref<1x1xf32, #tpu.memory_space<smem>>
      } else {
      }
      %get3A = arith.constant 0 : index
      %get3A_13 = arith.constant 0 : index
      %get3A_14 = vector.load %arg14[%get3A, %get3A_13] : memref<1x256xf32, #tpu.memory_space<vmem>>, vector<1x256xf32>
      %get3A_15 = arith.index_cast %mul3A_0 : i32 to index
      %get3A_16 = arith.constant 0 : index
      %get3A_17 = vector.load %arg11[%get3A_15, %get3A_16] : memref<10000x256xf32, #tpu.memory_space<vmem>>, vector<2000x256xf32>
      %dot_general3A = arith.constant dense<0.000000e+00> : vector<2000x1xf32>
      %dot_general3A_18 = tpu.matmul %get3A_17, %get3A_14, %dot_general3A {dimension_numbers = #tpu.dot_dimension_numbers<[1], [1], [0], [0], [0, 0, 1, 0], [], []>, transpose_lhs_hint = false} : vector<2000x256xf32>, vector<1x256xf32>, vector<2000x1xf32> -> vector<2000x1xf32>
      %get3A_19 = arith.index_cast %mul3A_0 : i32 to index
      %get3A_20 = arith.constant 0 : index
      %get3A_21 = vector.load %arg12[%get3A_19, %get3A_20] : memref<10000x256xf32, #tpu.memory_space<vmem>>, vector<2000x256xf32>
      %dot_general3A_22 = arith.constant dense<0.000000e+00> : vector<2000x1xf32>
      %dot_general3A_23 = tpu.matmul %get3A_21, %get3A_14, %dot_general3A_22 {dimension_numbers = #tpu.dot_dimension_numbers<[1], [1], [0], [0], [0, 0, 1, 0], [], []>, transpose_lhs_hint = false} : vector<2000x256xf32>, vector<1x256xf32>, vector<2000x1xf32> -> vector<2000x1xf32>
      %get3A_24 = arith.constant 0 : index
      %get3A_25 = arith.constant 0 : index
      %get3A_26 = memref.load %arg15[%get3A_24, %get3A_25] : memref<1x1xf32, #tpu.memory_space<smem>>
      %neg3A = arith.constant 0.000000e+00 : f32
      %neg3A_27 = vector.broadcast %neg3A : f32 to vector<2000x1xf32>
      %neg3A_28 = arith.subf %neg3A_27, %dot_general3A_18 : vector<2000x1xf32>
      %custom_jvp_call3A = arith.constant 0.000000e+00 : f32
      %max3A = vector.broadcast %custom_jvp_call3A : f32 to vector<2000x1xf32>
      %max3A_29 = arith.maximumf %max3A, %neg3A_28 : vector<2000x1xf32>
      %sub3A = vector.broadcast %custom_jvp_call3A : f32 to vector<2000x1xf32>
      %sub3A_30 = arith.subf %sub3A, %neg3A_28 : vector<2000x1xf32>
      %ne3A = arith.cmpf one, %sub3A_30, %sub3A_30 : vector<2000x1xf32>
      %add3A = vector.broadcast %custom_jvp_call3A : f32 to vector<2000x1xf32>
      %add3A_31 = arith.addf %add3A, %neg3A_28 : vector<2000x1xf32>
      %abs3A = math.absf %sub3A_30 : vector<2000x1xf32>
      %neg3A_32 = arith.constant 0.000000e+00 : f32
      %neg3A_33 = vector.broadcast %neg3A_32 : f32 to vector<2000x1xf32>
      %neg3A_34 = arith.subf %neg3A_33, %abs3A : vector<2000x1xf32>
      %exp3A = math.exp %neg3A_34 : vector<2000x1xf32>
      %log1p3A = math.log1p %exp3A : vector<2000x1xf32>
      %add3A_35 = arith.addf %max3A_29, %log1p3A : vector<2000x1xf32>
      %select_n3A = arith.select %ne3A, %add3A_31, %add3A_35 : vector<2000x1xi1>, vector<2000x1xf32>
      %reduce_sum3A = vector.shape_cast %select_n3A : vector<2000x1xf32> to vector<1x2000x1xf32>
      %reduce_sum3A_36 = arith.constant dense<0.000000e+00> : vector<1xf32>
      %reduce_sum3A_37 = vector.multi_reduction <add>, %reduce_sum3A, %reduce_sum3A_36 [1, 2] : vector<1x2000x1xf32> to vector<1xf32>
      %reduce_sum3A_38 = vector.shape_cast %reduce_sum3A_37 : vector<1xf32> to vector<1x1x1xf32>
      %reduce_sum3A_39 = vector.extract %reduce_sum3A_38[0, 0, 0] : f32 from vector<1x1x1xf32>
      %add3A_40 = arith.addf %get3A_26, %reduce_sum3A_39 : f32
      %swap3A = arith.constant 0 : index
      %swap3A_41 = arith.constant 0 : index
      %swap3A_42 = memref.load %arg15[%swap3A, %swap3A_41] : memref<1x1xf32, #tpu.memory_space<smem>>
      memref.store %add3A_40, %arg15[%swap3A, %swap3A_41] : memref<1x1xf32, #tpu.memory_space<smem>>
      %get3A_43 = arith.constant 0 : index
      %get3A_44 = arith.constant 0 : index
      %get3A_45 = memref.load %arg16[%get3A_43, %get3A_44] : memref<1x1xf32, #tpu.memory_space<smem>>
      %custom_jvp_call3A_46 = arith.constant 0.000000e+00 : f32
      %max3A_47 = vector.broadcast %custom_jvp_call3A_46 : f32 to vector<2000x1xf32>
      %max3A_48 = arith.maximumf %max3A_47, %dot_general3A_23 : vector<2000x1xf32>
      %sub3A_49 = vector.broadcast %custom_jvp_call3A_46 : f32 to vector<2000x1xf32>
      %sub3A_50 = arith.subf %sub3A_49, %dot_general3A_23 : vector<2000x1xf32>
      %ne3A_51 = arith.cmpf one, %sub3A_50, %sub3A_50 : vector<2000x1xf32>
      %add3A_52 = vector.broadcast %custom_jvp_call3A_46 : f32 to vector<2000x1xf32>
      %add3A_53 = arith.addf %add3A_52, %dot_general3A_23 : vector<2000x1xf32>
      %abs3A_54 = math.absf %sub3A_50 : vector<2000x1xf32>
      %neg3A_55 = arith.constant 0.000000e+00 : f32
      %neg3A_56 = vector.broadcast %neg3A_55 : f32 to vector<2000x1xf32>
      %neg3A_57 = arith.subf %neg3A_56, %abs3A_54 : vector<2000x1xf32>
      %exp3A_58 = math.exp %neg3A_57 : vector<2000x1xf32>
      %log1p3A_59 = math.log1p %exp3A_58 : vector<2000x1xf32>
      %add3A_60 = arith.addf %max3A_48, %log1p3A_59 : vector<2000x1xf32>
      %select_n3A_61 = arith.select %ne3A_51, %add3A_53, %add3A_60 : vector<2000x1xi1>, vector<2000x1xf32>
      %reduce_sum3A_62 = vector.shape_cast %select_n3A_61 : vector<2000x1xf32> to vector<1x2000x1xf32>
      %reduce_sum3A_63 = arith.constant dense<0.000000e+00> : vector<1xf32>
      %reduce_sum3A_64 = vector.multi_reduction <add>, %reduce_sum3A_62, %reduce_sum3A_63 [1, 2] : vector<1x2000x1xf32> to vector<1xf32>
      %reduce_sum3A_65 = vector.shape_cast %reduce_sum3A_64 : vector<1xf32> to vector<1x1x1xf32>
      %reduce_sum3A_66 = vector.extract %reduce_sum3A_65[0, 0, 0] : f32 from vector<1x1x1xf32>
      %add3A_67 = arith.addf %get3A_45, %reduce_sum3A_66 : f32
      %swap3A_68 = arith.constant 0 : index
      %swap3A_69 = arith.constant 0 : index
      %swap3A_70 = memref.load %arg16[%swap3A_68, %swap3A_69] : memref<1x1xf32, #tpu.memory_space<smem>>
      memref.store %add3A_67, %arg16[%swap3A_68, %swap3A_69] : memref<1x1xf32, #tpu.memory_space<smem>>
      %eq3A_71 = arith.constant 4 : i32
      %eq3A_72 = arith.cmpi eq, %arg1, %eq3A_71 : i32
      %convert_element_type3A_73 = arith.extui %eq3A_72 : i1 to i32
      %cond3A_74 = arith.constant 0 : i32
      %cond3A_75 = arith.cmpi ne, %convert_element_type3A_73, %cond3A_74 : i32
      scf.if %cond3A_75 {
        %get3A_76 = arith.constant 0 : index
        %get3A_77 = arith.constant 0 : index
        %get3A_78 = memref.load %arg15[%get3A_76, %get3A_77] : memref<1x1xf32, #tpu.memory_space<smem>>
        %get3A_79 = arith.constant 0 : index
        %get3A_80 = arith.constant 0 : index
        %get3A_81 = memref.load %arg16[%get3A_79, %get3A_80] : memref<1x1xf32, #tpu.memory_space<smem>>
        %add3A_82 = arith.addf %get3A_78, %get3A_81 : f32
        %div3A = arith.constant 1.000000e+04 : f32
        %div3A_83 = arith.divf %add3A_82, %div3A : f32
        %broadcast_in_dim3A = vector.broadcast %div3A_83 : f32 to vector<1x1xf32>
        %swap3A_84 = arith.constant 0 : index
        %swap3A_85 = arith.constant 0 : index
        %swap3A_86 = vector.load %arg10[%swap3A_84, %swap3A_85] : memref<1x1xf32, #tpu.memory_space<vmem>>, vector<1x1xf32>
        tpu.vector_store %arg10[%swap3A_84, %swap3A_85], %broadcast_in_dim3A {strides = array<i32>} : memref<1x1xf32, #tpu.memory_space<vmem>>, vector<1x1xf32>,
      } else {
      }
    } else {
    }
    return
  }
  func.func @transform_0(%arg0: i32, %arg1: i32) -> (i32, i32, i32) {
    %sub3A = arith.constant 1 : i32
    %sub3A_0 = arith.subi %sub3A, %arg0 : i32
    %mul3A = arith.muli %arg1, %sub3A_0 : i32
    %mul3A_1 = arith.constant 4 : i32
    %mul3A_2 = arith.muli %mul3A_1, %arg0 : i32
    %add3A = arith.addi %mul3A, %mul3A_2 : i32
    %c0_i32 = arith.constant 0 : i32
    %c0_i32_3 = arith.constant 0 : i32
    %c0_i32_4 = arith.constant 0 : i32
    return %c0_i32, %add3A, %c0_i32_3 : i32, i32, i32
  }
  func.func @transform_1(%arg0: i32, %arg1: i32) -> (i32, i32, i32) {
    %sub3A = arith.constant 1 : i32
    %sub3A_0 = arith.subi %sub3A, %arg0 : i32
    %mul3A = arith.muli %arg1, %sub3A_0 : i32
    %mul3A_1 = arith.constant 4 : i32
    %mul3A_2 = arith.muli %mul3A_1, %arg0 : i32
    %add3A = arith.addi %mul3A, %mul3A_2 : i32
    %c1_i32 = arith.constant 1 : i32
    %c0_i32 = arith.constant 0 : i32
    %c0_i32_3 = arith.constant 0 : i32
    return %c1_i32, %add3A, %c0_i32 : i32, i32, i32
  }
  func.func @transform_2(%arg0: i32, %arg1: i32) -> (i32, i32, i32) {
    %sub3A = arith.constant 1 : i32
    %sub3A_0 = arith.subi %sub3A, %arg0 : i32
    %mul3A = arith.muli %arg1, %sub3A_0 : i32
    %mul3A_1 = arith.constant 4 : i32
    %mul3A_2 = arith.muli %mul3A_1, %arg0 : i32
    %add3A = arith.addi %mul3A, %mul3A_2 : i32
    %c2_i32 = arith.constant 2 : i32
    %c0_i32 = arith.constant 0 : i32
    %c0_i32_3 = arith.constant 0 : i32
    return %c2_i32, %add3A, %c0_i32 : i32, i32, i32
  }
  func.func @transform_3(%arg0: i32, %arg1: i32) -> (i32, i32, i32) {
    %sub3A = arith.constant 1 : i32
    %sub3A_0 = arith.subi %sub3A, %arg0 : i32
    %mul3A = arith.muli %arg1, %sub3A_0 : i32
    %mul3A_1 = arith.constant 4 : i32
    %mul3A_2 = arith.muli %mul3A_1, %arg0 : i32
    %add3A = arith.addi %mul3A, %mul3A_2 : i32
    %c3_i32 = arith.constant 3 : i32
    %c0_i32 = arith.constant 0 : i32
    %c0_i32_3 = arith.constant 0 : i32
    return %c3_i32, %add3A, %c0_i32 : i32, i32, i32
  }
  func.func @transform_4(%arg0: i32, %arg1: i32) -> (i32, i32) {
    %sub3A = arith.constant 1 : i32
    %sub3A_0 = arith.subi %sub3A, %arg0 : i32
    %mul3A = arith.muli %arg1, %sub3A_0 : i32
    %mul3A_1 = arith.constant 4 : i32
    %mul3A_2 = arith.muli %mul3A_1, %arg0 : i32
    %add3A = arith.addi %mul3A, %mul3A_2 : i32
    %c0_i32 = arith.constant 0 : i32
    %c0_i32_3 = arith.constant 0 : i32
    return %add3A, %c0_i32 : i32, i32
  }
  func.func @transform_5(%arg0: i32, %arg1: i32) -> (i32, i32) {
    %c0_i32 = arith.constant 0 : i32
    %c0_i32_0 = arith.constant 0 : i32
    %c0_i32_1 = arith.constant 0 : i32
    return %c0_i32, %c0_i32_0 : i32, i32
  }
  func.func @transform_6(%arg0: i32, %arg1: i32) -> (i32, i32) {
    %c0_i32 = arith.constant 0 : i32
    %c0_i32_0 = arith.constant 0 : i32
    %c0_i32_1 = arith.constant 0 : i32
    return %c0_i32, %c0_i32_0 : i32, i32
  }
  func.func @transform_7(%arg0: i32, %arg1: i32) -> (i32, i32) {
    %c0_i32 = arith.constant 0 : i32
    %c0_i32_0 = arith.constant 0 : i32
    %c0_i32_1 = arith.constant 0 : i32
    return %c0_i32, %c0_i32_0 : i32, i32
  }
  func.func @transform_8(%arg0: i32, %arg1: i32) -> (i32, i32) {
    %c0_i32 = arith.constant 0 : i32
    %c0_i32_0 = arith.constant 0 : i32
    %c0_i32_1 = arith.constant 0 : i32
    return %c0_i32, %c0_i32_0 : i32, i32
  }
}

</mosaic_0001>

<sc_bundles>
// kernel: kernel.6.cloned.1.call-start
scs
__scs_entry_jumppad:
0x0: {  	(pc) =	sbr.rel $0x88, $3  }
0x1: {  	(tag) =	ssettag $0x0;
	lr =	simm.s32 $0x1  }
0x2: {  	[smem:$0x3F9B] =	sst lr;
	_ =	strace $0xD0000000  }
0x3: {  	_ = 	snop  }
0x4: {  	_ = 	snop  }
0x5: {  	_ = 	snop  }
0x6: {  	_ = 	snop  }
0x7: {  	_ = 	snop  }
__scs_overlays_trampoline_lowered:
0x8: {  	[smem:$0x3FAA] =	sst s0  }
0x9: {  	[smem:$0x3FAB] =	sst s1  }
0xa: {  	[smem:$0x3FAC] =	sst s2  }
0xb: {  	[smem:$0x3FAD] =	sst s3  }
0xc: {  	[smem:$0x3FAE] =	sst s4  }
0xd: {  	[smem:$0x3FAF] =	sst s5  }
0xe: {  	[smem:$0x3FB0] =	sst s6  }
0xf: {  	[smem:$0x3FB1] =	sst s7  }
0x10: {  	[smem:$0x3FB2] =	sst s8  }
0x11: {  	[smem:$0x3FB3] =	sst s9;
	s0 =	simm.s32 @!p0 $0x0  }
0x12: {  	s1 =	sld [smem:$0x3F99];
	s0 =	simm.s32 @p0 $0x1  }
0x13: {  	[smem:$0x3FB4] =	sst s0;
	s0 =	simm.s32 @!p1 $0x0  }
0x14: {  	s2 =	sld [smem:$0x3F98];
	s0 =	simm.s32 @p1 $0x1  }
0x15: {  	[smem:$0x3FB5] =	sst s0;
	s0 =	simm.s32 @!p2 $0x0  }
0x16: {  	s3 =	sld [smem:$0x3FDB];
	s0 =	simm.s32 @p2 $0x1  }
0x17: {  	s4 =	simm.s32 $0x1BF5;
	[smem:$0x3FB7] =	sst s0  }
0x18: {  	s0 =	sld [smem:$0x3F9A];
	_ =	swait.ge [sflag:s4], $0x0  }
0x19: {  	s7 =	sld [smem:$0x3F9B]  }
0x1a: {  	s8 =	sadd.s32 $0xFFFFE003, lr  }
0x1b: {  	s9 =	sadd.s32 $0xFFFFFEF7, lr;
	s5 =	simm.s32 $0xFFFFFFFF;
	p2 =	slt.u32 s8, $0xFFFFF086  }
0x1c: {  	p1 =	slt.u32 s9, $0xF7A;
	s5 =	simm.s32 @!p2 $0x0  }
0x1d: {  	s5 =	simm.s32 @p1 $0x1;
	p0 =	seq.s32 s7, s2  }
0x1e: {  	s7 =	smul.u32 @!p0 $0xF7A, s2;
	p2 =	seq.s32 @!p0 s5, $0x0  }
0x1f: {  	s9 =	smul.u32 $0xF7A, s1;
	s8 =	simm.s32 @!p0 $0x1BF5;
	p2 =	por !p2, p0  }
0x20: {  	[sflag:s8] =	ssyncset.s32 @!p0 $0xFFFFF086;
	s6 =	sadd.s32 @!p0 s3, s7;
	s7 =	simm.s32 @!p0 $0x108  }
0x21: {  	s3 =	sadd.s32 s3, s9;
	s6 =	sadd.s32 @!p0 $0x88, s6;
	s7 =	simm.s32 @p2 $0x1082  }
0x22: {  	[simem:s7], [sflag:s8] =	dma.local @!p0 [hbm:s6], $0xF7A  }
0x23: {  	s9 =	sor.u32 $0xD0000000, s2;
	s6 =	simm.s32 $0x108;
	_ =	swait.ge @!p0 [sflag:s8], $0x0  }
0x24: {  	s3 =	sadd.s32 $0x88, s3;
	s6 =	simm.s32 @!p1 $0x1082;
	[sflag:s4] =	ssyncset.s32 $0xFFFFF086  }
0x25: {  	[simem:s6], [sflag:s4] =	dma.local [hbm:s3], $0xF7A  }
0x26: {  	[smem:$0x3F9B] =	sst s1;
	(tag) =	ssettag s2;
	_ =	strace s9  }
0x27: {  	s1 =	sld [smem:$0x3FAB]  }
0x28: {  	s2 =	sld [smem:$0x3FAC]  }
0x29: {  	s4 =	sld [smem:$0x3FAE]  }
0x2a: {  	p0 =	seq.s32 s5, $0x0;
	s5 =	sld [smem:$0x3FAF]  }
0x2b: {  	s6 =	sld [smem:$0x3FB0]  }
0x2c: {  	s7 =	sld [smem:$0x3FB1]  }
0x2d: {  	s3 =	simm.s32 $0x108;
	s8 =	sld [smem:$0x3FB2]  }
0x2e: {  	s3 =	simm.s32 @!p0 $0x1082;
	s9 =	sld [smem:$0x3FB3]  }
0x2f: {  	lr =	sadd.s32 s0, s3;
	s0 =	sld [smem:$0x3FAA]  }
0x30: {  	s3 =	sld [smem:$0x3FAD]  }
0x31: {  	[smem:$0x3FB6] =	sst s10  }
0x32: {  	s10 =	sld [smem:$0x3FB4];
	_ =	sdelay $0x3  }
0x33: {  	p0 =	seq.s32 s10, $0x1;
	s10 =	sld [smem:$0x3FB6];
	_ =	sdelay $0x3  }
0x34: {  	[smem:$0x3FB6] =	sst s10  }
0x35: {  	s10 =	sld [smem:$0x3FB5];
	_ =	sdelay $0x3  }
0x36: {  	p1 =	seq.s32 s10, $0x1;
	s10 =	sld [smem:$0x3FB6];
	_ =	sdelay $0x3  }
0x37: {  	[smem:$0x3FB6] =	sst s10  }
0x38: {  	s10 =	sld [smem:$0x3FB7]  }
0x39: {  	_ = 	snop;
	(pc) =	sbr.ind lr, $3  }
0x3a: {  	_ = 	snop  }
0x3b: {  	_ = 	snop  }
0x3c: {  	p2 =	seq.s32 s10, $0x1;
	s10 =	sld [smem:$0x3FB6]  }
0x3d: {  	_ =	shalt  }
0x3e: {  	_ =	shalt  }
0x3f: {  	_ =	shalt  }
0x40: {  	_ =	shalt  }
0x41: {  	_ =	shalt  }
0x42: {  	_ =	shalt  }
0x43: {  	_ =	shalt  }
0x44: {  	_ =	shalt  }
0x45: {  	_ =	shalt  }
0x46: {  	_ =	shalt  }
0x47: {  	_ =	shalt  }
0x48: {  	_ =	shalt  }
0x49: {  	_ =	shalt  }
0x4a: {  	_ =	shalt  }
0x4b: {  	_ =	shalt  }
0x4c: {  	_ =	shalt  }
0x4d: {  	_ =	shalt  }
0x4e: {  	_ =	shalt  }
0x4f: {  	_ =	shalt  }
0x50: {  	_ =	shalt  }
0x51: {  	_ =	shalt  }
0x52: {  	_ =	shalt  }
0x53: {  	_ =	shalt  }
0x54: {  	_ =	shalt  }
0x55: {  	_ =	shalt  }
0x56: {  	_ =	shalt  }
0x57: {  	_ =	shalt  }
0x58: {  	_ =	shalt  }
0x59: {  	_ =	shalt  }
0x5a: {  	_ =	shalt  }
0x5b: {  	_ =	shalt  }
0x5c: {  	_ =	shalt  }
0x5d: {  	_ =	shalt  }
0x5e: {  	_ =	shalt  }
0x5f: {  	_ =	shalt  }
0x60: {  	_ =	shalt  }
0x61: {  	_ =	shalt  }
0x62: {  	_ =	shalt  }
0x63: {  	_ =	shalt  }
0x64: {  	_ =	shalt  }
0x65: {  	_ =	shalt  }
0x66: {  	_ =	shalt  }
0x67: {  	_ =	shalt  }
0x68: {  	_ =	shalt  }
0x69: {  	_ =	shalt  }
0x6a: {  	_ =	shalt  }
0x6b: {  	_ =	shalt  }
0x6c: {  	_ =	shalt  }
0x6d: {  	_ =	shalt  }
0x6e: {  	_ =	shalt  }
0x6f: {  	_ =	shalt  }
0x70: {  	_ =	shalt  }
0x71: {  	_ =	shalt  }
0x72: {  	_ =	shalt  }
0x73: {  	_ =	shalt  }
0x74: {  	_ =	shalt  }
0x75: {  	_ =	shalt  }
0x76: {  	_ =	shalt  }
0x77: {  	_ =	shalt  }
0x78: {  	_ =	shalt  }
0x79: {  	_ =	shalt  }
0x7a: {  	_ =	shalt  }
0x7b: {  	_ =	shalt  }
0x7c: {  	_ =	shalt  }
0x7d: {  	_ =	shalt  }
0x7e: {  	_ =	shalt  }
0x7f: {  	_ =	shalt  }
0x80: {  	_ =	shalt  }
0x81: {  	_ =	shalt  }
0x82: {  	_ =	shalt  }
0x83: {  	_ =	shalt  }
0x84: {  	_ =	shalt  }
0x85: {  	_ =	shalt  }
0x86: {  	_ =	shalt  }
0x87: {  	_ =	shalt  }
.Lfunc_end0:
.L_simem_size_0:
called_computation_lowered:
.L_overlay_start_0:
0x88: {  	s2 =	sld [smem:$0x3FD9]  }
0x89: {  	s3 =	sld [smem:$0x3FFE];
	_ =	sdelay $0x1  }
0x8a: {  	s1 =	srdreg.scid  }
0x8b: {  	s0 =	sand.u32 $0x1, s1  }
0x8c: {  	s16 =	sshll.u32 s0, $0xA;
	s2 =	sadd.s32 s3, s2  }
0x8d: {  	s2 =	sadd.s32 s2, s16  }
0x8e: {  	[smem:$0x3FC2] =	sst s2  }
0x8f: {  	_ = 	snop  }
0x90: {  	(tm) =	ssettm $0x1  }
0x91: {  	s17 =	sld [smem:$0x3FFB];
	_ =	sdelay $0x3  }
0x92: {  	_ =	strace s17  }
0x93: {  	s2 =	sld [smem:$0x3FFC];
	_ =	sdelay $0x3  }
0x94: {  	_ =	strace s2  }
0x95: {  	s2 =	sld [smem:$0x3FFD];
	_ =	sdelay $0x3  }
0x96: {  	_ =	strace s2  }
0x97: {  	_ =	strace $0x8FFFFFFF  }
0x98: {  	s18 =	sld [smem:$0x3FDB];
	_ =	sdelay $0x1  }
0x99: {  	s19 =	simm.s32 $_scs_section_size  }
0x9a: {  	s4 =	simm.s32 $_size__tile_overlayer_lowered;
	s5 =	simm.s32 $_tile_overlayer_lowered  }
0x9b: {  	s22 =	simm.s32 $0x1BFF;
	s21 =	sshll.u32 s5, $0x1;
	s2 =	sadd.s32 s19, s18  }
0x9c: {  	s6 =	simm.s32 $0x0;
	s20 =	sshll.u32 s4, $0x1;
	s4 =	sadd.s32 s21, s2  }
0x9d: {  	[timem:s6], [sflag:s22] =	dma.local [hbm:s4], s20  }
0x9e: {  	_ =	swait.ge [sflag:s22], s20  }
0x9f: {  	s3 =	ssub.s32 $0x0, s20;
	[sflag:s22] =	ssyncset.done $0x0  }
0xa0: {  	[sflag:s22] =	ssyncadd.s32 s3;
	_ =	sdelay $0x1  }
0xa1: {  	s23 =	simm.s32 $0x1B8B  }
0xa2: {  	_ =	swait.ge [sflag:s23], $0x1  }
0xa3: {  	[sflag:s23] =	ssyncset.done $0x0  }
0xa4: {  	s25 =	simm.s32 $0x1B8E;
	s24 =	sld [smem:$0x3FFE];
	[sflag:s23] =	ssyncadd.s32 $0xFFFFFFFF  }
0xa5: {  	s26 =	simm.s32 $execute0_lowered;
	[smem:$0x3FD2] =	sst s25  }
0xa6: {  	s4 =	sshll.u32 s26, $0x1;
	_ =	strace $0x80000046;
	[dreg:$0x1] =	wrdreg $0xFFFFFFFF  }
0xa7: {  	s28 =	simm.s32 $_size_execute0_lowered;
	s2 =	sadd.s32 s2, s4;
	[dreg:$0x0] =	wrdreg $0x0  }
0xa8: {  	s4 =	sshll.u32 s28, $0x1;
	[dreg:$0x2] =	wrdreg s2  }
0xa9: {  	[dreg:$0x3] =	wrdreg s4  }
0xaa: {  	[dreg:$0x4] =	wrdreg $0xC0  }
0xab: {  	_ =	task [dreg:s6], $0x5FFFF  }
0xac: {  	[dreg:$0x1] =	wrdreg $0xFFFFFFFF  }
0xad: {  	[dreg:$0x0] =	wrdreg $0x60  }
0xae: {  	[dreg:$0x2] =	wrdreg s24  }
0xaf: {  	[dreg:$0x3] =	wrdreg $0xFE800  }
0xb0: {  	[dreg:$0x4] =	wrdreg $0x9  }
0xb1: {  	_ =	task.clear_ibuf [dreg:s6], $0x5FFFF;
	_ =	strace $0x90000046  }
0xb2: {  	s29 =	simm.s32 $0x9;
	_ =	strace $0x80000048  }
0xb3: {  	_ =	swait.ge [sflag:s29], $0x1  }
0xb4: {  	[sflag:s29] =	ssyncadd.s32 $0xFFFFFFFF  }
0xb5: {  	_ =	strace $0x90000048  }
0xb6: {  	_ =	sfence  }
0xb7: {  	s30 =	sld [smem:$0x0];
	_ =	sdelay $0x2  }
0xb8: {  	s31 =	sshll.u32 s1, $0xD;
	s1 =	sshrl.u32 s1, $0x2  }
0xb9: {  	s3 =	sand.u32 $0x4000, s31;
	s1 =	sadd.s32 s1, s30  }
0xba: {  	s0 =	sor.u32 s3, s0;
	s1 =	sshll.u32 s1, $0x11  }
0xbb: {  	s0 =	sor.u32 s1, s0  }
0xbc: {  	s0 =	sadd.s32 $0x8F2B, s0  }
0xbd: {  	[sflag:s0] =	ssyncadd.remote.s32 $0x1  }
0xbe: {  	_ =	sfence.sel $0xFFFF  }
0xbf: {  	[dreg:$0x0] =	wrdreg $0xFFFFFFFF;
	(pc) =	sbr.abs _section_cstart, $3  }
0xc0: {  	[dreg:$0x1] =	wrdreg $0xFFFFFFFF  }
0xc1: {  	_ =	task.clear_ibuf [dreg:s6], $0x2FFFF;
	_ =	strace $0x9FFFFFFF  }
0xc2: {  	(tm) =	ssettm $0x7FFFFFFF  }
0xc3: {  	_ =	shalt  }
tec
execute0_lowered:
.L_overlay_start_1:
0x0: {  	(tag) =	ssettag $0x1  }
0x1: {  	s0 =	rddreg [dreg:$0x0]  }
0x2: {  	s2 =	rddreg [dreg:$0x1];
	s1 =	simm.s32 $0x0;
	s9 =	stileid.u32  }
0x3: {  	[smem:$0x7FF] =	sst s1;
	s24 =	smul.u32 $0x580, s9  }
0x4: {  	s4 =	sadd.s32 $0xA00, s0;
	s7 =	sadd.s32 $0xC000, s0;
	s26 =	smul.u32 $0x5000, s9  }
0x5: {  	_ =	strace $0x80000047;
	[dreg:$0x3] =	wrdreg s4;
	s4 =	sadd.s32 s24, s0  }
0x6: {  	[dreg:$0x4] =	wrdreg s7;
	s8 =	sadd.s32 $0x6800, s4  }
0x7: {  	s7 =	sshrl.u32 s26, $0x2;
	s10 =	sadd.s32 $0x1000, s4;
	[dreg:$0x5] =	wrdreg s8  }
0x8: {  	s7 =	sadd.s32 s7, s2;
	s12 =	sadd.s32 $0xC600, s4;
	[dreg:$0x6] =	wrdreg s10  }
0x9: {  	[dreg:$0x7] =	wrdreg s12;
	s14 =	sadd.s32 $0x80, s7  }
0xa: {  	s15 =	sadd.s32 $0x100, s7;
	[dreg:$0x9] =	wrdreg s14  }
0xb: {  	s16 =	sadd.s32 $0x180, s7;
	[dreg:$0xa] =	wrdreg s15  }
0xc: {  	s17 =	sadd.s32 $0x200, s7;
	[dreg:$0xb] =	wrdreg s16  }
0xd: {  	s3 =	srdreg.scid;
	s18 =	sadd.s32 $0x280, s7;
	[dreg:$0xc] =	wrdreg s17  }
0xe: {  	s3 =	sand.u32 $0x1, s3;
	s19 =	sadd.s32 $0x300, s7;
	[dreg:$0xd] =	wrdreg s18  }
0xf: {  	s6 =	sshrl.u32 s9, $0x3;
	s20 =	sadd.s32 $0x380, s7;
	[dreg:$0xe] =	wrdreg s19  }
0x10: {  	s11 =	sshll.u32 s9, $0x7;
	s21 =	sadd.s32 $0x14000, s7;
	[dreg:$0xf] =	wrdreg s20  }
0x11: {  	s5 =	ssub.s32 $0x2, s3;
	s22 =	sadd.s32 $0x14080, s7;
	[dreg:$0x10] =	wrdreg s21  }
0x12: {  	s25 =	sshrl.u32 s5, $0x1;
	s23 =	sadd.s32 $0x14100, s7;
	[dreg:$0x11] =	wrdreg s22  }
0x13: {  	s5 =	ssub.s32 s5, s25;
	s25 =	sadd.s32 $0x14180, s7;
	[dreg:$0x12] =	wrdreg s23  }
0x14: {  	s6 =	smul.u32 $0x50000, s6;
	s26 =	sadd.s32 $0x14200, s7;
	[dreg:$0x13] =	wrdreg s25  }
0x15: {  	p0 =	seq.s32 s3, $0x0;
	s4 =	smax.u32 s5, $0x1;
	[dreg:$0x14] =	wrdreg s26  }
0x16: {  	s24 =	smul.u32 $0x50, s9;
	s5 =	sadd.s32 $0x14380, s7;
	[dreg:$0x18] =	wrdreg s4  }
0x17: {  	s6 =	sshrl.u32 s6, $0x2;
	s9 =	sadd.s32 $0xC00, s7;
	[dreg:$0x19] =	wrdreg s5  }
0x18: {  	s8 =	sand.u32 $0x380, s11;
	s10 =	sadd.s32 $0x1000, s7;
	[dreg:$0x1c] =	wrdreg s9  }
0x19: {  	s6 =	sadd.s32 s6, s2;
	s11 =	sadd.s32 $0x480, s7;
	[dreg:$0x1d] =	wrdreg s10  }
0x1a: {  	s2 =	simm.s32 $0x11E00;
	s12 =	sadd.s32 $0x880, s7;
	[dreg:$0x1e] =	wrdreg s11  }
0x1b: {  	s13 =	sadd.s32 s8, s6;
	s2 =	simm.s32 @!p0 $0x12400;
	[dreg:$0x1f] =	wrdreg s12  }
0x1c: {  	p0 =	sne.s32 s3, $0x0;
	s3 =	sadd.s32 $0x14300, s7;
	[dreg:$0x8] =	wrdreg s13  }
0x1d: {  	s6 =	sadd.s32 $0x400, s7;
	[dreg:$0x17] =	wrdreg s3  }
0x1e: {  	s8 =	sadd.s32 $0x800, s7;
	[dreg:$0x1a] =	wrdreg s6  }
0x1f: {  	s14 =	sadd.s32 $0x1080, s7;
	[dreg:$0x1b] =	wrdreg s8  }
0x20: {  	s15 =	sadd.s32 $0x500, s7;
	[smem:$0x7D9] =	sst s14  }
0x21: {  	s16 =	sadd.s32 $0x900, s7;
	[smem:$0x7DA] =	sst s15  }
0x22: {  	s17 =	sadd.s32 $0xD00, s7;
	[smem:$0x7DB] =	sst s16  }
0x23: {  	s18 =	sadd.s32 $0x1100, s7;
	[smem:$0x7DC] =	sst s17  }
0x24: {  	s19 =	sadd.s32 $0x580, s7;
	[smem:$0x7DD] =	sst s18  }
0x25: {  	s20 =	sadd.s32 $0x980, s7;
	[smem:$0x7DE] =	sst s19  }
0x26: {  	s21 =	sadd.s32 $0xD80, s7;
	[smem:$0x7DF] =	sst s20  }
0x27: {  	s22 =	sadd.s32 $0x1180, s7;
	[smem:$0x7E0] =	sst s21  }
0x28: {  	s23 =	sadd.s32 $0x600, s7;
	[smem:$0x7E1] =	sst s22  }
0x29: {  	s25 =	sadd.s32 $0xE00, s7;
	[smem:$0x7E2] =	sst s23  }
0x2a: {  	s26 =	sadd.s32 $0x1200, s7;
	[smem:$0x7E4] =	sst s25  }
0x2b: {  	s4 =	sadd.s32 $0xE80, s7;
	[smem:$0x7E5] =	sst s26  }
0x2c: {  	s5 =	sadd.s32 $0x1280, s7;
	[smem:$0x7E8] =	sst s4  }
0x2d: {  	s9 =	sadd.s32 $0xF00, s7;
	[smem:$0x7E9] =	sst s5  }
0x2e: {  	s10 =	sadd.s32 $0x1300, s7;
	[smem:$0x7EC] =	sst s9  }
0x2f: {  	s11 =	sadd.s32 $0x780, s7;
	[smem:$0x7ED] =	sst s10  }
0x30: {  	s12 =	sadd.s32 $0xB80, s7;
	[smem:$0x7EE] =	sst s11  }
0x31: {  	s0 =	sadd.s32 s2, s0;
	s2 =	sadd.s32 $0x14280, s7;
	[smem:$0x7EF] =	sst s12  }
0x32: {  	s13 =	sadd.s32 $0xC80, s7;
	[dreg:$0x16] =	wrdreg s2  }
0x33: {  	s3 =	sadd.s32 $0xA80, s7;
	[smem:$0x7D8] =	sst s13  }
0x34: {  	s6 =	sadd.s32 $0x700, s7;
	[smem:$0x7E7] =	sst s3  }
0x35: {  	s8 =	sadd.s32 $0xB00, s7;
	[smem:$0x7EA] =	sst s6  }
0x36: {  	s14 =	sadd.s32 $0x1380, s7;
	[smem:$0x7EB] =	sst s8  }
0x37: {  	s15 =	sadd.s32 $0x14400, s7;
	[smem:$0x7F1] =	sst s14  }
0x38: {  	s16 =	sadd.s32 $0x14800, s7;
	[smem:$0x7F2] =	sst s15  }
0x39: {  	s17 =	sadd.s32 $0x14C00, s7;
	[smem:$0x7F3] =	sst s16  }
0x3a: {  	s28 =	sadd.s32 $0x14F00, s7;
	s18 =	sadd.s32 $0x15000, s7;
	[smem:$0x7F4] =	sst s17  }
0x3b: {  	s29 =	sadd.s32 $0x15300, s7;
	s19 =	sadd.s32 $0x14480, s7;
	[smem:$0x7F5] =	sst s18  }
0x3c: {  	s30 =	sadd.s32 $0x14780, s7;
	s20 =	sadd.s32 $0x14880, s7;
	[smem:$0x7F6] =	sst s19  }
0x3d: {  	s31 =	sadd.s32 $0x14B80, s7;
	s21 =	sadd.s32 $0x14C80, s7;
	[smem:$0x7F7] =	sst s20  }
0x3e: {  	s22 =	sadd.s32 $0x15080, s7;
	s23 =	sadd.s32 $0x14500, s7;
	[smem:$0x7F8] =	sst s21  }
0x3f: {  	s25 =	sadd.s32 $0x14D00, s7;
	s26 =	sadd.s32 $0x15100, s7;
	[smem:$0x7F9] =	sst s22  }
0x40: {  	s4 =	simm.s32 $0x0;
	s0 =	sadd.s32 s0, s24;
	[smem:$0x7FA] =	sst s23  }
0x41: {  	s24 =	sadd.s32 $0xA00, s7;
	s2 =	sadd.s32 $0x680, s7;
	[smem:$0x7FC] =	sst s25  }
0x42: {  	s13 =	sadd.s32 $0xF80, s7;
	[smem:$0x7FD] =	sst s26;
	s14 =	sadd.s32 $0x14980, s7  }
0x43: {  	s15 =	sadd.s32 $0x14D80, s7;
	s16 =	sadd.s32 $0x15180, s7;
	s17 =	sadd.s32 $0x14600, s7  }
0x44: {  	s18 =	sadd.s32 $0x14A00, s7;
	s19 =	sadd.s32 $0x14E00, s7;
	s20 =	sadd.s32 $0x15200, s7  }
0x45: {  	s21 =	sadd.s32 $0x14680, s7;
	s22 =	sadd.s32 $0x14A80, s7;
	[dreg:$0x15] =	wrdreg s0  }
0x46: {  	s23 =	sadd.s32 $0x14E80, s7;
	s25 =	sadd.s32 $0x14700, s7;
	[smem:$0x7E3] =	sst s24  }
0x47: {  	s26 =	sadd.s32 $0x14B00, s7;
	s3 =	simm.s32 $0x1;
	[smem:$0x7E6] =	sst s2  }
0x48: {  	s6 =	simm.s32 $0xAC00;
	s8 =	simm.s32 $0x5800;
	[smem:$0x7F0] =	sst s13  }
0x49: {  	s24 =	sadd.s32 $0x14900, s7;
	s13 =	sadd.s32 $0x14580, s7;
	s0 =	sadd.s32 $0x14F80, s7  }
0x4a: {  	v0 =	vimm.f32 $1.000000000e+00;
	s2 =	sadd.s32 $0x15380, s7;
	[smem:$0x7FB] =	sst s24;
	s24 =	sadd.s32 $0x15280, s7  }
.LBB2_1:
0x4b: {  	s5 =	rddreg [dreg:$0x5]  }
0x4c: {  	[tilespmem:s1], [sflag:$0x1] =	stream.linear.gather [hbm4b:s5+s1], $0x2C00, $0x38;
	[tilespmem:$0x12680] =	vst v63  }
0x4d: {  	_ =	swait.ge [sflag:s3], $0x2C00  }
0x4e: {  	[sflag:s3] =	ssyncset.done $0x0  }
.Ltmp0:
0x4f: {  	s12 =	rddreg [dreg:$0x4];
	[sflag:s3] =	ssyncadd.s32 $0xFFFFD400;
	(pc) =	sbr.rel @p0 .LBB2_5-.Ltmp0, $4  }
0x50: {  	[tilespmem:s6], [sflag:$0x1] =	stream.linear.gather [hbm4b:s12+s1], $0x2800, $0x38;
	[tilespmem:$0x12680] =	vst v63  }
0x51: {  	_ =	swait.ge [sflag:s3], $0x2800  }
0x52: {  	[sflag:s3] =	ssyncset.done $0x0  }
0x53: {  	[sflag:s3] =	ssyncadd.s32 $0xFFFFD800  }
0x54: {  	s9 =	sshra.s32 s1, $0x2;
	s5 =	sadd.s32 $0x40, s1  }
.LBB2_3:
0x55: {  	p1 =	seq.s32 s5, $0xAFC0;
	v1 =	vld [tilespmem:s9+$0x0];
	_ =	sdelay $0x3  }
.Ltmp1:
0x56: {  	(pc) =	sbr.rel @!p1 .LBB2_3-.Ltmp1, $2  }
0x57: {  	_ =	sdelay $0x2  }
0x58: {  	s9 =	sshra.s32 s5, $0x2;
	s5 =	sadd.s32 $0x40, s5;
	[tilespmem:v1+s6+$0x0] =	vst.idx.add.f32.msk $0xffff, v0  }
0x59: {  	v1 =	vld [tilespmem:s9+$0x0];
	_ =	sdelay $0x3  }
.Ltmp2:
0x5a: {  	_ = 	snop;
	(pc) =	sbr.rel .LBB2_8-.Ltmp2, $2  }
0x5b: {  	_ =	sdelay $0x2  }
0x5c: {  	[tilespmem:v1+s6+$0x0] =	vst.idx.add.f32.msk $0xffff, v0  }
.LBB2_5:
0x5d: {  	s5 =	simm.s32 $0x0;
	s9 =	rddreg [dreg:$0x6];
	s10 =	simm.s32 $0x2C00  }
0x5e: {  	[tilespmem:s10], [sflag:$0x1] =	stream.linear.gather [hbm4b:s9+s5], $0x2C00, $0x38;
	[tilespmem:$0x12680] =	vst v63  }
0x5f: {  	_ =	swait.ge [sflag:s3], $0x2C00  }
0x60: {  	[sflag:s3] =	ssyncset.done $0x0  }
0x61: {  	s12 =	rddreg [dreg:$0x3];
	[sflag:s3] =	ssyncadd.s32 $0xFFFFD400  }
0x62: {  	[tilespmem:s8], [sflag:$0x1] =	stream.linear.gather [hbm4b:s12+s5], $0x2800, $0x38;
	[tilespmem:$0x12680] =	vst v63  }
0x63: {  	_ =	swait.ge [sflag:s3], $0x2800  }
0x64: {  	[sflag:s3] =	ssyncset.done $0x0  }
0x65: {  	s5 =	simm.s32 $0x0;
	[sflag:s3] =	ssyncadd.s32 $0xFFFFD800  }
0x66: {  	v1 =	vld [tilespmem:s5+$0x0];
	_ =	sdelay $0x7  }
0x67: {  	v1 =	vld.idx.msk [tilespmem:v1+s8+$0x0], $0xffff;
	_ =	sdelay $0x7  }
0x68: {  	[tilespmem:v1+s6+$0x0] =	vst.idx.add.f32.msk $0xffff, v0  }
0x69: {  	v2 =	vld [tilespmem:s5+$0x2C00];
	_ =	sdelay $0x5  }
0x6a: {  	s10 =	simm.s32 $0x10  }
0x6b: {  	v1 =	vld [tilespmem:s10+$0x0]  }
0x6c: {  	s9 =	simm.s32 $0x80;
	v2 =	vld.idx.msk [tilespmem:v2+s8+$0x0], $0xffff  }
.LBB2_6:
0x6d: {  	_ =	sdelay $0x4  }
0x6e: {  	p1 =	sne.s32 s9, $0xAFC0;
	s11 =	smov.u32 s9;
	s9 =	sadd.s32 $0x40, s9;
	[tilespmem:s5+$0x8000] =	vst v2  }
0x6f: {  	s5 =	smov.u32 s10;
	v1 =	vld.idx.msk [tilespmem:v1+s8+$0x0], $0xffff;
	_ =	sdelay $0x7  }
0x70: {  	[tilespmem:v1+s6+$0x0] =	vst.idx.add.f32.msk $0xffff, v0  }
0x71: {  	v2 =	vld [tilespmem:s5+$0x2C00];
	_ =	sdelay $0x3  }
.Ltmp3:
0x72: {  	(pc) =	sbr.rel @p1 .LBB2_6-.Ltmp3, $4  }
0x73: {  	_ = 	snop  }
0x74: {  	s10 =	sshra.s32 s11, $0x2  }
0x75: {  	v1 =	vld [tilespmem:s10+$0x0]  }
0x76: {  	v2 =	vld.idx.msk [tilespmem:v2+s8+$0x0], $0xffff  }
0x77: {  	_ =	sdelay $0x5  }
0x78: {  	[tilespmem:s5+$0x8000] =	vst v2  }
0x79: {  	v1 =	vld.idx.msk [tilespmem:v1+s8+$0x0], $0xffff;
	_ =	sdelay $0x7  }
0x7a: {  	[tilespmem:v1+s6+$0x0] =	vst.idx.add.f32.msk $0xffff, v0  }
0x7b: {  	v1 =	vld [tilespmem:s10+$0x2C00];
	_ =	sdelay $0x7  }
0x7c: {  	v1 =	vld.idx.msk [tilespmem:v1+s8+$0x0], $0xffff;
	_ =	sdelay $0x4  }
0x7d: {  	s12 =	rddreg [dreg:$0x7];
	s9 =	simm.s32 $0x8000;
	[tilespmem:s10+$0x8000] =	vst v1  }
0x7e: {  	[hbm4b:s12+s1] =	stream.linear.scatter [tilespmem:s9], [sflag:$0x1], $0x2C00, $0x38;
	[tilespmem:$0x12680] =	vst v63  }
0x7f: {  	_ =	swait.ge [sflag:s3], $0x2C00  }
0x80: {  	[sflag:s3] =	ssyncset.done $0x0  }
0x81: {  	[sflag:s3] =	ssyncadd.s32 $0xFFFFD400  }
.LBB2_8:
0x82: {  	s5 =	rddreg [dreg:$0x8];
	s9 =	simm.s32 $0x80;
	s10 =	simm.s32 $0x400  }
0x83: {  	[spmem:s5] =	stream.strided.scatter [tilespmem:s6], [sflag:$0x1], $0x2800, s10, s9, $0x38;
	[tilespmem:$0x12680] =	vst v63  }
0x84: {  	_ =	swait.ge [sflag:s3], $0x2800  }
0x85: {  	[sflag:s3] =	ssyncset.done $0x0  }
0x86: {  	[sflag:s3] =	ssyncadd.s32 $0xFFFFD800  }
0x87: {  	s10 =	simm.s32 $0xD400;
	[bflag:$0x0] =	sbarrier.arrive $0xFFFF  }
0x88: {  	[tilespmem:s10], [sflag:$0x1] =	stream.linear.gather [spmem:s7], $0x80, $0x38;
	[tilespmem:$0x12680] =	vst v63  }
0x89: {  	s12 =	simm.s32 $0xD800;
	s11 =	rddreg [dreg:$0x1a]  }
0x8a: {  	[tilespmem:s12], [sflag:$0x1] =	stream.linear.gather [spmem:s11], $0x80, $0x38;
	[tilespmem:$0x12680] =	vst v63  }
0x8b: {  	s9 =	rddreg [dreg:$0x1b];
	s10 =	simm.s32 $0xDC00  }
0x8c: {  	[tilespmem:s10], [sflag:$0x1] =	stream.linear.gather [spmem:s9], $0x80, $0x38;
	[tilespmem:$0x12680] =	vst v63  }
0x8d: {  	s11 =	rddreg [dreg:$0x1c];
	s12 =	simm.s32 $0xE000  }
0x8e: {  	[tilespmem:s12], [sflag:$0x1] =	stream.linear.gather [spmem:s11], $0x80, $0x38;
	[tilespmem:$0x12680] =	vst v63  }
0x8f: {  	s9 =	rddreg [dreg:$0x1d];
	s10 =	simm.s32 $0xE400  }
0x90: {  	[tilespmem:s10], [sflag:$0x1] =	stream.linear.gather [spmem:s9], $0x80, $0x38;
	[tilespmem:$0x12680] =	vst v63  }
0x91: {  	_ =	swait.ge [sflag:s3], $0x280  }
0x92: {  	[sflag:s3] =	ssyncset.done $0x0;
	s11 =	rddreg [dreg:$0x9]  }
0x93: {  	s12 =	simm.s32 $0xD480;
	s9 =	rddreg [dreg:$0x1e];
	[sflag:s3] =	ssyncadd.s32 $0xFFFFFD80  }
0x94: {  	[tilespmem:s12], [sflag:$0x1] =	stream.linear.gather [spmem:s11], $0x80, $0x38;
	[tilespmem:$0x12680] =	vst v63  }
0x95: {  	s10 =	simm.s32 $0xD880;
	s11 =	rddreg [dreg:$0x1f]  }
0x96: {  	[tilespmem:s10], [sflag:$0x1] =	stream.linear.gather [spmem:s9], $0x80, $0x38;
	[tilespmem:$0x12680] =	vst v63  }
0x97: {  	s12 =	simm.s32 $0xDC80;
	s9 =	sld [smem:$0x7D8]  }
0x98: {  	[tilespmem:s12], [sflag:$0x1] =	stream.linear.gather [spmem:s11], $0x80, $0x38;
	[tilespmem:$0x12680] =	vst v63  }
0x99: {  	s10 =	simm.s32 $0xE080;
	s11 =	sld [smem:$0x7D9]  }
0x9a: {  	[tilespmem:s10], [sflag:$0x1] =	stream.linear.gather [spmem:s9], $0x80, $0x38;
	[tilespmem:$0x12680] =	vst v63  }
0x9b: {  	s12 =	simm.s32 $0xE480  }
0x9c: {  	[tilespmem:s12], [sflag:$0x1] =	stream.linear.gather [spmem:s11], $0x80, $0x38;
	[tilespmem:$0x12680] =	vst v63  }
0x9d: {  	_ =	swait.ge [sflag:s3], $0x280  }
0x9e: {  	[sflag:s3] =	ssyncset.done $0x0;
	s9 =	rddreg [dreg:$0xa]  }
0x9f: {  	s10 =	simm.s32 $0xD500;
	s11 =	sld [smem:$0x7DA];
	[sflag:s3] =	ssyncadd.s32 $0xFFFFFD80  }
0xa0: {  	[tilespmem:s10], [sflag:$0x1] =	stream.linear.gather [spmem:s9], $0x80, $0x38;
	[tilespmem:$0x12680] =	vst v63  }
0xa1: {  	s12 =	simm.s32 $0xD900;
	s9 =	sld [smem:$0x7DB]  }
0xa2: {  	[tilespmem:s12], [sflag:$0x1] =	stream.linear.gather [spmem:s11], $0x80, $0x38;
	[tilespmem:$0x12680] =	vst v63  }
0xa3: {  	s10 =	simm.s32 $0xDD00;
	s11 =	sld [smem:$0x7DC]  }
0xa4: {  	[tilespmem:s10], [sflag:$0x1] =	stream.linear.gather [spmem:s9], $0x80, $0x38;
	[tilespmem:$0x12680] =	vst v63  }
0xa5: {  	s12 =	simm.s32 $0xE100;
	s9 =	sld [smem:$0x7DD]  }
0xa6: {  	[tilespmem:s12], [sflag:$0x1] =	stream.linear.gather [spmem:s11], $0x80, $0x38;
	[tilespmem:$0x12680] =	vst v63  }
0xa7: {  	s10 =	simm.s32 $0xE500  }
0xa8: {  	[tilespmem:s10], [sflag:$0x1] =	stream.linear.gather [spmem:s9], $0x80, $0x38;
	[tilespmem:$0x12680] =	vst v63  }
0xa9: {  	_ =	swait.ge [sflag:s3], $0x280  }
0xaa: {  	[sflag:s3] =	ssyncset.done $0x0;
	s11 =	rddreg [dreg:$0xb]  }
0xab: {  	s12 =	simm.s32 $0xD580;
	s9 =	sld [smem:$0x7DE];
	[sflag:s3] =	ssyncadd.s32 $0xFFFFFD80  }
0xac: {  	[tilespmem:s12], [sflag:$0x1] =	stream.linear.gather [spmem:s11], $0x80, $0x38;
	[tilespmem:$0x12680] =	vst v63  }
0xad: {  	s10 =	simm.s32 $0xD980;
	s11 =	sld [smem:$0x7DF]  }
0xae: {  	[tilespmem:s10], [sflag:$0x1] =	stream.linear.gather [spmem:s9], $0x80, $0x38;
	[tilespmem:$0x12680] =	vst v63  }
0xaf: {  	s12 =	simm.s32 $0xDD80;
	s9 =	sld [smem:$0x7E0]  }
0xb0: {  	[tilespmem:s12], [sflag:$0x1] =	stream.linear.gather [spmem:s11], $0x80, $0x38;
	[tilespmem:$0x12680] =	vst v63  }
0xb1: {  	s10 =	simm.s32 $0xE180;
	s11 =	sld [smem:$0x7E1]  }
0xb2: {  	[tilespmem:s10], [sflag:$0x1] =	stream.linear.gather [spmem:s9], $0x80, $0x38;
	[tilespmem:$0x12680] =	vst v63  }
0xb3: {  	s12 =	simm.s32 $0xE580  }
0xb4: {  	[tilespmem:s12], [sflag:$0x1] =	stream.linear.gather [spmem:s11], $0x80, $0x38;
	[tilespmem:$0x12680] =	vst v63  }
0xb5: {  	_ =	swait.ge [sflag:s3], $0x280  }
0xb6: {  	[sflag:s3] =	ssyncset.done $0x0;
	s9 =	rddreg [dreg:$0xc]  }
0xb7: {  	s10 =	simm.s32 $0xD600;
	s11 =	sld [smem:$0x7E2];
	[sflag:s3] =	ssyncadd.s32 $0xFFFFFD80  }
0xb8: {  	[tilespmem:s10], [sflag:$0x1] =	stream.linear.gather [spmem:s9], $0x80, $0x38;
	[tilespmem:$0x12680] =	vst v63  }
0xb9: {  	s12 =	simm.s32 $0xDA00;
	s9 =	sld [smem:$0x7E3]  }
0xba: {  	[tilespmem:s12], [sflag:$0x1] =	stream.linear.gather [spmem:s11], $0x80, $0x38;
	[tilespmem:$0x12680] =	vst v63  }
0xbb: {  	s10 =	simm.s32 $0xDE00;
	s11 =	sld [smem:$0x7E4]  }
0xbc: {  	[tilespmem:s10], [sflag:$0x1] =	stream.linear.gather [spmem:s9], $0x80, $0x38;
	[tilespmem:$0x12680] =	vst v63  }
0xbd: {  	s12 =	simm.s32 $0xE200;
	s9 =	sld [smem:$0x7E5]  }
0xbe: {  	[tilespmem:s12], [sflag:$0x1] =	stream.linear.gather [spmem:s11], $0x80, $0x38;
	[tilespmem:$0x12680] =	vst v63  }
0xbf: {  	s10 =	simm.s32 $0xE600  }
0xc0: {  	[tilespmem:s10], [sflag:$0x1] =	stream.linear.gather [spmem:s9], $0x80, $0x38;
	[tilespmem:$0x12680] =	vst v63  }
0xc1: {  	_ =	swait.ge [sflag:s3], $0x280  }
0xc2: {  	[sflag:s3] =	ssyncset.done $0x0;
	s11 =	rddreg [dreg:$0xd]  }
0xc3: {  	s12 =	simm.s32 $0xD680;
	s9 =	sld [smem:$0x7E6];
	[sflag:s3] =	ssyncadd.s32 $0xFFFFFD80  }
0xc4: {  	[tilespmem:s12], [sflag:$0x1] =	stream.linear.gather [spmem:s11], $0x80, $0x38;
	[tilespmem:$0x12680] =	vst v63  }
0xc5: {  	s10 =	simm.s32 $0xDA80;
	s11 =	sld [smem:$0x7E7]  }
0xc6: {  	[tilespmem:s10], [sflag:$0x1] =	stream.linear.gather [spmem:s9], $0x80, $0x38;
	[tilespmem:$0x12680] =	vst v63  }
0xc7: {  	s12 =	simm.s32 $0xDE80;
	s9 =	sld [smem:$0x7E8]  }
0xc8: {  	[tilespmem:s12], [sflag:$0x1] =	stream.linear.gather [spmem:s11], $0x80, $0x38;
	[tilespmem:$0x12680] =	vst v63  }
0xc9: {  	s10 =	simm.s32 $0xE280;
	s11 =	sld [smem:$0x7E9]  }
0xca: {  	[tilespmem:s10], [sflag:$0x1] =	stream.linear.gather [spmem:s9], $0x80, $0x38;
	[tilespmem:$0x12680] =	vst v63  }
0xcb: {  	s12 =	simm.s32 $0xE680  }
0xcc: {  	[tilespmem:s12], [sflag:$0x1] =	stream.linear.gather [spmem:s11], $0x80, $0x38;
	[tilespmem:$0x12680] =	vst v63  }
0xcd: {  	_ =	swait.ge [sflag:s3], $0x280  }
0xce: {  	[sflag:s3] =	ssyncset.done $0x0;
	s9 =	rddreg [dreg:$0xe]  }
0xcf: {  	s10 =	simm.s32 $0xD700;
	s11 =	sld [smem:$0x7EA];
	[sflag:s3] =	ssyncadd.s32 $0xFFFFFD80  }
0xd0: {  	[tilespmem:s10], [sflag:$0x1] =	stream.linear.gather [spmem:s9], $0x80, $0x38;
	[tilespmem:$0x12680] =	vst v63  }
0xd1: {  	s12 =	simm.s32 $0xDB00;
	s9 =	sld [smem:$0x7EB]  }
0xd2: {  	[tilespmem:s12], [sflag:$0x1] =	stream.linear.gather [spmem:s11], $0x80, $0x38;
	[tilespmem:$0x12680] =	vst v63  }
0xd3: {  	s10 =	simm.s32 $0xDF00;
	s11 =	sld [smem:$0x7EC]  }
0xd4: {  	[tilespmem:s10], [sflag:$0x1] =	stream.linear.gather [spmem:s9], $0x80, $0x38;
	[tilespmem:$0x12680] =	vst v63  }
0xd5: {  	s12 =	simm.s32 $0xE300;
	s9 =	sld [smem:$0x7ED]  }
0xd6: {  	[tilespmem:s12], [sflag:$0x1] =	stream.linear.gather [spmem:s11], $0x80, $0x38;
	[tilespmem:$0x12680] =	vst v63  }
0xd7: {  	s10 =	simm.s32 $0xE700  }
0xd8: {  	[tilespmem:s10], [sflag:$0x1] =	stream.linear.gather [spmem:s9], $0x80, $0x38;
	[tilespmem:$0x12680] =	vst v63  }
0xd9: {  	_ =	swait.ge [sflag:s3], $0x280  }
0xda: {  	[sflag:s3] =	ssyncset.done $0x0;
	s11 =	rddreg [dreg:$0xf]  }
0xdb: {  	s12 =	simm.s32 $0xD780;
	s9 =	sld [smem:$0x7EE];
	[sflag:s3] =	ssyncadd.s32 $0xFFFFFD80  }
0xdc: {  	[tilespmem:s12], [sflag:$0x1] =	stream.linear.gather [spmem:s11], $0x80, $0x38;
	[tilespmem:$0x12680] =	vst v63  }
0xdd: {  	s10 =	simm.s32 $0xDB80;
	s11 =	sld [smem:$0x7EF]  }
0xde: {  	[tilespmem:s10], [sflag:$0x1] =	stream.linear.gather [spmem:s9], $0x80, $0x38;
	[tilespmem:$0x12680] =	vst v63  }
0xdf: {  	s12 =	simm.s32 $0xDF80;
	s9 =	sld [smem:$0x7F0]  }
0xe0: {  	[tilespmem:s12], [sflag:$0x1] =	stream.linear.gather [spmem:s11], $0x80, $0x38;
	[tilespmem:$0x12680] =	vst v63  }
0xe1: {  	s10 =	simm.s32 $0xE380;
	s11 =	sld [smem:$0x7F1]  }
0xe2: {  	[tilespmem:s10], [sflag:$0x1] =	stream.linear.gather [spmem:s9], $0x80, $0x38;
	[tilespmem:$0x12680] =	vst v63  }
0xe3: {  	s12 =	simm.s32 $0xE780  }
0xe4: {  	[tilespmem:s12], [sflag:$0x1] =	stream.linear.gather [spmem:s11], $0x80, $0x38;
	[tilespmem:$0x12680] =	vst v63  }
0xe5: {  	_ =	swait.ge [sflag:s3], $0x280  }
0xe6: {  	[sflag:s3] =	ssyncset.done $0x0;
	s9 =	rddreg [dreg:$0x10]  }
0xe7: {  	s10 =	simm.s32 $0xE800;
	s11 =	sld [smem:$0x7F2];
	[sflag:s3] =	ssyncadd.s32 $0xFFFFFD80  }
0xe8: {  	[tilespmem:s10], [sflag:$0x1] =	stream.linear.gather [spmem:s9], $0x80, $0x38;
	[tilespmem:$0x12680] =	vst v63  }
0xe9: {  	s12 =	simm.s32 $0xEC00;
	s9 =	sld [smem:$0x7F3]  }
0xea: {  	[tilespmem:s12], [sflag:$0x1] =	stream.linear.gather [spmem:s11], $0x80, $0x38;
	[tilespmem:$0x12680] =	vst v63  }
0xeb: {  	s10 =	simm.s32 $0xF000;
	s11 =	sld [smem:$0x7F4]  }
0xec: {  	[tilespmem:s10], [sflag:$0x1] =	stream.linear.gather [spmem:s9], $0x80, $0x38;
	[tilespmem:$0x12680] =	vst v63  }
0xed: {  	s12 =	simm.s32 $0xF400;
	s9 =	sld [smem:$0x7F5]  }
0xee: {  	[tilespmem:s12], [sflag:$0x1] =	stream.linear.gather [spmem:s11], $0x80, $0x38;
	[tilespmem:$0x12680] =	vst v63  }
0xef: {  	s10 =	simm.s32 $0xF800  }
0xf0: {  	[tilespmem:s10], [sflag:$0x1] =	stream.linear.gather [spmem:s9], $0x80, $0x38;
	[tilespmem:$0x12680] =	vst v63  }
0xf1: {  	_ =	swait.ge [sflag:s3], $0x280  }
0xf2: {  	[sflag:s3] =	ssyncset.done $0x0;
	s11 =	rddreg [dreg:$0x11]  }
0xf3: {  	s12 =	simm.s32 $0xE880;
	s9 =	sld [smem:$0x7F6];
	[sflag:s3] =	ssyncadd.s32 $0xFFFFFD80  }
0xf4: {  	[tilespmem:s12], [sflag:$0x1] =	stream.linear.gather [spmem:s11], $0x80, $0x38;
	[tilespmem:$0x12680] =	vst v63  }
0xf5: {  	s10 =	simm.s32 $0xEC80;
	s11 =	sld [smem:$0x7F7]  }
0xf6: {  	[tilespmem:s10], [sflag:$0x1] =	stream.linear.gather [spmem:s9], $0x80, $0x38;
	[tilespmem:$0x12680] =	vst v63  }
0xf7: {  	s12 =	simm.s32 $0xF080;
	s9 =	sld [smem:$0x7F8]  }
0xf8: {  	[tilespmem:s12], [sflag:$0x1] =	stream.linear.gather [spmem:s11], $0x80, $0x38;
	[tilespmem:$0x12680] =	vst v63  }
0xf9: {  	s10 =	simm.s32 $0xF480;
	s11 =	sld [smem:$0x7F9]  }
0xfa: {  	[tilespmem:s10], [sflag:$0x1] =	stream.linear.gather [spmem:s9], $0x80, $0x38;
	[tilespmem:$0x12680] =	vst v63  }
0xfb: {  	s12 =	simm.s32 $0xF880  }
0xfc: {  	[tilespmem:s12], [sflag:$0x1] =	stream.linear.gather [spmem:s11], $0x80, $0x38;
	[tilespmem:$0x12680] =	vst v63  }
0xfd: {  	_ =	swait.ge [sflag:s3], $0x280  }
0xfe: {  	[sflag:s3] =	ssyncset.done $0x0;
	s9 =	rddreg [dreg:$0x12]  }
0xff: {  	s10 =	simm.s32 $0xE900;
	s11 =	sld [smem:$0x7FA];
	[sflag:s3] =	ssyncadd.s32 $0xFFFFFD80  }
0x100: {  	[tilespmem:s10], [sflag:$0x1] =	stream.linear.gather [spmem:s9], $0x80, $0x38;
	[tilespmem:$0x12680] =	vst v63  }
0x101: {  	s12 =	simm.s32 $0xED00;
	s9 =	sld [smem:$0x7FB]  }
0x102: {  	[tilespmem:s12], [sflag:$0x1] =	stream.linear.gather [spmem:s11], $0x80, $0x38;
	[tilespmem:$0x12680] =	vst v63  }
0x103: {  	s10 =	simm.s32 $0xF100;
	s11 =	sld [smem:$0x7FC]  }
0x104: {  	[tilespmem:s10], [sflag:$0x1] =	stream.linear.gather [spmem:s9], $0x80, $0x38;
	[tilespmem:$0x12680] =	vst v63  }
0x105: {  	s12 =	simm.s32 $0xF500;
	s9 =	sld [smem:$0x7FD]  }
0x106: {  	[tilespmem:s12], [sflag:$0x1] =	stream.linear.gather [spmem:s11], $0x80, $0x38;
	[tilespmem:$0x12680] =	vst v63  }
0x107: {  	s10 =	simm.s32 $0xF900  }
0x108: {  	[tilespmem:s10], [sflag:$0x1] =	stream.linear.gather [spmem:s9], $0x80, $0x38;
	[tilespmem:$0x12680] =	vst v63  }
0x109: {  	_ =	swait.ge [sflag:s3], $0x280  }
0x10a: {  	[sflag:s3] =	ssyncset.done $0x0  }
0x10b: {  	s12 =	simm.s32 $0xE980;
	s11 =	rddreg [dreg:$0x13];
	[sflag:s3] =	ssyncadd.s32 $0xFFFFFD80  }
0x10c: {  	[tilespmem:s12], [sflag:$0x1] =	stream.linear.gather [spmem:s11], $0x80, $0x38;
	[tilespmem:$0x12680] =	vst v63  }
0x10d: {  	s9 =	simm.s32 $0xED80  }
0x10e: {  	[tilespmem:s9], [sflag:$0x1] =	stream.linear.gather [spmem:s13], $0x80, $0x38;
	[tilespmem:$0x12680] =	vst v63  }
0x10f: {  	s10 =	simm.s32 $0xF180  }
0x110: {  	[tilespmem:s10], [sflag:$0x1] =	stream.linear.gather [spmem:s14], $0x80, $0x38;
	[tilespmem:$0x12680] =	vst v63  }
0x111: {  	s11 =	simm.s32 $0xF580  }
0x112: {  	[tilespmem:s11], [sflag:$0x1] =	stream.linear.gather [spmem:s15], $0x80, $0x38;
	[tilespmem:$0x12680] =	vst v63  }
0x113: {  	s12 =	simm.s32 $0xF980  }
0x114: {  	[tilespmem:s12], [sflag:$0x1] =	stream.linear.gather [spmem:s16], $0x80, $0x38;
	[tilespmem:$0x12680] =	vst v63  }
0x115: {  	_ =	swait.ge [sflag:s3], $0x280  }
0x116: {  	[sflag:s3] =	ssyncset.done $0x0  }
0x117: {  	s10 =	simm.s32 $0xEA00;
	s9 =	rddreg [dreg:$0x14];
	[sflag:s3] =	ssyncadd.s32 $0xFFFFFD80  }
0x118: {  	[tilespmem:s10], [sflag:$0x1] =	stream.linear.gather [spmem:s9], $0x80, $0x38;
	[tilespmem:$0x12680] =	vst v63  }
0x119: {  	s11 =	simm.s32 $0xEE00  }
0x11a: {  	[tilespmem:s11], [sflag:$0x1] =	stream.linear.gather [spmem:s17], $0x80, $0x38;
	[tilespmem:$0x12680] =	vst v63  }
0x11b: {  	s12 =	simm.s32 $0xF200  }
0x11c: {  	[tilespmem:s12], [sflag:$0x1] =	stream.linear.gather [spmem:s18], $0x80, $0x38;
	[tilespmem:$0x12680] =	vst v63  }
0x11d: {  	s9 =	simm.s32 $0xF600  }
0x11e: {  	[tilespmem:s9], [sflag:$0x1] =	stream.linear.gather [spmem:s19], $0x80, $0x38;
	[tilespmem:$0x12680] =	vst v63  }
0x11f: {  	s10 =	simm.s32 $0xFA00  }
0x120: {  	[tilespmem:s10], [sflag:$0x1] =	stream.linear.gather [spmem:s20], $0x80, $0x38;
	[tilespmem:$0x12680] =	vst v63  }
0x121: {  	_ =	swait.ge [sflag:s3], $0x280  }
0x122: {  	[sflag:s3] =	ssyncset.done $0x0  }
0x123: {  	s12 =	simm.s32 $0xEA80;
	s11 =	rddreg [dreg:$0x16];
	[sflag:s3] =	ssyncadd.s32 $0xFFFFFD80  }
0x124: {  	[tilespmem:s12], [sflag:$0x1] =	stream.linear.gather [spmem:s11], $0x80, $0x38;
	[tilespmem:$0x12680] =	vst v63  }
0x125: {  	s9 =	simm.s32 $0xEE80  }
0x126: {  	[tilespmem:s9], [sflag:$0x1] =	stream.linear.gather [spmem:s21], $0x80, $0x38;
	[tilespmem:$0x12680] =	vst v63  }
0x127: {  	s10 =	simm.s32 $0xF280  }
0x128: {  	[tilespmem:s10], [sflag:$0x1] =	stream.linear.gather [spmem:s22], $0x80, $0x38;
	[tilespmem:$0x12680] =	vst v63  }
0x129: {  	s11 =	simm.s32 $0xF680  }
0x12a: {  	[tilespmem:s11], [sflag:$0x1] =	stream.linear.gather [spmem:s23], $0x80, $0x38;
	[tilespmem:$0x12680] =	vst v63  }
0x12b: {  	s12 =	simm.s32 $0xFA80  }
0x12c: {  	[tilespmem:s12], [sflag:$0x1] =	stream.linear.gather [spmem:s24], $0x80, $0x38;
	[tilespmem:$0x12680] =	vst v63  }
0x12d: {  	_ =	swait.ge [sflag:s3], $0x280  }
0x12e: {  	[sflag:s3] =	ssyncset.done $0x0  }
0x12f: {  	s10 =	simm.s32 $0xEB00;
	s9 =	rddreg [dreg:$0x17];
	[sflag:s3] =	ssyncadd.s32 $0xFFFFFD80  }
0x130: {  	[tilespmem:s10], [sflag:$0x1] =	stream.linear.gather [spmem:s9], $0x80, $0x38;
	[tilespmem:$0x12680] =	vst v63  }
0x131: {  	s11 =	simm.s32 $0xEF00  }
0x132: {  	[tilespmem:s11], [sflag:$0x1] =	stream.linear.gather [spmem:s25], $0x80, $0x38;
	[tilespmem:$0x12680] =	vst v63  }
0x133: {  	s12 =	simm.s32 $0xF300  }
0x134: {  	[tilespmem:s12], [sflag:$0x1] =	stream.linear.gather [spmem:s26], $0x80, $0x38;
	[tilespmem:$0x12680] =	vst v63  }
0x135: {  	s9 =	simm.s32 $0xF700  }
0x136: {  	[tilespmem:s9], [sflag:$0x1] =	stream.linear.gather [spmem:s28], $0x80, $0x38;
	[tilespmem:$0x12680] =	vst v63  }
0x137: {  	s10 =	simm.s32 $0xFB00  }
0x138: {  	[tilespmem:s10], [sflag:$0x1] =	stream.linear.gather [spmem:s29], $0x80, $0x38;
	[tilespmem:$0x12680] =	vst v63  }
0x139: {  	_ =	swait.ge [sflag:s3], $0x280  }
0x13a: {  	[sflag:s3] =	ssyncset.done $0x0  }
0x13b: {  	s12 =	simm.s32 $0xEB80;
	s11 =	rddreg [dreg:$0x19];
	[sflag:s3] =	ssyncadd.s32 $0xFFFFFD80  }
0x13c: {  	[tilespmem:s12], [sflag:$0x1] =	stream.linear.gather [spmem:s11], $0x80, $0x38;
	[tilespmem:$0x12680] =	vst v63  }
0x13d: {  	s10 =	simm.s32 $0xEF80  }
0x13e: {  	[tilespmem:s10], [sflag:$0x1] =	stream.linear.gather [spmem:s30], $0x80, $0x38;
	[tilespmem:$0x12680] =	vst v63  }
0x13f: {  	s11 =	simm.s32 $0xF380  }
0x140: {  	[tilespmem:s11], [sflag:$0x1] =	stream.linear.gather [spmem:s31], $0x80, $0x38;
	[tilespmem:$0x12680] =	vst v63  }
0x141: {  	s12 =	simm.s32 $0xF780  }
0x142: {  	[tilespmem:s12], [sflag:$0x1] =	stream.linear.gather [spmem:s0], $0x80, $0x38;
	[tilespmem:$0x12680] =	vst v63  }
0x143: {  	s9 =	simm.s32 $0xFB80  }
0x144: {  	[tilespmem:s9], [sflag:$0x1] =	stream.linear.gather [spmem:s2], $0x80, $0x38;
	[tilespmem:$0x12680] =	vst v63  }
0x145: {  	s10 =	simm.s32 $0x0;
	_ =	swait.ge [sflag:s3], $0x280  }
0x146: {  	s5 =	sand.u32 $0x1C00, s10;
	s11 =	sand.u32 $0x70, s10;
	[sflag:s3] =	ssyncset.done $0x0  }
0x147: {  	s5 =	sor.u32 s11, s5;
	[sflag:s3] =	ssyncadd.s32 $0xFFFFFD80  }
0x148: {  	v1 =	vld [tilespmem:s5+$0xD480]  }
0x149: {  	v2 =	vld [tilespmem:s5+$0xD400];
	_ =	sdelay $0x1  }
0x14a: {  	v3 =	vld [tilespmem:s5+$0xD500];
	_ =	sdelay $0x1  }
0x14b: {  	v4 =	vld [tilespmem:s5+$0xD580]  }
0x14c: {  	v1 =	vadd.f32 v1, v2  }
0x14d: {  	v2 =	vld [tilespmem:s5+$0xD600]  }
0x14e: {  	v1 =	vadd.f32 v3, v1  }
0x14f: {  	v3 =	vld [tilespmem:s5+$0xD680]  }
0x150: {  	v1 =	vadd.f32 v4, v1  }
0x151: {  	v60 =	vld [tilespmem:s5+$0xD700]  }
0x152: {  	v1 =	vadd.f32 v2, v1  }
0x153: {  	v2 =	vld [tilespmem:s5+$0xD780]  }
0x154: {  	v1 =	vadd.f32 v3, v1  }
0x155: {  	v3 =	vld [tilespmem:s5+$0xE800]  }
0x156: {  	v1 =	vadd.f32 v60, v1  }
0x157: {  	v61 =	vld [tilespmem:s5+$0xE880]  }
0x158: {  	v1 =	vadd.f32 v2, v1  }
0x159: {  	v2 =	vld [tilespmem:s5+$0xE900]  }
0x15a: {  	v1 =	vadd.f32 v3, v1  }
0x15b: {  	v3 =	vld [tilespmem:s5+$0xE980]  }
0x15c: {  	v1 =	vadd.f32 v61, v1  }
0x15d: {  	v62 =	vld [tilespmem:s5+$0xEA00]  }
0x15e: {  	v1 =	vadd.f32 v2, v1  }
0x15f: {  	v2 =	vld [tilespmem:s5+$0xEA80]  }
0x160: {  	v1 =	vadd.f32 v3, v1  }
0x161: {  	v3 =	vld [tilespmem:s5+$0xEB00]  }
0x162: {  	v1 =	vadd.f32 v62, v1  }
0x163: {  	v63 =	vld [tilespmem:s5+$0xEB80]  }
0x164: {  	v1 =	vadd.f32 v2, v1;
	_ =	sdelay $0x1  }
0x165: {  	v1 =	vadd.f32 v3, v1;
	_ =	sdelay $0x1  }
0x166: {  	s10 =	simm.s32 $0x80;
	s12 =	simm.s32 $0x10;
	v1 =	vadd.f32 v63, v1  }
0x167: {  	s11 =	sand.u32 $0x1C00, s10;
	s9 =	sand.u32 $0x70, s12;
	s5 =	simm.s32 $0xFC00  }
0x168: {  	s9 =	sor.u32 s9, s11;
	s11 =	simm.s32 $0x20;
	[tilespmem:s5+$0x0] =	vst v1  }
.LBB2_9:
0x169: {  	p1 =	sne.s32 s11, $0x270;
	v1 =	vld [tilespmem:s9+$0xD480]  }
0x16a: {  	v2 =	vld [tilespmem:s9+$0xD400];
	_ =	sdelay $0x1  }
0x16b: {  	v3 =	vld [tilespmem:s9+$0xD500];
	_ =	sdelay $0x1  }
0x16c: {  	v4 =	vld [tilespmem:s9+$0xD580]  }
0x16d: {  	v1 =	vadd.f32 v1, v2  }
0x16e: {  	v2 =	vld [tilespmem:s9+$0xD600]  }
0x16f: {  	v1 =	vadd.f32 v3, v1  }
0x170: {  	v3 =	vld [tilespmem:s9+$0xD680]  }
0x171: {  	v1 =	vadd.f32 v4, v1  }
0x172: {  	v4 =	vld [tilespmem:s9+$0xD700]  }
0x173: {  	v1 =	vadd.f32 v2, v1  }
0x174: {  	v2 =	vld [tilespmem:s9+$0xD780]  }
0x175: {  	v1 =	vadd.f32 v3, v1  }
0x176: {  	v3 =	vld [tilespmem:s9+$0xE800]  }
0x177: {  	v1 =	vadd.f32 v4, v1  }
0x178: {  	v4 =	vld [tilespmem:s9+$0xE880]  }
0x179: {  	v1 =	vadd.f32 v2, v1  }
0x17a: {  	v2 =	vld [tilespmem:s9+$0xE900]  }
0x17b: {  	v1 =	vadd.f32 v3, v1  }
0x17c: {  	v3 =	vld [tilespmem:s9+$0xE980]  }
0x17d: {  	v1 =	vadd.f32 v4, v1  }
0x17e: {  	v4 =	vld [tilespmem:s9+$0xEA00]  }
0x17f: {  	v1 =	vadd.f32 v2, v1  }
0x180: {  	v2 =	vld [tilespmem:s9+$0xEA80]  }
0x181: {  	v1 =	vadd.f32 v3, v1  }
0x182: {  	v3 =	vld [tilespmem:s9+$0xEB00]  }
0x183: {  	v1 =	vadd.f32 v4, v1  }
0x184: {  	v4 =	vld [tilespmem:s9+$0xEB80]  }
0x185: {  	v1 =	vadd.f32 v2, v1;
	_ =	sdelay $0x1  }
.Ltmp4:
0x186: {  	v1 =	vadd.f32 v3, v1;
	(pc) =	sbr.rel @p1 .LBB2_9-.Ltmp4, $4  }
0x187: {  	_ = 	snop  }
0x188: {  	s10 =	sadd.s32 $0x80, s10;
	v1 =	vadd.f32 v4, v1  }
0x189: {  	s5 =	sadd.s32 $0x10, s5;
	s12 =	sand.u32 $0x1C00, s10;
	s9 =	sand.u32 $0x70, s11  }
0x18a: {  	s11 =	sadd.s32 $0x10, s11;
	s9 =	sor.u32 s9, s12;
	[tilespmem:s5+$0x0] =	vst v1  }
0x18b: {  	v1 =	vld [tilespmem:s9+$0xD480]  }
0x18c: {  	v2 =	vld [tilespmem:s9+$0xD400];
	_ =	sdelay $0x1  }
0x18d: {  	v3 =	vld [tilespmem:s9+$0xD500];
	_ =	sdelay $0x1  }
0x18e: {  	v4 =	vld [tilespmem:s9+$0xD580]  }
0x18f: {  	v1 =	vadd.f32 v1, v2  }
0x190: {  	v2 =	vld [tilespmem:s9+$0xD600]  }
0x191: {  	v1 =	vadd.f32 v3, v1  }
0x192: {  	v3 =	vld [tilespmem:s9+$0xD680]  }
0x193: {  	v1 =	vadd.f32 v4, v1  }
0x194: {  	v60 =	vld [tilespmem:s9+$0xD700]  }
0x195: {  	v1 =	vadd.f32 v2, v1  }
0x196: {  	v2 =	vld [tilespmem:s9+$0xD780]  }
0x197: {  	v1 =	vadd.f32 v3, v1  }
0x198: {  	v3 =	vld [tilespmem:s9+$0xE800]  }
0x199: {  	v1 =	vadd.f32 v60, v1  }
0x19a: {  	v61 =	vld [tilespmem:s9+$0xE880]  }
0x19b: {  	v1 =	vadd.f32 v2, v1  }
0x19c: {  	v2 =	vld [tilespmem:s9+$0xE900]  }
0x19d: {  	v1 =	vadd.f32 v3, v1  }
0x19e: {  	v3 =	vld [tilespmem:s9+$0xE980]  }
0x19f: {  	v1 =	vadd.f32 v61, v1  }
0x1a0: {  	v62 =	vld [tilespmem:s9+$0xEA00]  }
0x1a1: {  	v1 =	vadd.f32 v2, v1  }
0x1a2: {  	v2 =	vld [tilespmem:s9+$0xEA80]  }
0x1a3: {  	v1 =	vadd.f32 v3, v1  }
0x1a4: {  	v3 =	vld [tilespmem:s9+$0xEB00]  }
0x1a5: {  	v1 =	vadd.f32 v62, v1  }
0x1a6: {  	v63 =	vld [tilespmem:s9+$0xEB80]  }
0x1a7: {  	v1 =	vadd.f32 v2, v1;
	_ =	sdelay $0x1  }
0x1a8: {  	v1 =	vadd.f32 v3, v1;
	_ =	sdelay $0x1  }
0x1a9: {  	v1 =	vadd.f32 v63, v1  }
0x1aa: {  	s5 =	sadd.s32 $0x10, s5  }
0x1ab: {  	s10 =	rddreg [dreg:$0x15];
	s11 =	simm.s32 $0xFC00;
	[tilespmem:s5+$0x0] =	vst v1  }
0x1ac: {  	[hbm4b:s10+s1] =	stream.linear.scatter [tilespmem:s11], [sflag:$0x1], $0x280, $0x38;
	[tilespmem:$0x12680] =	vst v63  }
0x1ad: {  	_ =	swait.ge [sflag:s3], $0x280  }
0x1ae: {  	s4 =	sadd.s32 $0x1, s4;
	s12 =	rddreg [dreg:$0x18]  }
0x1af: {  	p1 =	sne.s32 s4, s12  }
.Ltmp5:
0x1b0: {  	_ = 	snop;
	(pc) =	sbr.rel @p1 .LBB2_1-.Ltmp5, $3  }
0x1b1: {  	_ =	sdelay $0x1  }
0x1b2: {  	[sflag:s3] =	ssyncset.done $0x0  }
0x1b3: {  	[sflag:s3] =	ssyncadd.s32 $0xFFFFFD80  }
0x1b4: {  	_ =	sfence.sel $0x180000  }
0x1b5: {  	[bflag:$0x0] =	sbarrier.arrive $0xFFFF  }
0x1b6: {  	_ =	strace $0x90000047  }
0x1b7: {  	s0 =	stileid.u32;
	[bflag:$0x2] =	sbarrier.arrive $0xFFFF  }
0x1b8: {  	p0 =	sne.s32 s0, $0x0;
	s0 =	rddreg [dreg:$0x2]  }
0x1b9: {  	s0 =	sadd.s32 @!p0 $0x100000, s0  }
0x1ba: {  	[sflag:s0] =	ssyncadd.tile.s32 @!p0 $0x1;
	_ =	shalt  }
.Lfunc_end2:
_tile_overlayer_lowered:
.L_overlay_start_2:
0x1bb: {  	(tag) =	ssettag $0x2  }
0x1bc: {  	s0 =	rddreg [dreg:$0x0];
	s2 =	stileid.u32  }
0x1bd: {  	s1 =	rddreg [dreg:$0x1];
	p0 =	sne.s32 s2, $0x0  }
0x1be: {  	s3 =	rddreg [dreg:$0x2];
	[bflag:$0x3] =	sbarrier.arrive $0xFFFF;
	s2 =	simm.s32 @!p0 $0x1C01  }
0x1bf: {  	[timem:s3], [sflag:s2] =	dma.local @!p0 [hbm:s0], s1  }
0x1c0: {  	s0 =	simm.s32 @!p0 $0x1  }
0x1c1: {  	_ =	swait.ge @!p0 [sflag:s0], s1  }
0x1c2: {  	s1 =	ssub.s32 @!p0 $0x0, s1;
	[sflag:s0] =	ssyncset.done @!p0 $0x0  }
0x1c3: {  	[sflag:s0] =	ssyncadd.s32 @!p0 s1  }
0x1c4: {  	[bflag:$0x3] =	sbarrier.arrive $0xFFFF  }
0x1c5: {  	_ =	shalt  }

// kernel: kernel.9.cloned.1.call-start
scs
__scs_entry_jumppad:
0x0: {  	(pc) =	sbr.rel $0x88, $3  }
0x1: {  	(tag) =	ssettag $0x0;
	lr =	simm.s32 $0x1  }
0x2: {  	[smem:$0x3F9B] =	sst lr;
	_ =	strace $0xD0000000  }
0x3: {  	_ = 	snop  }
0x4: {  	_ = 	snop  }
0x5: {  	_ = 	snop  }
0x6: {  	_ = 	snop  }
0x7: {  	_ = 	snop  }
__scs_overlays_trampoline_lowered:
0x8: {  	[smem:$0x3FAA] =	sst s0  }
0x9: {  	[smem:$0x3FAB] =	sst s1  }
0xa: {  	[smem:$0x3FAC] =	sst s2  }
0xb: {  	[smem:$0x3FAD] =	sst s3  }
0xc: {  	[smem:$0x3FAE] =	sst s4  }
0xd: {  	[smem:$0x3FAF] =	sst s5  }
0xe: {  	[smem:$0x3FB0] =	sst s6  }
0xf: {  	[smem:$0x3FB1] =	sst s7  }
0x10: {  	[smem:$0x3FB2] =	sst s8  }
0x11: {  	[smem:$0x3FB3] =	sst s9;
	s0 =	simm.s32 @!p0 $0x0  }
0x12: {  	s1 =	sld [smem:$0x3F99];
	s0 =	simm.s32 @p0 $0x1  }
0x13: {  	[smem:$0x3FB4] =	sst s0;
	s0 =	simm.s32 @!p1 $0x0  }
0x14: {  	s2 =	sld [smem:$0x3F98];
	s0 =	simm.s32 @p1 $0x1  }
0x15: {  	[smem:$0x3FB5] =	sst s0;
	s0 =	simm.s32 @!p2 $0x0  }
0x16: {  	s3 =	sld [smem:$0x3FDB];
	s0 =	simm.s32 @p2 $0x1  }
0x17: {  	s4 =	simm.s32 $0x1BF5;
	[smem:$0x3FB7] =	sst s0  }
0x18: {  	s0 =	sld [smem:$0x3F9A];
	_ =	swait.ge [sflag:s4], $0x0  }
0x19: {  	s7 =	sld [smem:$0x3F9B]  }
0x1a: {  	s8 =	sadd.s32 $0xFFFFE003, lr  }
0x1b: {  	s9 =	sadd.s32 $0xFFFFFEF7, lr;
	s5 =	simm.s32 $0xFFFFFFFF;
	p2 =	slt.u32 s8, $0xFFFFF086  }
0x1c: {  	p1 =	slt.u32 s9, $0xF7A;
	s5 =	simm.s32 @!p2 $0x0  }
0x1d: {  	s5 =	simm.s32 @p1 $0x1;
	p0 =	seq.s32 s7, s2  }
0x1e: {  	s7 =	smul.u32 @!p0 $0xF7A, s2;
	p2 =	seq.s32 @!p0 s5, $0x0  }
0x1f: {  	s9 =	smul.u32 $0xF7A, s1;
	s8 =	simm.s32 @!p0 $0x1BF5;
	p2 =	por !p2, p0  }
0x20: {  	[sflag:s8] =	ssyncset.s32 @!p0 $0xFFFFF086;
	s6 =	sadd.s32 @!p0 s3, s7;
	s7 =	simm.s32 @!p0 $0x108  }
0x21: {  	s3 =	sadd.s32 s3, s9;
	s6 =	sadd.s32 @!p0 $0x88, s6;
	s7 =	simm.s32 @p2 $0x1082  }
0x22: {  	[simem:s7], [sflag:s8] =	dma.local @!p0 [hbm:s6], $0xF7A  }
0x23: {  	s9 =	sor.u32 $0xD0000000, s2;
	s6 =	simm.s32 $0x108;
	_ =	swait.ge @!p0 [sflag:s8], $0x0  }
0x24: {  	s3 =	sadd.s32 $0x88, s3;
	s6 =	simm.s32 @!p1 $0x1082;
	[sflag:s4] =	ssyncset.s32 $0xFFFFF086  }
0x25: {  	[simem:s6], [sflag:s4] =	dma.local [hbm:s3], $0xF7A  }
0x26: {  	[smem:$0x3F9B] =	sst s1;
	(tag) =	ssettag s2;
	_ =	strace s9  }
0x27: {  	s1 =	sld [smem:$0x3FAB]  }
0x28: {  	s2 =	sld [smem:$0x3FAC]  }
0x29: {  	s4 =	sld [smem:$0x3FAE]  }
0x2a: {  	p0 =	seq.s32 s5, $0x0;
	s5 =	sld [smem:$0x3FAF]  }
0x2b: {  	s6 =	sld [smem:$0x3FB0]  }
0x2c: {  	s7 =	sld [smem:$0x3FB1]  }
0x2d: {  	s3 =	simm.s32 $0x108;
	s8 =	sld [smem:$0x3FB2]  }
0x2e: {  	s3 =	simm.s32 @!p0 $0x1082;
	s9 =	sld [smem:$0x3FB3]  }
0x2f: {  	lr =	sadd.s32 s0, s3;
	s0 =	sld [smem:$0x3FAA]  }
0x30: {  	s3 =	sld [smem:$0x3FAD]  }
0x31: {  	[smem:$0x3FB6] =	sst s10  }
0x32: {  	s10 =	sld [smem:$0x3FB4];
	_ =	sdelay $0x3  }
0x33: {  	p0 =	seq.s32 s10, $0x1;
	s10 =	sld [smem:$0x3FB6];
	_ =	sdelay $0x3  }
0x34: {  	[smem:$0x3FB6] =	sst s10  }
0x35: {  	s10 =	sld [smem:$0x3FB5];
	_ =	sdelay $0x3  }
0x36: {  	p1 =	seq.s32 s10, $0x1;
	s10 =	sld [smem:$0x3FB6];
	_ =	sdelay $0x3  }
0x37: {  	[smem:$0x3FB6] =	sst s10  }
0x38: {  	s10 =	sld [smem:$0x3FB7]  }
0x39: {  	_ = 	snop;
	(pc) =	sbr.ind lr, $3  }
0x3a: {  	_ = 	snop  }
0x3b: {  	_ = 	snop  }
0x3c: {  	p2 =	seq.s32 s10, $0x1;
	s10 =	sld [smem:$0x3FB6]  }
0x3d: {  	_ =	shalt  }
0x3e: {  	_ =	shalt  }
0x3f: {  	_ =	shalt  }
0x40: {  	_ =	shalt  }
0x41: {  	_ =	shalt  }
0x42: {  	_ =	shalt  }
0x43: {  	_ =	shalt  }
0x44: {  	_ =	shalt  }
0x45: {  	_ =	shalt  }
0x46: {  	_ =	shalt  }
0x47: {  	_ =	shalt  }
0x48: {  	_ =	shalt  }
0x49: {  	_ =	shalt  }
0x4a: {  	_ =	shalt  }
0x4b: {  	_ =	shalt  }
0x4c: {  	_ =	shalt  }
0x4d: {  	_ =	shalt  }
0x4e: {  	_ =	shalt  }
0x4f: {  	_ =	shalt  }
0x50: {  	_ =	shalt  }
0x51: {  	_ =	shalt  }
0x52: {  	_ =	shalt  }
0x53: {  	_ =	shalt  }
0x54: {  	_ =	shalt  }
0x55: {  	_ =	shalt  }
0x56: {  	_ =	shalt  }
0x57: {  	_ =	shalt  }
0x58: {  	_ =	shalt  }
0x59: {  	_ =	shalt  }
0x5a: {  	_ =	shalt  }
0x5b: {  	_ =	shalt  }
0x5c: {  	_ =	shalt  }
0x5d: {  	_ =	shalt  }
0x5e: {  	_ =	shalt  }
0x5f: {  	_ =	shalt  }
0x60: {  	_ =	shalt  }
0x61: {  	_ =	shalt  }
0x62: {  	_ =	shalt  }
0x63: {  	_ =	shalt  }
0x64: {  	_ =	shalt  }
0x65: {  	_ =	shalt  }
0x66: {  	_ =	shalt  }
0x67: {  	_ =	shalt  }
0x68: {  	_ =	shalt  }
0x69: {  	_ =	shalt  }
0x6a: {  	_ =	shalt  }
0x6b: {  	_ =	shalt  }
0x6c: {  	_ =	shalt  }
0x6d: {  	_ =	shalt  }
0x6e: {  	_ =	shalt  }
0x6f: {  	_ =	shalt  }
0x70: {  	_ =	shalt  }
0x71: {  	_ =	shalt  }
0x72: {  	_ =	shalt  }
0x73: {  	_ =	shalt  }
0x74: {  	_ =	shalt  }
0x75: {  	_ =	shalt  }
0x76: {  	_ =	shalt  }
0x77: {  	_ =	shalt  }
0x78: {  	_ =	shalt  }
0x79: {  	_ =	shalt  }
0x7a: {  	_ =	shalt  }
0x7b: {  	_ =	shalt  }
0x7c: {  	_ =	shalt  }
0x7d: {  	_ =	shalt  }
0x7e: {  	_ =	shalt  }
0x7f: {  	_ =	shalt  }
0x80: {  	_ =	shalt  }
0x81: {  	_ =	shalt  }
0x82: {  	_ =	shalt  }
0x83: {  	_ =	shalt  }
0x84: {  	_ =	shalt  }
0x85: {  	_ =	shalt  }
0x86: {  	_ =	shalt  }
0x87: {  	_ =	shalt  }
.Lfunc_end0:
.L_simem_size_0:
called_computation.1_lowered:
.L_overlay_start_0:
0x88: {  	s2 =	sld [smem:$0x3FD9]  }
0x89: {  	s3 =	sld [smem:$0x3FFE];
	_ =	sdelay $0x1  }
0x8a: {  	s1 =	srdreg.scid  }
0x8b: {  	s0 =	sand.u32 $0x1, s1  }
0x8c: {  	s16 =	sshll.u32 s0, $0xA;
	s2 =	sadd.s32 s3, s2  }
0x8d: {  	s2 =	sadd.s32 s2, s16  }
0x8e: {  	[smem:$0x3FC2] =	sst s2  }
0x8f: {  	_ = 	snop  }
0x90: {  	(tm) =	ssettm $0x1  }
0x91: {  	s17 =	sld [smem:$0x3FFB];
	_ =	sdelay $0x3  }
0x92: {  	_ =	strace s17  }
0x93: {  	s2 =	sld [smem:$0x3FFC];
	_ =	sdelay $0x3  }
0x94: {  	_ =	strace s2  }
0x95: {  	s2 =	sld [smem:$0x3FFD];
	_ =	sdelay $0x3  }
0x96: {  	_ =	strace s2  }
0x97: {  	_ =	strace $0x8FFFFFFF  }
0x98: {  	s18 =	sld [smem:$0x3FDB];
	_ =	sdelay $0x1  }
0x99: {  	s19 =	simm.s32 $_scs_section_size  }
0x9a: {  	s4 =	simm.s32 $_size__tile_overlayer_lowered;
	s5 =	simm.s32 $_tile_overlayer_lowered  }
0x9b: {  	s22 =	simm.s32 $0x1BFF;
	s21 =	sshll.u32 s5, $0x1;
	s2 =	sadd.s32 s19, s18  }
0x9c: {  	s6 =	simm.s32 $0x0;
	s20 =	sshll.u32 s4, $0x1;
	s4 =	sadd.s32 s21, s2  }
0x9d: {  	[timem:s6], [sflag:s22] =	dma.local [hbm:s4], s20  }
0x9e: {  	_ =	swait.ge [sflag:s22], s20  }
0x9f: {  	s3 =	ssub.s32 $0x0, s20;
	[sflag:s22] =	ssyncset.done $0x0  }
0xa0: {  	[sflag:s22] =	ssyncadd.s32 s3;
	_ =	sdelay $0x1  }
0xa1: {  	s23 =	simm.s32 $0x1B8B  }
0xa2: {  	_ =	swait.ge [sflag:s23], $0x1  }
0xa3: {  	[sflag:s23] =	ssyncset.done $0x0  }
0xa4: {  	s25 =	simm.s32 $0x1B8E;
	s24 =	sld [smem:$0x3FFE];
	[sflag:s23] =	ssyncadd.s32 $0xFFFFFFFF  }
0xa5: {  	s26 =	simm.s32 $execute0_lowered;
	[smem:$0x3FD2] =	sst s25  }
0xa6: {  	s4 =	sshll.u32 s26, $0x1;
	_ =	strace $0x80000049;
	[dreg:$0x1] =	wrdreg $0xFFFFFFFF  }
0xa7: {  	s28 =	simm.s32 $_size_execute0_lowered;
	s2 =	sadd.s32 s2, s4;
	[dreg:$0x0] =	wrdreg $0x0  }
0xa8: {  	s4 =	sshll.u32 s28, $0x1;
	[dreg:$0x2] =	wrdreg s2  }
0xa9: {  	[dreg:$0x3] =	wrdreg s4  }
0xaa: {  	[dreg:$0x4] =	wrdreg $0xC0  }
0xab: {  	_ =	task [dreg:s6], $0x5FFFF  }
0xac: {  	[dreg:$0x1] =	wrdreg $0xFFFFFFFF  }
0xad: {  	[dreg:$0x0] =	wrdreg $0x60  }
0xae: {  	[dreg:$0x2] =	wrdreg s24  }
0xaf: {  	[dreg:$0x3] =	wrdreg $0xB4000  }
0xb0: {  	[dreg:$0x4] =	wrdreg $0x9  }
0xb1: {  	_ =	task.clear_ibuf [dreg:s6], $0x5FFFF;
	_ =	strace $0x90000049  }
0xb2: {  	s29 =	simm.s32 $0x9;
	_ =	strace $0x8000004B  }
0xb3: {  	_ =	swait.ge [sflag:s29], $0x1  }
0xb4: {  	[sflag:s29] =	ssyncadd.s32 $0xFFFFFFFF  }
0xb5: {  	_ =	strace $0x9000004B  }
0xb6: {  	_ =	sfence  }
0xb7: {  	s30 =	sld [smem:$0x0];
	_ =	sdelay $0x2  }
0xb8: {  	s31 =	sshll.u32 s1, $0xD;
	s1 =	sshrl.u32 s1, $0x2  }
0xb9: {  	s3 =	sand.u32 $0x4000, s31;
	s1 =	sadd.s32 s1, s30  }
0xba: {  	s0 =	sor.u32 s3, s0;
	s1 =	sshll.u32 s1, $0x11  }
0xbb: {  	s0 =	sor.u32 s1, s0  }
0xbc: {  	s0 =	sadd.s32 $0x8F2B, s0  }
0xbd: {  	[sflag:s0] =	ssyncadd.remote.s32 $0x1  }
0xbe: {  	_ =	sfence.sel $0xFFFF  }
0xbf: {  	[dreg:$0x0] =	wrdreg $0xFFFFFFFF;
	(pc) =	sbr.abs _section_cstart, $3  }
0xc0: {  	[dreg:$0x1] =	wrdreg $0xFFFFFFFF  }
0xc1: {  	_ =	task.clear_ibuf [dreg:s6], $0x2FFFF;
	_ =	strace $0x9FFFFFFF  }
0xc2: {  	(tm) =	ssettm $0x7FFFFFFF  }
0xc3: {  	_ =	shalt  }
tec
execute0_lowered:
.L_overlay_start_1:
0x0: {  	(tag) =	ssettag $0x1  }
0x1: {  	s9 =	rddreg [dreg:$0x0]  }
0x2: {  	s2 =	rddreg [dreg:$0x1]  }
0x3: {  	s0 =	rddreg [dreg:$0x2]  }
0x4: {  	s3 =	simm.s32 $0x0;
	s1 =	stileid.u32;
	s7 =	srdreg.scid  }
0x5: {  	s17 =	simm.s32 $0x400;
	s18 =	simm.s32 $0x80;
	s19 =	simm.s32 $0x3400  }
0x6: {  	s20 =	simm.s32 $0x7400;
	s21 =	simm.s32 $0x0;
	[smem:$0x7FF] =	sst s3  }
0x7: {  	s4 =	smul.u32 $0x2C00, s1;
	s5 =	sadd.s32 $0x22000, s9;
	s6 =	sadd.s32 $0xC000, s9  }
0x8: {  	s7 =	sand.u32 $0x1, s7;
	s10 =	smul.u32 $0x4F000, s1;
	s15 =	sshll.u32 s1, $0x6  }
0x9: {  	_ =	strace $0x8000004A;
	s12 =	ssub.s32 $0x2, s7;
	s15 =	sor.u32 $0x1C04, s15  }
.Ltmp0:
0xa: {  	s8 =	sshrl.u32 s4, $0x3;
	s13 =	sshrl.u32 s12, $0x1;
	(pc) =	sbr.rel .LBB2_1-.Ltmp0, $4  }
0xb: {  	s14 =	sshrl.u32 s10, $0x2;
	s11 =	sadd.s32 s8, s9;
	s8 =	sadd.s32 $0xA00, s9  }
0xc: {  	s9 =	sadd.s32 $0xBE400, s9;
	s12 =	ssub.s32 s12, s13;
	s16 =	sadd.s32 s14, s2  }
0xd: {  	s13 =	simm.s32 $0x800;
	s14 =	simm.s32 $0x4;
	s10 =	sadd.s32 $0x6800, s11  }
0xe: {  	s11 =	smul.u32 $0x13C00, s1;
	s12 =	smax.u32 s12, $0x1;
	s16 =	sshrl.u32 s16, $0x3  }
.LBB2_9:
0xf: {  	s21 =	sadd.s32 $0x1, s21  }
0x10: {  	p0 =	sne.s32 s21, s12  }
.Ltmp1:
0x11: {  	_ = 	snop;
	(pc) =	sbr.rel @!p0 .LBB2_10-.Ltmp1, $1  }
0x12: {  	_ =	sdelay $0x3  }
.LBB2_1:
.Ltmp2:
0x13: {  	(pc) =	sbr.rel .LBB2_2-.Ltmp2, $4  }
0x14: {  	[tilespmem:s13], [sflag:$0x4] =	stream.linear.gather [hbm4b:s10+s3], $0x2C00, $0x38;
	[tilespmem:$0x1F000] =	vst v63  }
0x15: {  	_ =	swait.ge [sflag:s14], $0x2C00  }
0x16: {  	[sflag:s14] =	ssyncset.done $0x0  }
0x17: {  	p1 =	por $0x1, $0x1;
	s22 =	simm.s32 $0x0;
	[sflag:s14] =	ssyncadd.s32 $0xFFFFD400  }
.LBB2_8:
0x18: {  	s22 =	smul.u32 $0x13C000, s22;
	_ =	sdelay $0x1  }
0x19: {  	s22 =	sadd.s32 s11, s22  }
0x1a: {  	s22 =	sshrl.u32 s22, $0x3  }
.Ltmp3:
0x1b: {  	[bflag:$0x0] =	sbarrier.arrive $0xFFFF;
	s22 =	sadd.s32 s9, s22;
	(pc) =	sbr.rel @!p0 .LBB2_9-.Ltmp3, $4  }
0x1c: {  	[hbm:s22], [sflag:s15] =	dma.local [spmem:s16], $0x2780  }
0x1d: {  	_ =	swait.ge [sflag:s14], $0x2780  }
0x1e: {  	[sflag:s14] =	ssyncset.done $0x0  }
0x1f: {  	p1 =	por $0x0, $0x0;
	s22 =	simm.s32 $0x2;
	[sflag:s14] =	ssyncadd.s32 $0xFFFFD880  }
.LBB2_2:
0x20: {  	s22 =	sor.u32 s7, s22  }
0x21: {  	[spmem:s16], [sflag:s15] =	dma.local [hbm:s8], $0x2780  }
0x22: {  	s23 =	smul.u32 $0x2C000, s22  }
0x23: {  	_ =	swait.ge [sflag:s14], $0x2780  }
0x24: {  	[sflag:s14] =	ssyncset.done $0x0;
	s24 =	sadd.s32 s4, s23  }
0x25: {  	[sflag:s14] =	ssyncadd.s32 $0xFFFFD880;
	s23 =	sshrl.u32 s24, $0x3  }
0x26: {  	[bflag:$0x0] =	sbarrier.arrive $0xFFFF;
	s25 =	sadd.s32 s6, s23;
	s23 =	simm.s32 $0x0  }
0x27: {  	[tilespmem:s23], [sflag:$0x4] =	stream.linear.gather [hbm4b:s25+s23], $0x400, $0x38;
	[tilespmem:$0x1F000] =	vst v63  }
0x28: {  	_ =	swait.ge [sflag:s14], $0x400  }
0x29: {  	[sflag:s14] =	ssyncset.done $0x0  }
0x2a: {  	s25 =	sadd.s32 $0x80, s25;
	[sflag:s14] =	ssyncadd.s32 $0xFFFFFC00  }
0x2b: {  	[tilespmem:s17], [sflag:$0x3] =	stream.linear.gather [hbm4b:s25+s23], $0x400, $0x38;
	[tilespmem:$0x1F000] =	vst v63  }
.Ltmp4:
0x2c: {  	_ = 	snop;
	(pc) =	sbr.rel .LBB2_3-.Ltmp4, $4  }
0x2d: {  	_ = 	snop  }
0x2e: {  	[tilespmem:s19], [sflag:$0x1] =	stream.indirect.gather [hbm4b:s5+s18], $0x80, s23, s18, $0xb8;
	[tilespmem:$0x1F000] =	vst v63  }
0x2f: {  	p0 =	por p1, p1;
	s24 =	sadd.s32 $0x800, s24;
	s25 =	simm.s32 $0x0  }
0x30: {  	[tilespmem:s20], [sflag:$0x2] =	stream.indirect.gather [hbm4b:s5+s18], $0x80, s18, s18, $0xb8;
	[tilespmem:$0x1F000] =	vst v63  }
.LBB2_4:
0x31: {  	s29 =	sshrl.u32 s25, $0x3  }
0x32: {  	s29 =	sshll.u32 s29, $0xA  }
0x33: {  	s30 =	sadd.s32 s29, s24  }
0x34: {  	s30 =	sshrl.u32 s30, $0x3  }
0x35: {  	s29 =	sand.u32 $0x400, s29;
	s30 =	sadd.s32 s6, s30  }
0x36: {  	[tilespmem:s29], [sflag:$0x3] =	stream.linear.gather [hbm4b:s30+s3], $0x400, $0x38;
	[tilespmem:$0x1F000] =	vst v63  }
.LBB2_6:
0x37: {  	s29 =	sadd.s32 $0x400, s23  }
0x38: {  	s29 =	sand.u32 $0x1E00, s29  }
0x39: {  	s29 =	sshrl.u32 s29, $0x2  }
0x3a: {  	[tilespmem:s28], [sflag:s26] =	stream.indirect.gather [hbm4b:s5+s18], $0x80, s29, s18, $0xb8;
	[tilespmem:$0x1F000] =	vst v63  }
.LBB2_7:
0x3b: {  	s25 =	sadd.s32 $0x1, s25  }
0x3c: {  	p1 =	sne.s32 s25, $0x58  }
.Ltmp5:
0x3d: {  	_ = 	snop;
	(pc) =	sbr.rel @!p1 .LBB2_8-.Ltmp5, $2  }
0x3e: {  	_ =	sdelay $0x2  }
0x3f: {  	s23 =	sadd.s32 $0x200, s23  }
.LBB2_3:
0x40: {  	s28 =	sand.u32 $0x1, s25  }
0x41: {  	s26 =	sadd.s32 $0x1, s28  }
0x42: {  	_ =	swait.ge [sflag:s26], $0x4000  }
0x43: {  	s29 =	sshra.s32 s23, $0x2;
	s28 =	sshll.u32 s28, $0xE;
	[sflag:s26] =	ssyncset.done $0x0  }
0x44: {  	s29 =	sadd.s32 $0x800, s29;
	s28 =	sor.u32 $0x3400, s28;
	[sflag:s26] =	ssyncadd.s32 $0xFFFFC000  }
0x45: {  	[spmem:s2] =	stream.indirect.scatter.add.f32 [tilespmem:s28], [sflag:$0x4], $0x80, s29, s18, $0xb8;
	[tilespmem:$0x1F000] =	vst v63  }
0x46: {  	p1 =	sgt.u32 s25, $0x4F;
	s29 =	sand.u32 $0x7, s25  }
0x47: {  	p2 =	sne.s32 @!p1 s29, $0x6  }
0x48: {  	p1 =	por p2, p1;
	p2 =	sgt.u32 s25, $0x47  }
0x49: {  	p3 =	sne.s32 @!p2 s29, $0x6  }
0x4a: {  	_ =	swait.ge [sflag:s14], $0x4000;
	p2 =	por p2, p3  }
.Ltmp6:
0x4b: {  	[sflag:s14] =	ssyncset.done $0x0;
	(pc) =	sbr.rel @!p2 .LBB2_4-.Ltmp6, $4  }
0x4c: {  	[sflag:s14] =	ssyncadd.s32 $0xFFFFC000;
	s30 =	simm.s32 @!p1 $0x3  }
0x4d: {  	_ =	swait.ge @!p1 [sflag:s30], $0x400  }
0x4e: {  	[sflag:s30] =	ssyncset.done @!p1 $0x0  }
0x4f: {  	[sflag:s30] =	ssyncadd.s32 @!p1 $0xFFFFFC00  }
0x50: {  	p1 =	sgt.u32 s25, $0x55  }
.Ltmp7:
0x51: {  	_ = 	snop;
	(pc) =	sbr.rel @p1 .LBB2_7-.Ltmp7, $4  }
.Ltmp8:
0x52: {  	_ = 	snop;
	(pc) =	sbr.rel @!p1 .LBB2_6-.Ltmp8, $4  }
0x53: {  	_ = 	snop  }
0x54: {  	_ = 	snop  }
0x55: {  	_ = 	snop  }
0x56: {  	_ = 	snop  }
.LBB2_10:
0x57: {  	_ =	sfence.sel $0x180000  }
0x58: {  	[bflag:$0x0] =	sbarrier.arrive $0xFFFF  }
0x59: {  	p0 =	sne.s32 s1, $0x0;
	_ =	strace $0x9000004A  }
0x5a: {  	s0 =	sadd.s32 @!p0 $0x100000, s0;
	[bflag:$0x2] =	sbarrier.arrive $0xFFFF  }
0x5b: {  	[sflag:s0] =	ssyncadd.tile.s32 @!p0 $0x1;
	_ =	shalt  }
.Lfunc_end2:
_tile_overlayer_lowered:
.L_overlay_start_2:
0x5c: {  	(tag) =	ssettag $0x2  }
0x5d: {  	s0 =	rddreg [dreg:$0x0];
	s2 =	stileid.u32  }
0x5e: {  	s1 =	rddreg [dreg:$0x1];
	p0 =	sne.s32 s2, $0x0  }
0x5f: {  	s3 =	rddreg [dreg:$0x2];
	[bflag:$0x3] =	sbarrier.arrive $0xFFFF;
	s2 =	simm.s32 @!p0 $0x1C04  }
0x60: {  	[timem:s3], [sflag:s2] =	dma.local @!p0 [hbm:s0], s1  }
0x61: {  	s0 =	simm.s32 @!p0 $0x4  }
0x62: {  	_ =	swait.ge @!p0 [sflag:s0], s1  }
0x63: {  	s1 =	ssub.s32 @!p0 $0x0, s1;
	[sflag:s0] =	ssyncset.done @!p0 $0x0  }
0x64: {  	[sflag:s0] =	ssyncadd.s32 @!p0 s1  }
0x65: {  	[bflag:$0x3] =	sbarrier.arrive $0xFFFF  }
0x66: {  	_ =	shalt  }

</sc_bundles>
